<compile_context>
chip_gen: v7x
topology: tpu7x:2x2x1
jax: 0.10.2.dev20260603
libtpu: 0.0.44.dev20260713+nightly
codegen_flags: <defaults>
</compile_context>

<pallas_src>
import functools

import jax
import jax.numpy as jnp
from jax import lax
from jax.experimental import pallas as pl
from jax.experimental.pallas import tpu as pltpu
from jax.experimental.pallas import tpu_sc as plsc

N = 10000
E = 320000
D = 128
DE = 4
NP = 10240
BN = 1024
BE = 8000

NTILES = 32
CH = 128
EPT = E // NTILES
NFULL = EPT // CH
TAIL = EPT - NFULL * CH
RPT = NP // 16


def _prep_body(x_ref, t_ref, hwp_ref, hu_ref):
    ids = x_ref[...]
    oh = (ids == lax.broadcasted_iota(jnp.int32, (BN, D), 1)).astype(jnp.float32)
    r = jnp.dot(oh, t_ref[...], preferred_element_type=jnp.float32)
    hwp_ref[...] = r[:, :D]
    hu_ref[...] = r[:, D:]


def _edge_body(ea_ref, w_ref, b_ref, ew1_ref, ew2_ref):
    r = jnp.dot(ea_ref[...], w_ref[...], preferred_element_type=jnp.float32)
    r = r + b_ref[...]
    ew1_ref[...] = r[:, :D]
    ew2_ref[...] = r[:, D:]


def _up1_body(hu_ref, agg_ref, wu_ref, b_ref, w2_ref, hw2p_ref, hu2_ref):
    agg = agg_ref[0] + agg_ref[1]
    h1 = jnp.maximum(
        hu_ref[...]
        + jnp.dot(agg, wu_ref[...], preferred_element_type=jnp.float32)
        + b_ref[...], 0.0)
    r = jnp.dot(h1, w2_ref[...], preferred_element_type=jnp.float32)
    hw2p_ref[...] = r[:, :D]
    hu2_ref[...] = r[:, D:]


def _up2_body(hu2_ref, agg_ref, wu_ref, b_ref, out_ref):
    i = pl.program_id(0)
    agg = agg_ref[0] + agg_ref[1]
    h2 = jnp.maximum(
        hu2_ref[...]
        + jnp.dot(agg, wu_ref[...], preferred_element_type=jnp.float32)
        + b_ref[...], 0.0)
    rid = i * BN + lax.broadcasted_iota(jnp.int32, (BN, 1), 0)
    h2 = jnp.where(rid < N, h2, 0.0)

    @pl.when(i == 0)
    def _():
        out_ref[...] = jnp.zeros_like(out_ref)

    out_ref[...] += jnp.sum(h2, axis=0, keepdims=True)


def _prep(x_pad, t):
    return pl.pallas_call(
        _prep_body,
        grid=(NP // BN,),
        in_specs=[
            pl.BlockSpec((BN, 1), lambda i: (i, 0)),
            pl.BlockSpec((D, 2 * D), lambda i: (0, 0)),
        ],
        out_specs=[
            pl.BlockSpec((BN, D), lambda i: (i, 0)),
            pl.BlockSpec((BN, D), lambda i: (i, 0)),
        ],
        out_shape=[
            jax.ShapeDtypeStruct((NP, D), jnp.float32),
            jax.ShapeDtypeStruct((NP, D), jnp.float32),
        ],
    )(x_pad, t)


def _edge_pre(edge_attr, w, b):
    return pl.pallas_call(
        _edge_body,
        grid=(E // BE,),
        in_specs=[
            pl.BlockSpec((BE, DE), lambda i: (i, 0)),
            pl.BlockSpec((DE, 2 * D), lambda i: (0, 0)),
            pl.BlockSpec((1, 2 * D), lambda i: (0, 0)),
        ],
        out_specs=[
            pl.BlockSpec((BE, D), lambda i: (i, 0)),
            pl.BlockSpec((BE, D), lambda i: (i, 0)),
        ],
        out_shape=[
            jax.ShapeDtypeStruct((E, D), jnp.float32),
            jax.ShapeDtypeStruct((E, D), jnp.float32),
        ],
    )(edge_attr, w, b)


def _up1(hu1, agg1, wu1t, b_up1, w2):
    return pl.pallas_call(
        _up1_body,
        grid=(NP // BN,),
        in_specs=[
            pl.BlockSpec((BN, D), lambda i: (i, 0)),
            pl.BlockSpec((2, BN, D), lambda i: (0, i, 0)),
            pl.BlockSpec((D, D), lambda i: (0, 0)),
            pl.BlockSpec((1, D), lambda i: (0, 0)),
            pl.BlockSpec((D, 2 * D), lambda i: (0, 0)),
        ],
        out_specs=[
            pl.BlockSpec((BN, D), lambda i: (i, 0)),
            pl.BlockSpec((BN, D), lambda i: (i, 0)),
        ],
        out_shape=[
            jax.ShapeDtypeStruct((NP, D), jnp.float32),
            jax.ShapeDtypeStruct((NP, D), jnp.float32),
        ],
    )(hu1, agg1, wu1t, b_up1, w2)


def _up2(hu2, agg2, wu2t, b_up2):
    return pl.pallas_call(
        _up2_body,
        grid=(NP // BN,),
        in_specs=[
            pl.BlockSpec((BN, D), lambda i: (i, 0)),
            pl.BlockSpec((2, BN, D), lambda i: (0, i, 0)),
            pl.BlockSpec((D, D), lambda i: (0, 0)),
            pl.BlockSpec((1, D), lambda i: (0, 0)),
        ],
        out_specs=pl.BlockSpec((1, D), lambda i: (0, 0)),
        out_shape=jax.ShapeDtypeStruct((1, D), jnp.float32),
    )(hu2, agg2, wu2t, b_up2)


def _sc_agg(hw, ew, src, dst):
    mesh = plsc.VectorSubcoreMesh(core_axis_name="c", subcore_axis_name="s")

    @functools.partial(
        pl.kernel,
        mesh=mesh,
        out_type=jax.ShapeDtypeStruct((2, NP, D), jnp.float32),
        scratch_types=[
            pltpu.VMEM((CH,), jnp.int32),
            pltpu.VMEM((CH,), jnp.int32),
            pltpu.VMEM((CH, D), jnp.float32),
            pltpu.VMEM((CH, D), jnp.float32),
            pltpu.VMEM((TAIL,), jnp.int32),
            pltpu.VMEM((TAIL,), jnp.int32),
            pltpu.VMEM((TAIL, D), jnp.float32),
            pltpu.VMEM((TAIL, D), jnp.float32),
            pltpu.VMEM_SHARED((NP, D), jnp.float32),
            pltpu.SemaphoreType.DMA,
        ],
    )
    def k(hw_hbm, ew_hbm, src_hbm, dst_hbm, out_hbm,
          si, di, mb, gb, si_t, di_t, mb_t, gb_t, agg_sh, sem):
        c = lax.axis_index("c")
        s = lax.axis_index("s")

        def zrow(e, carry):
            for j in range(D // 16):
                mb[e, pl.ds(16 * j, 16)] = jnp.zeros((16,), jnp.float32)
            return carry
        lax.fori_loop(0, CH, zrow, 0)
        for t in range(RPT // CH):
            pltpu.sync_copy(mb, agg_sh.at[pl.ds(s * RPT + t * CH, CH)])
        plsc.subcore_barrier()

        base = (c * 16 + s) * EPT

        def do_chunk(off, n, si, di, mb, gb):
            pltpu.sync_copy(src_hbm.at[pl.ds(off, n)], si)
            pltpu.sync_copy(dst_hbm.at[pl.ds(off, n)], di)
            pltpu.async_copy(hw_hbm.at[si], gb, sem).wait()
            pltpu.sync_copy(ew_hbm.at[pl.ds(off, n)], mb)

            def crow(e, carry):
                for j in range(D // 16):
                    sl = pl.ds(16 * j, 16)
                    mb[e, sl] = jnp.maximum(mb[e, sl] + gb[e, sl], 0.0)
                return carry
            lax.fori_loop(0, n, crow, 0)
            pltpu.sync_copy(mb, agg_sh.at[di], add=True)

        def chunk_body(i, carry):
            do_chunk(base + i * CH, CH, si, di, mb, gb)
            return carry
        lax.fori_loop(0, NFULL, chunk_body, 0)
        do_chunk(base + NFULL * CH, TAIL, si_t, di_t, mb_t, gb_t)

        plsc.subcore_barrier()
        for t in range(RPT // CH):
            r0 = s * RPT + t * CH
            pltpu.sync_copy(agg_sh.at[pl.ds(r0, CH)],
                            out_hbm.at[c, pl.ds(r0, CH)])

    return k(hw, ew, src, dst)


def kernel(x, edge_index, edge_attr, emb, W_msg1, b_msg1, W_msg2, b_msg2,
           W_up1, b_up1, W_up2, b_up2):
    src = edge_index[0]
    dst = edge_index[1]
    x_pad = jnp.pad(x, (0, NP - N)).reshape(NP, 1)

    t1 = emb @ W_msg1[:, :D].T
    tu1 = emb @ W_up1.T
    t = jnp.concatenate([t1, tu1], axis=1)
    we = jnp.concatenate([W_msg1[:, D:].T, W_msg2[:, D:].T], axis=1)
    be = jnp.concatenate([b_msg1, b_msg2]).reshape(1, 2 * D)
    w2 = jnp.concatenate([W_msg2[:, :D].T, W_up2.T], axis=1)

    hw1, hu1 = _prep(x_pad, t)
    ew1, ew2 = _edge_pre(edge_attr, we, be)

    agg1 = _sc_agg(hw1, ew1, src, dst)
    hw2, hu2 = _up1(hu1, agg1, W_up1.T, b_up1.reshape(1, D), w2)
    agg2 = _sc_agg(hw2, ew2, src, dst)
    out = _up2(hu2, agg2, W_up2.T, b_up2.reshape(1, D))
    return out[0] / N

# --- scband reference (transcript-rebuilt; emitter-appended) ---
"""Pipeline reference for scband-simple-graph-encoder-16612933501305 (READ-ONLY COPY).

The authoritative reference and input builder live on the scoring server;
editing this copy changes nothing except your own understanding.
"""

import jax, jax.numpy as jnp
import numpy as np

N_NODES = 10000
N_EDGES = 320000
D = 128
D_EDGE = 4
NUM_ELEMENTS = 128


def setup_inputs(seed: int = 0) -> dict:
    key = jax.random.key(seed)
    ks = jax.random.split(key, 12)
    x = jax.random.randint(ks[0], (N_NODES,), 0, NUM_ELEMENTS, dtype=jnp.int32)
    edge_index = jax.random.randint(ks[1], (2, N_EDGES), 0, N_NODES, dtype=jnp.int32)
    edge_attr = jax.random.normal(ks[2], (N_EDGES, D_EDGE), dtype=jnp.float32)
    emb = jax.random.normal(ks[3], (NUM_ELEMENTS, D), dtype=jnp.float32) * 0.05
    W_msg1 = jax.random.normal(ks[4], (D, D + D_EDGE), dtype=jnp.float32) * 0.05
    b_msg1 = jnp.zeros((D,), dtype=jnp.float32)
    W_msg2 = jax.random.normal(ks[5], (D, D + D_EDGE), dtype=jnp.float32) * 0.05
    b_msg2 = jnp.zeros((D,), dtype=jnp.float32)
    W_up1 = jax.random.normal(ks[6], (D, D), dtype=jnp.float32) * 0.05
    b_up1 = jnp.zeros((D,), dtype=jnp.float32)
    W_up2 = jax.random.normal(ks[7], (D, D), dtype=jnp.float32) * 0.05
    b_up2 = jnp.zeros((D,), dtype=jnp.float32)
    return {
        "x": x, "edge_index": edge_index, "edge_attr": edge_attr,
        "emb": emb,
        "W_msg1": W_msg1, "b_msg1": b_msg1,
        "W_msg2": W_msg2, "b_msg2": b_msg2,
        "W_up1": W_up1, "b_up1": b_up1,
        "W_up2": W_up2, "b_up2": b_up2,
    }


def reference(x, edge_index, edge_attr, emb, W_msg1, b_msg1, W_msg2, b_msg2, W_up1, b_up1, W_up2, b_up2):
    # Node init: embedding lookup
    h = jnp.take(emb, x, axis=0)
    src = edge_index[0]
    dst = edge_index[1]
    # Round 1
    x_src = jnp.take(h, src, axis=0)
    m = jnp.concatenate([x_src, edge_attr], axis=-1)
    m = jax.nn.relu(m @ W_msg1.T + b_msg1)
    agg = jnp.zeros_like(h).at[dst].add(m)
    h = jax.nn.relu((h + agg) @ W_up1.T + b_up1)
    # Round 2
    x_src = jnp.take(h, src, axis=0)
    m = jnp.concatenate([x_src, edge_attr], axis=-1)
    m = jax.nn.relu(m @ W_msg2.T + b_msg2)
    agg = jnp.zeros_like(h).at[dst].add(m)
    h = jax.nn.relu((h + agg) @ W_up2.T + b_up2)
    # Graph readout: mean over nodes
    return h.mean(axis=0)

if __name__ == "__main__":
    import jax
    _d = setup_inputs()
    print(jax.jit(kernel)(*tuple(_d.values())))

</pallas_src>

<mosaic_0001>
#map = affine_map<(d0, d1) -> (0, 0)>
#map1 = affine_map<(d0, d1) -> (0)>
#map2 = affine_map<(d0, d1) -> (0, 0, 0)>
module attributes {stable_mosaic.version = 14 : i64} {
  func.func @k(%arg0: i32, %arg1: i32, %arg2: memref<10240x128xf32, #tpu.memory_space<hbm>>, %arg3: memref<320000x128xf32, #tpu.memory_space<hbm>>, %arg4: memref<320000xi32, #tpu.memory_space<hbm>>, %arg5: memref<320000xi32, #tpu.memory_space<hbm>>, %arg6: memref<2x10240x128xf32, #tpu.memory_space<hbm>>, %arg7: memref<128xi32, #tpu.memory_space<vmem>>, %arg8: memref<128xi32, #tpu.memory_space<vmem>>, %arg9: memref<128x128xf32, #tpu.memory_space<vmem>>, %arg10: memref<128x128xf32, #tpu.memory_space<vmem>>, %arg11: memref<16xi32, #tpu.memory_space<vmem>>, %arg12: memref<16xi32, #tpu.memory_space<vmem>>, %arg13: memref<16x128xf32, #tpu.memory_space<vmem>>, %arg14: memref<16x128xf32, #tpu.memory_space<vmem>>, %arg15: memref<10240x128xf32, #tpu.memory_space<vmem_shared>>, %arg16: memref<!tpu.dma_semaphore, #tpu.memory_space<semaphore_mem>>) attributes {dimension_semantics = [#tpu.dimension_semantics<core_parallel>, #tpu.dimension_semantics<subcore_parallel>], iteration_bounds = array<i64: 2, 16>, scalar_prefetch = 0 : i64, scratch_operands = 10 : i64, tpu.core_type = #tpu.core_type<sc_vector_subcore>, window_params = [{transform_indices = #map}, {transform_indices = #map}, {transform_indices = #map1}, {transform_indices = #map1}, {transform_indices = #map2}]} {
    %scan3A = arith.constant 0 : i32
    %scan3A_0 = arith.constant 0 : i32
    %scan3A_1 = arith.constant 128 : i32
    %scan3A_2 = arith.addi %scan3A_0, %scan3A_1 : i32
    %scan3A_3 = arith.constant 1 : i32
    scf.for %scan3A_67 = %scan3A_0 to %scan3A_2 step %scan3A_3  : i32 {
      %broadcast_in_dim3A = arith.constant 0.000000e+00 : f32
      %broadcast_in_dim3A_68 = vector.broadcast %broadcast_in_dim3A : f32 to vector<16xf32>
      %swap3A = arith.index_cast %scan3A_67 : i32 to index
      %swap3A_69 = arith.constant 0 : index
      %swap3A_70 = tpu.vector_load %arg9[%swap3A, %swap3A_69] {strides = array<i32>} : memref<128x128xf32, #tpu.memory_space<vmem>>, vector<1x16xf32>,
      %swap3A_71 = vector.shape_cast %swap3A_70 : vector<1x16xf32> to vector<16xf32>
      %swap3A_72 = vector.shape_cast %broadcast_in_dim3A_68 : vector<16xf32> to vector<1x16xf32>
      tpu.vector_store %arg9[%swap3A, %swap3A_69], %swap3A_72 {strides = array<i32>} : memref<128x128xf32, #tpu.memory_space<vmem>>, vector<1x16xf32>,
      %broadcast_in_dim3A_73 = arith.constant 0.000000e+00 : f32
      %broadcast_in_dim3A_74 = vector.broadcast %broadcast_in_dim3A_73 : f32 to vector<16xf32>
      %swap3A_75 = arith.index_cast %scan3A_67 : i32 to index
      %swap3A_76 = arith.constant 16 : index
      %swap3A_77 = tpu.vector_load %arg9[%swap3A_75, %swap3A_76] {strides = array<i32>} : memref<128x128xf32, #tpu.memory_space<vmem>>, vector<1x16xf32>,
      %swap3A_78 = vector.shape_cast %swap3A_77 : vector<1x16xf32> to vector<16xf32>
      %swap3A_79 = vector.shape_cast %broadcast_in_dim3A_74 : vector<16xf32> to vector<1x16xf32>
      tpu.vector_store %arg9[%swap3A_75, %swap3A_76], %swap3A_79 {strides = array<i32>} : memref<128x128xf32, #tpu.memory_space<vmem>>, vector<1x16xf32>,
      %broadcast_in_dim3A_80 = arith.constant 0.000000e+00 : f32
      %broadcast_in_dim3A_81 = vector.broadcast %broadcast_in_dim3A_80 : f32 to vector<16xf32>
      %swap3A_82 = arith.index_cast %scan3A_67 : i32 to index
      %swap3A_83 = arith.constant 32 : index
      %swap3A_84 = tpu.vector_load %arg9[%swap3A_82, %swap3A_83] {strides = array<i32>} : memref<128x128xf32, #tpu.memory_space<vmem>>, vector<1x16xf32>,
      %swap3A_85 = vector.shape_cast %swap3A_84 : vector<1x16xf32> to vector<16xf32>
      %swap3A_86 = vector.shape_cast %broadcast_in_dim3A_81 : vector<16xf32> to vector<1x16xf32>
      tpu.vector_store %arg9[%swap3A_82, %swap3A_83], %swap3A_86 {strides = array<i32>} : memref<128x128xf32, #tpu.memory_space<vmem>>, vector<1x16xf32>,
      %broadcast_in_dim3A_87 = arith.constant 0.000000e+00 : f32
      %broadcast_in_dim3A_88 = vector.broadcast %broadcast_in_dim3A_87 : f32 to vector<16xf32>
      %swap3A_89 = arith.index_cast %scan3A_67 : i32 to index
      %swap3A_90 = arith.constant 48 : index
      %swap3A_91 = tpu.vector_load %arg9[%swap3A_89, %swap3A_90] {strides = array<i32>} : memref<128x128xf32, #tpu.memory_space<vmem>>, vector<1x16xf32>,
      %swap3A_92 = vector.shape_cast %swap3A_91 : vector<1x16xf32> to vector<16xf32>
      %swap3A_93 = vector.shape_cast %broadcast_in_dim3A_88 : vector<16xf32> to vector<1x16xf32>
      tpu.vector_store %arg9[%swap3A_89, %swap3A_90], %swap3A_93 {strides = array<i32>} : memref<128x128xf32, #tpu.memory_space<vmem>>, vector<1x16xf32>,
      %broadcast_in_dim3A_94 = arith.constant 0.000000e+00 : f32
      %broadcast_in_dim3A_95 = vector.broadcast %broadcast_in_dim3A_94 : f32 to vector<16xf32>
      %swap3A_96 = arith.index_cast %scan3A_67 : i32 to index
      %swap3A_97 = arith.constant 64 : index
      %swap3A_98 = tpu.vector_load %arg9[%swap3A_96, %swap3A_97] {strides = array<i32>} : memref<128x128xf32, #tpu.memory_space<vmem>>, vector<1x16xf32>,
      %swap3A_99 = vector.shape_cast %swap3A_98 : vector<1x16xf32> to vector<16xf32>
      %swap3A_100 = vector.shape_cast %broadcast_in_dim3A_95 : vector<16xf32> to vector<1x16xf32>
      tpu.vector_store %arg9[%swap3A_96, %swap3A_97], %swap3A_100 {strides = array<i32>} : memref<128x128xf32, #tpu.memory_space<vmem>>, vector<1x16xf32>,
      %broadcast_in_dim3A_101 = arith.constant 0.000000e+00 : f32
      %broadcast_in_dim3A_102 = vector.broadcast %broadcast_in_dim3A_101 : f32 to vector<16xf32>
      %swap3A_103 = arith.index_cast %scan3A_67 : i32 to index
      %swap3A_104 = arith.constant 80 : index
      %swap3A_105 = tpu.vector_load %arg9[%swap3A_103, %swap3A_104] {strides = array<i32>} : memref<128x128xf32, #tpu.memory_space<vmem>>, vector<1x16xf32>,
      %swap3A_106 = vector.shape_cast %swap3A_105 : vector<1x16xf32> to vector<16xf32>
      %swap3A_107 = vector.shape_cast %broadcast_in_dim3A_102 : vector<16xf32> to vector<1x16xf32>
      tpu.vector_store %arg9[%swap3A_103, %swap3A_104], %swap3A_107 {strides = array<i32>} : memref<128x128xf32, #tpu.memory_space<vmem>>, vector<1x16xf32>,
      %broadcast_in_dim3A_108 = arith.constant 0.000000e+00 : f32
      %broadcast_in_dim3A_109 = vector.broadcast %broadcast_in_dim3A_108 : f32 to vector<16xf32>
      %swap3A_110 = arith.index_cast %scan3A_67 : i32 to index
      %swap3A_111 = arith.constant 96 : index
      %swap3A_112 = tpu.vector_load %arg9[%swap3A_110, %swap3A_111] {strides = array<i32>} : memref<128x128xf32, #tpu.memory_space<vmem>>, vector<1x16xf32>,
      %swap3A_113 = vector.shape_cast %swap3A_112 : vector<1x16xf32> to vector<16xf32>
      %swap3A_114 = vector.shape_cast %broadcast_in_dim3A_109 : vector<16xf32> to vector<1x16xf32>
      tpu.vector_store %arg9[%swap3A_110, %swap3A_111], %swap3A_114 {strides = array<i32>} : memref<128x128xf32, #tpu.memory_space<vmem>>, vector<1x16xf32>,
      %broadcast_in_dim3A_115 = arith.constant 0.000000e+00 : f32
      %broadcast_in_dim3A_116 = vector.broadcast %broadcast_in_dim3A_115 : f32 to vector<16xf32>
      %swap3A_117 = arith.index_cast %scan3A_67 : i32 to index
      %swap3A_118 = arith.constant 112 : index
      %swap3A_119 = tpu.vector_load %arg9[%swap3A_117, %swap3A_118] {strides = array<i32>} : memref<128x128xf32, #tpu.memory_space<vmem>>, vector<1x16xf32>,
      %swap3A_120 = vector.shape_cast %swap3A_119 : vector<1x16xf32> to vector<16xf32>
      %swap3A_121 = vector.shape_cast %broadcast_in_dim3A_116 : vector<16xf32> to vector<1x16xf32>
      tpu.vector_store %arg9[%swap3A_117, %swap3A_118], %swap3A_121 {strides = array<i32>} : memref<128x128xf32, #tpu.memory_space<vmem>>, vector<1x16xf32>,
    }
    %scan3A_4 = arith.constant 128 : i32
    %mul3A = arith.constant 640 : i32
    %mul3A_5 = arith.muli %arg1, %mul3A : i32
    %add3A = arith.constant 0 : i32
    %add3A_6 = arith.addi %mul3A_5, %add3A : i32
    "tpu.region"() ({
      %run_scoped3A = tpu.sem_alloc : memref<!tpu.dma_semaphore, #tpu.memory_space<semaphore_mem>>
      %dma_start3A_67 = arith.constant 0 : i32
      %dma_start3A_68 = tpu.memref_slice %arg15[%add3A_6, %dma_start3A_67] : memref<10240x128xf32, #tpu.memory_space<vmem_shared>> -> memref<128x128xf32, #tpu.memory_space<vmem_shared>>
      %dma_start3A_69 = arith.constant 0 : i32
      %dma_start3A_70 = tpu.memref_slice %arg15[%add3A_6, %dma_start3A_69] : memref<10240x128xf32, #tpu.memory_space<vmem_shared>> -> memref<128x128xf32, #tpu.memory_space<vmem_shared>>
      tpu.enqueue_dma source(%arg9 : memref<128x128xf32, #tpu.memory_space<vmem>>) target(%dma_start3A_70 : memref<128x128xf32, #tpu.memory_space<vmem_shared>>) target_semaphore(%run_scoped3A : memref<!tpu.dma_semaphore, #tpu.memory_space<semaphore_mem>>)
      %dma_wait3A_71 = arith.constant 0 : i32
      %dma_wait3A_72 = tpu.memref_slice %arg15[%add3A_6, %dma_wait3A_71] : memref<10240x128xf32, #tpu.memory_space<vmem_shared>> -> memref<128x128xf32, #tpu.memory_space<vmem_shared>>
      %dma_wait3A_73 = arith.constant 0 : i32
      %dma_wait3A_74 = tpu.memref_slice %arg15[%add3A_6, %dma_wait3A_73] : memref<10240x128xf32, #tpu.memory_space<vmem_shared>> -> memref<128x128xf32, #tpu.memory_space<vmem_shared>>
      tpu.wait_dma2 semaphore(%run_scoped3A : memref<!tpu.dma_semaphore, #tpu.memory_space<semaphore_mem>>) src(%arg9 : memref<128x128xf32, #tpu.memory_space<vmem>>) dst(%dma_wait3A_74 : memref<128x128xf32, #tpu.memory_space<vmem_shared>>)
      tpu.yield
    }) : () -> ()
    %mul3A_7 = arith.constant 640 : i32
    %mul3A_8 = arith.muli %arg1, %mul3A_7 : i32
    %add3A_9 = arith.constant 128 : i32
    %add3A_10 = arith.addi %mul3A_8, %add3A_9 : i32
    "tpu.region"() ({
      %run_scoped3A = tpu.sem_alloc : memref<!tpu.dma_semaphore, #tpu.memory_space<semaphore_mem>>
      %dma_start3A_67 = arith.constant 0 : i32
      %dma_start3A_68 = tpu.memref_slice %arg15[%add3A_10, %dma_start3A_67] : memref<10240x128xf32, #tpu.memory_space<vmem_shared>> -> memref<128x128xf32, #tpu.memory_space<vmem_shared>>
      %dma_start3A_69 = arith.constant 0 : i32
      %dma_start3A_70 = tpu.memref_slice %arg15[%add3A_10, %dma_start3A_69] : memref<10240x128xf32, #tpu.memory_space<vmem_shared>> -> memref<128x128xf32, #tpu.memory_space<vmem_shared>>
      tpu.enqueue_dma source(%arg9 : memref<128x128xf32, #tpu.memory_space<vmem>>) target(%dma_start3A_70 : memref<128x128xf32, #tpu.memory_space<vmem_shared>>) target_semaphore(%run_scoped3A : memref<!tpu.dma_semaphore, #tpu.memory_space<semaphore_mem>>)
      %dma_wait3A_71 = arith.constant 0 : i32
      %dma_wait3A_72 = tpu.memref_slice %arg15[%add3A_10, %dma_wait3A_71] : memref<10240x128xf32, #tpu.memory_space<vmem_shared>> -> memref<128x128xf32, #tpu.memory_space<vmem_shared>>
      %dma_wait3A_73 = arith.constant 0 : i32
      %dma_wait3A_74 = tpu.memref_slice %arg15[%add3A_10, %dma_wait3A_73] : memref<10240x128xf32, #tpu.memory_space<vmem_shared>> -> memref<128x128xf32, #tpu.memory_space<vmem_shared>>
      tpu.wait_dma2 semaphore(%run_scoped3A : memref<!tpu.dma_semaphore, #tpu.memory_space<semaphore_mem>>) src(%arg9 : memref<128x128xf32, #tpu.memory_space<vmem>>) dst(%dma_wait3A_74 : memref<128x128xf32, #tpu.memory_space<vmem_shared>>)
      tpu.yield
    }) : () -> ()
    %mul3A_11 = arith.constant 640 : i32
    %mul3A_12 = arith.muli %arg1, %mul3A_11 : i32
    %add3A_13 = arith.constant 256 : i32
    %add3A_14 = arith.addi %mul3A_12, %add3A_13 : i32
    "tpu.region"() ({
      %run_scoped3A = tpu.sem_alloc : memref<!tpu.dma_semaphore, #tpu.memory_space<semaphore_mem>>
      %dma_start3A_67 = arith.constant 0 : i32
      %dma_start3A_68 = tpu.memref_slice %arg15[%add3A_14, %dma_start3A_67] : memref<10240x128xf32, #tpu.memory_space<vmem_shared>> -> memref<128x128xf32, #tpu.memory_space<vmem_shared>>
      %dma_start3A_69 = arith.constant 0 : i32
      %dma_start3A_70 = tpu.memref_slice %arg15[%add3A_14, %dma_start3A_69] : memref<10240x128xf32, #tpu.memory_space<vmem_shared>> -> memref<128x128xf32, #tpu.memory_space<vmem_shared>>
      tpu.enqueue_dma source(%arg9 : memref<128x128xf32, #tpu.memory_space<vmem>>) target(%dma_start3A_70 : memref<128x128xf32, #tpu.memory_space<vmem_shared>>) target_semaphore(%run_scoped3A : memref<!tpu.dma_semaphore, #tpu.memory_space<semaphore_mem>>)
      %dma_wait3A_71 = arith.constant 0 : i32
      %dma_wait3A_72 = tpu.memref_slice %arg15[%add3A_14, %dma_wait3A_71] : memref<10240x128xf32, #tpu.memory_space<vmem_shared>> -> memref<128x128xf32, #tpu.memory_space<vmem_shared>>
      %dma_wait3A_73 = arith.constant 0 : i32
      %dma_wait3A_74 = tpu.memref_slice %arg15[%add3A_14, %dma_wait3A_73] : memref<10240x128xf32, #tpu.memory_space<vmem_shared>> -> memref<128x128xf32, #tpu.memory_space<vmem_shared>>
      tpu.wait_dma2 semaphore(%run_scoped3A : memref<!tpu.dma_semaphore, #tpu.memory_space<semaphore_mem>>) src(%arg9 : memref<128x128xf32, #tpu.memory_space<vmem>>) dst(%dma_wait3A_74 : memref<128x128xf32, #tpu.memory_space<vmem_shared>>)
      tpu.yield
    }) : () -> ()
    %mul3A_15 = arith.constant 640 : i32
    %mul3A_16 = arith.muli %arg1, %mul3A_15 : i32
    %add3A_17 = arith.constant 384 : i32
    %add3A_18 = arith.addi %mul3A_16, %add3A_17 : i32
    "tpu.region"() ({
      %run_scoped3A = tpu.sem_alloc : memref<!tpu.dma_semaphore, #tpu.memory_space<semaphore_mem>>
      %dma_start3A_67 = arith.constant 0 : i32
      %dma_start3A_68 = tpu.memref_slice %arg15[%add3A_18, %dma_start3A_67] : memref<10240x128xf32, #tpu.memory_space<vmem_shared>> -> memref<128x128xf32, #tpu.memory_space<vmem_shared>>
      %dma_start3A_69 = arith.constant 0 : i32
      %dma_start3A_70 = tpu.memref_slice %arg15[%add3A_18, %dma_start3A_69] : memref<10240x128xf32, #tpu.memory_space<vmem_shared>> -> memref<128x128xf32, #tpu.memory_space<vmem_shared>>
      tpu.enqueue_dma source(%arg9 : memref<128x128xf32, #tpu.memory_space<vmem>>) target(%dma_start3A_70 : memref<128x128xf32, #tpu.memory_space<vmem_shared>>) target_semaphore(%run_scoped3A : memref<!tpu.dma_semaphore, #tpu.memory_space<semaphore_mem>>)
      %dma_wait3A_71 = arith.constant 0 : i32
      %dma_wait3A_72 = tpu.memref_slice %arg15[%add3A_18, %dma_wait3A_71] : memref<10240x128xf32, #tpu.memory_space<vmem_shared>> -> memref<128x128xf32, #tpu.memory_space<vmem_shared>>
      %dma_wait3A_73 = arith.constant 0 : i32
      %dma_wait3A_74 = tpu.memref_slice %arg15[%add3A_18, %dma_wait3A_73] : memref<10240x128xf32, #tpu.memory_space<vmem_shared>> -> memref<128x128xf32, #tpu.memory_space<vmem_shared>>
      tpu.wait_dma2 semaphore(%run_scoped3A : memref<!tpu.dma_semaphore, #tpu.memory_space<semaphore_mem>>) src(%arg9 : memref<128x128xf32, #tpu.memory_space<vmem>>) dst(%dma_wait3A_74 : memref<128x128xf32, #tpu.memory_space<vmem_shared>>)
      tpu.yield
    }) : () -> ()
    %mul3A_19 = arith.constant 640 : i32
    %mul3A_20 = arith.muli %arg1, %mul3A_19 : i32
    %add3A_21 = arith.constant 512 : i32
    %add3A_22 = arith.addi %mul3A_20, %add3A_21 : i32
    "tpu.region"() ({
      %run_scoped3A = tpu.sem_alloc : memref<!tpu.dma_semaphore, #tpu.memory_space<semaphore_mem>>
      %dma_start3A_67 = arith.constant 0 : i32
      %dma_start3A_68 = tpu.memref_slice %arg15[%add3A_22, %dma_start3A_67] : memref<10240x128xf32, #tpu.memory_space<vmem_shared>> -> memref<128x128xf32, #tpu.memory_space<vmem_shared>>
      %dma_start3A_69 = arith.constant 0 : i32
      %dma_start3A_70 = tpu.memref_slice %arg15[%add3A_22, %dma_start3A_69] : memref<10240x128xf32, #tpu.memory_space<vmem_shared>> -> memref<128x128xf32, #tpu.memory_space<vmem_shared>>
      tpu.enqueue_dma source(%arg9 : memref<128x128xf32, #tpu.memory_space<vmem>>) target(%dma_start3A_70 : memref<128x128xf32, #tpu.memory_space<vmem_shared>>) target_semaphore(%run_scoped3A : memref<!tpu.dma_semaphore, #tpu.memory_space<semaphore_mem>>)
      %dma_wait3A_71 = arith.constant 0 : i32
      %dma_wait3A_72 = tpu.memref_slice %arg15[%add3A_22, %dma_wait3A_71] : memref<10240x128xf32, #tpu.memory_space<vmem_shared>> -> memref<128x128xf32, #tpu.memory_space<vmem_shared>>
      %dma_wait3A_73 = arith.constant 0 : i32
      %dma_wait3A_74 = tpu.memref_slice %arg15[%add3A_22, %dma_wait3A_73] : memref<10240x128xf32, #tpu.memory_space<vmem_shared>> -> memref<128x128xf32, #tpu.memory_space<vmem_shared>>
      tpu.wait_dma2 semaphore(%run_scoped3A : memref<!tpu.dma_semaphore, #tpu.memory_space<semaphore_mem>>) src(%arg9 : memref<128x128xf32, #tpu.memory_space<vmem>>) dst(%dma_wait3A_74 : memref<128x128xf32, #tpu.memory_space<vmem_shared>>)
      tpu.yield
    }) : () -> ()
    %barrier3A = arith.constant 0 : index
    tpu.barrier barrier_id(%barrier3A)
    %mul3A_23 = arith.constant 16 : i32
    %mul3A_24 = arith.muli %arg0, %mul3A_23 : i32
    %add3A_25 = arith.addi %mul3A_24, %arg1 : i32
    %mul3A_26 = arith.constant 10000 : i32
    %mul3A_27 = arith.muli %add3A_25, %mul3A_26 : i32
    %scan3A_28 = arith.constant 0 : i32
    %scan3A_29 = arith.constant 0 : i32
    %scan3A_30 = arith.constant 78 : i32
    %scan3A_31 = arith.addi %scan3A_29, %scan3A_30 : i32
    %scan3A_32 = arith.constant 1 : i32
    scf.for %scan3A_67 = %scan3A_29 to %scan3A_31 step %scan3A_32  : i32 {
      %mul3A_68 = arith.constant 128 : i32
      %mul3A_69 = arith.muli %scan3A_67, %mul3A_68 : i32
      %add3A_70 = arith.addi %mul3A_27, %mul3A_69 : i32
      "tpu.region"() ({
        %run_scoped3A = tpu.sem_alloc : memref<!tpu.dma_semaphore, #tpu.memory_space<semaphore_mem>>
        %dma_start3A_83 = tpu.memref_slice %arg4[%add3A_70] : memref<320000xi32, #tpu.memory_space<hbm>> -> memref<128xi32, #tpu.memory_space<hbm>>
        %dma_start3A_84 = tpu.memref_slice %arg4[%add3A_70] : memref<320000xi32, #tpu.memory_space<hbm>> -> memref<128xi32, #tpu.memory_space<hbm>>
        tpu.enqueue_dma source(%dma_start3A_84 : memref<128xi32, #tpu.memory_space<hbm>>) target(%arg7 : memref<128xi32, #tpu.memory_space<vmem>>) target_semaphore(%run_scoped3A : memref<!tpu.dma_semaphore, #tpu.memory_space<semaphore_mem>>)
        %dma_wait3A_85 = tpu.memref_slice %arg4[%add3A_70] : memref<320000xi32, #tpu.memory_space<hbm>> -> memref<128xi32, #tpu.memory_space<hbm>>
        %dma_wait3A_86 = tpu.memref_slice %arg4[%add3A_70] : memref<320000xi32, #tpu.memory_space<hbm>> -> memref<128xi32, #tpu.memory_space<hbm>>
        tpu.wait_dma2 semaphore(%run_scoped3A : memref<!tpu.dma_semaphore, #tpu.memory_space<semaphore_mem>>) src(%dma_wait3A_86 : memref<128xi32, #tpu.memory_space<hbm>>) dst(%arg7 : memref<128xi32, #tpu.memory_space<vmem>>)
        tpu.yield
      }) : () -> ()
      "tpu.region"() ({
        %run_scoped3A = tpu.sem_alloc : memref<!tpu.dma_semaphore, #tpu.memory_space<semaphore_mem>>
        %dma_start3A_83 = tpu.memref_slice %arg5[%add3A_70] : memref<320000xi32, #tpu.memory_space<hbm>> -> memref<128xi32, #tpu.memory_space<hbm>>
        %dma_start3A_84 = tpu.memref_slice %arg5[%add3A_70] : memref<320000xi32, #tpu.memory_space<hbm>> -> memref<128xi32, #tpu.memory_space<hbm>>
        tpu.enqueue_dma source(%dma_start3A_84 : memref<128xi32, #tpu.memory_space<hbm>>) target(%arg8 : memref<128xi32, #tpu.memory_space<vmem>>) target_semaphore(%run_scoped3A : memref<!tpu.dma_semaphore, #tpu.memory_space<semaphore_mem>>)
        %dma_wait3A_85 = tpu.memref_slice %arg5[%add3A_70] : memref<320000xi32, #tpu.memory_space<hbm>> -> memref<128xi32, #tpu.memory_space<hbm>>
        %dma_wait3A_86 = tpu.memref_slice %arg5[%add3A_70] : memref<320000xi32, #tpu.memory_space<hbm>> -> memref<128xi32, #tpu.memory_space<hbm>>
        tpu.wait_dma2 semaphore(%run_scoped3A : memref<!tpu.dma_semaphore, #tpu.memory_space<semaphore_mem>>) src(%dma_wait3A_86 : memref<128xi32, #tpu.memory_space<hbm>>) dst(%arg8 : memref<128xi32, #tpu.memory_space<vmem>>)
        tpu.yield
      }) : () -> ()
      %dma_start3A_71 = arith.constant 0 : i32
      %dma_start3A_72 = arith.constant 0 : i32
      %dma_start3A_73 = tpu.memref_slice %arg2[%dma_start3A_71, %dma_start3A_72] : memref<10240x128xf32, #tpu.memory_space<hbm>> -> memref<10240x128xf32, #tpu.memory_space<hbm>>
      tpu.enqueue_indirect_dma source(%dma_start3A_73 : memref<10240x128xf32, #tpu.memory_space<hbm>>) target(%arg10 : memref<128x128xf32, #tpu.memory_space<vmem>>) offsets(%arg7 : memref<128xi32, #tpu.memory_space<vmem>>) semaphore(%arg16 : memref<!tpu.dma_semaphore, #tpu.memory_space<semaphore_mem>>)
      %dma_wait3A_74 = arith.constant 0 : i32
      %dma_wait3A_75 = arith.constant 0 : i32
      %dma_wait3A_76 = tpu.memref_slice %arg2[%dma_wait3A_74, %dma_wait3A_75] : memref<10240x128xf32, #tpu.memory_space<hbm>> -> memref<10240x128xf32, #tpu.memory_space<hbm>>
      tpu.wait_indirect_dma semaphore(%arg16 : memref<!tpu.dma_semaphore, #tpu.memory_space<semaphore_mem>>) src(%dma_wait3A_76 : memref<10240x128xf32, #tpu.memory_space<hbm>>) dst(%arg10 : memref<128x128xf32, #tpu.memory_space<vmem>>)
      "tpu.region"() ({
        %run_scoped3A = tpu.sem_alloc : memref<!tpu.dma_semaphore, #tpu.memory_space<semaphore_mem>>
        %dma_start3A_83 = arith.constant 0 : i32
        %dma_start3A_84 = tpu.memref_slice %arg3[%add3A_70, %dma_start3A_83] : memref<320000x128xf32, #tpu.memory_space<hbm>> -> memref<128x128xf32, #tpu.memory_space<hbm>>
        %dma_start3A_85 = arith.constant 0 : i32
        %dma_start3A_86 = tpu.memref_slice %arg3[%add3A_70, %dma_start3A_85] : memref<320000x128xf32, #tpu.memory_space<hbm>> -> memref<128x128xf32, #tpu.memory_space<hbm>>
        tpu.enqueue_dma source(%dma_start3A_86 : memref<128x128xf32, #tpu.memory_space<hbm>>) target(%arg9 : memref<128x128xf32, #tpu.memory_space<vmem>>) target_semaphore(%run_scoped3A : memref<!tpu.dma_semaphore, #tpu.memory_space<semaphore_mem>>)
        %dma_wait3A_87 = arith.constant 0 : i32
        %dma_wait3A_88 = tpu.memref_slice %arg3[%add3A_70, %dma_wait3A_87] : memref<320000x128xf32, #tpu.memory_space<hbm>> -> memref<128x128xf32, #tpu.memory_space<hbm>>
        %dma_wait3A_89 = arith.constant 0 : i32
        %dma_wait3A_90 = tpu.memref_slice %arg3[%add3A_70, %dma_wait3A_89] : memref<320000x128xf32, #tpu.memory_space<hbm>> -> memref<128x128xf32, #tpu.memory_space<hbm>>
        tpu.wait_dma2 semaphore(%run_scoped3A : memref<!tpu.dma_semaphore, #tpu.memory_space<semaphore_mem>>) src(%dma_wait3A_90 : memref<128x128xf32, #tpu.memory_space<hbm>>) dst(%arg9 : memref<128x128xf32, #tpu.memory_space<vmem>>)
        tpu.yield
      }) : () -> ()
      %scan3A_77 = arith.constant 0 : i32
      %scan3A_78 = arith.constant 0 : i32
      %scan3A_79 = arith.constant 128 : i32
      %scan3A_80 = arith.addi %scan3A_78, %scan3A_79 : i32
      %scan3A_81 = arith.constant 1 : i32
      scf.for %scan3A_83 = %scan3A_78 to %scan3A_80 step %scan3A_81  : i32 {
        %get3A = arith.index_cast %scan3A_83 : i32 to index
        %get3A_84 = arith.constant 0 : index
        %get3A_85 = tpu.vector_load %arg9[%get3A, %get3A_84] {strides = array<i32>} : memref<128x128xf32, #tpu.memory_space<vmem>>, vector<1x16xf32>,
        %get3A_86 = vector.shape_cast %get3A_85 : vector<1x16xf32> to vector<16xf32>
        %get3A_87 = arith.index_cast %scan3A_83 : i32 to index
        %get3A_88 = arith.constant 0 : index
        %get3A_89 = tpu.vector_load %arg10[%get3A_87, %get3A_88] {strides = array<i32>} : memref<128x128xf32, #tpu.memory_space<vmem>>, vector<1x16xf32>,
        %get3A_90 = vector.shape_cast %get3A_89 : vector<1x16xf32> to vector<16xf32>
        %add3A_91 = arith.addf %get3A_86, %get3A_90 : vector<16xf32>
        %max3A = arith.constant 0.000000e+00 : f32
        %max3A_92 = vector.broadcast %max3A : f32 to vector<16xf32>
        %max3A_93 = arith.maximumf %add3A_91, %max3A_92 : vector<16xf32>
        %swap3A = arith.index_cast %scan3A_83 : i32 to index
        %swap3A_94 = arith.constant 0 : index
        %swap3A_95 = tpu.vector_load %arg9[%swap3A, %swap3A_94] {strides = array<i32>} : memref<128x128xf32, #tpu.memory_space<vmem>>, vector<1x16xf32>,
        %swap3A_96 = vector.shape_cast %swap3A_95 : vector<1x16xf32> to vector<16xf32>
        %swap3A_97 = vector.shape_cast %max3A_93 : vector<16xf32> to vector<1x16xf32>
        tpu.vector_store %arg9[%swap3A, %swap3A_94], %swap3A_97 {strides = array<i32>} : memref<128x128xf32, #tpu.memory_space<vmem>>, vector<1x16xf32>,
        %get3A_98 = arith.index_cast %scan3A_83 : i32 to index
        %get3A_99 = arith.constant 16 : index
        %get3A_100 = tpu.vector_load %arg9[%get3A_98, %get3A_99] {strides = array<i32>} : memref<128x128xf32, #tpu.memory_space<vmem>>, vector<1x16xf32>,
        %get3A_101 = vector.shape_cast %get3A_100 : vector<1x16xf32> to vector<16xf32>
        %get3A_102 = arith.index_cast %scan3A_83 : i32 to index
        %get3A_103 = arith.constant 16 : index
        %get3A_104 = tpu.vector_load %arg10[%get3A_102, %get3A_103] {strides = array<i32>} : memref<128x128xf32, #tpu.memory_space<vmem>>, vector<1x16xf32>,
        %get3A_105 = vector.shape_cast %get3A_104 : vector<1x16xf32> to vector<16xf32>
        %add3A_106 = arith.addf %get3A_101, %get3A_105 : vector<16xf32>
        %max3A_107 = arith.constant 0.000000e+00 : f32
        %max3A_108 = vector.broadcast %max3A_107 : f32 to vector<16xf32>
        %max3A_109 = arith.maximumf %add3A_106, %max3A_108 : vector<16xf32>
        %swap3A_110 = arith.index_cast %scan3A_83 : i32 to index
        %swap3A_111 = arith.constant 16 : index
        %swap3A_112 = tpu.vector_load %arg9[%swap3A_110, %swap3A_111] {strides = array<i32>} : memref<128x128xf32, #tpu.memory_space<vmem>>, vector<1x16xf32>,
        %swap3A_113 = vector.shape_cast %swap3A_112 : vector<1x16xf32> to vector<16xf32>
        %swap3A_114 = vector.shape_cast %max3A_109 : vector<16xf32> to vector<1x16xf32>
        tpu.vector_store %arg9[%swap3A_110, %swap3A_111], %swap3A_114 {strides = array<i32>} : memref<128x128xf32, #tpu.memory_space<vmem>>, vector<1x16xf32>,
        %get3A_115 = arith.index_cast %scan3A_83 : i32 to index
        %get3A_116 = arith.constant 32 : index
        %get3A_117 = tpu.vector_load %arg9[%get3A_115, %get3A_116] {strides = array<i32>} : memref<128x128xf32, #tpu.memory_space<vmem>>, vector<1x16xf32>,
        %get3A_118 = vector.shape_cast %get3A_117 : vector<1x16xf32> to vector<16xf32>
        %get3A_119 = arith.index_cast %scan3A_83 : i32 to index
        %get3A_120 = arith.constant 32 : index
        %get3A_121 = tpu.vector_load %arg10[%get3A_119, %get3A_120] {strides = array<i32>} : memref<128x128xf32, #tpu.memory_space<vmem>>, vector<1x16xf32>,
        %get3A_122 = vector.shape_cast %get3A_121 : vector<1x16xf32> to vector<16xf32>
        %add3A_123 = arith.addf %get3A_118, %get3A_122 : vector<16xf32>
        %max3A_124 = arith.constant 0.000000e+00 : f32
        %max3A_125 = vector.broadcast %max3A_124 : f32 to vector<16xf32>
        %max3A_126 = arith.maximumf %add3A_123, %max3A_125 : vector<16xf32>
        %swap3A_127 = arith.index_cast %scan3A_83 : i32 to index
        %swap3A_128 = arith.constant 32 : index
        %swap3A_129 = tpu.vector_load %arg9[%swap3A_127, %swap3A_128] {strides = array<i32>} : memref<128x128xf32, #tpu.memory_space<vmem>>, vector<1x16xf32>,
        %swap3A_130 = vector.shape_cast %swap3A_129 : vector<1x16xf32> to vector<16xf32>
        %swap3A_131 = vector.shape_cast %max3A_126 : vector<16xf32> to vector<1x16xf32>
        tpu.vector_store %arg9[%swap3A_127, %swap3A_128], %swap3A_131 {strides = array<i32>} : memref<128x128xf32, #tpu.memory_space<vmem>>, vector<1x16xf32>,
        %get3A_132 = arith.index_cast %scan3A_83 : i32 to index
        %get3A_133 = arith.constant 48 : index
        %get3A_134 = tpu.vector_load %arg9[%get3A_132, %get3A_133] {strides = array<i32>} : memref<128x128xf32, #tpu.memory_space<vmem>>, vector<1x16xf32>,
        %get3A_135 = vector.shape_cast %get3A_134 : vector<1x16xf32> to vector<16xf32>
        %get3A_136 = arith.index_cast %scan3A_83 : i32 to index
        %get3A_137 = arith.constant 48 : index
        %get3A_138 = tpu.vector_load %arg10[%get3A_136, %get3A_137] {strides = array<i32>} : memref<128x128xf32, #tpu.memory_space<vmem>>, vector<1x16xf32>,
        %get3A_139 = vector.shape_cast %get3A_138 : vector<1x16xf32> to vector<16xf32>
        %add3A_140 = arith.addf %get3A_135, %get3A_139 : vector<16xf32>
        %max3A_141 = arith.constant 0.000000e+00 : f32
        %max3A_142 = vector.broadcast %max3A_141 : f32 to vector<16xf32>
        %max3A_143 = arith.maximumf %add3A_140, %max3A_142 : vector<16xf32>
        %swap3A_144 = arith.index_cast %scan3A_83 : i32 to index
        %swap3A_145 = arith.constant 48 : index
        %swap3A_146 = tpu.vector_load %arg9[%swap3A_144, %swap3A_145] {strides = array<i32>} : memref<128x128xf32, #tpu.memory_space<vmem>>, vector<1x16xf32>,
        %swap3A_147 = vector.shape_cast %swap3A_146 : vector<1x16xf32> to vector<16xf32>
        %swap3A_148 = vector.shape_cast %max3A_143 : vector<16xf32> to vector<1x16xf32>
        tpu.vector_store %arg9[%swap3A_144, %swap3A_145], %swap3A_148 {strides = array<i32>} : memref<128x128xf32, #tpu.memory_space<vmem>>, vector<1x16xf32>,
        %get3A_149 = arith.index_cast %scan3A_83 : i32 to index
        %get3A_150 = arith.constant 64 : index
        %get3A_151 = tpu.vector_load %arg9[%get3A_149, %get3A_150] {strides = array<i32>} : memref<128x128xf32, #tpu.memory_space<vmem>>, vector<1x16xf32>,
        %get3A_152 = vector.shape_cast %get3A_151 : vector<1x16xf32> to vector<16xf32>
        %get3A_153 = arith.index_cast %scan3A_83 : i32 to index
        %get3A_154 = arith.constant 64 : index
        %get3A_155 = tpu.vector_load %arg10[%get3A_153, %get3A_154] {strides = array<i32>} : memref<128x128xf32, #tpu.memory_space<vmem>>, vector<1x16xf32>,
        %get3A_156 = vector.shape_cast %get3A_155 : vector<1x16xf32> to vector<16xf32>
        %add3A_157 = arith.addf %get3A_152, %get3A_156 : vector<16xf32>
        %max3A_158 = arith.constant 0.000000e+00 : f32
        %max3A_159 = vector.broadcast %max3A_158 : f32 to vector<16xf32>
        %max3A_160 = arith.maximumf %add3A_157, %max3A_159 : vector<16xf32>
        %swap3A_161 = arith.index_cast %scan3A_83 : i32 to index
        %swap3A_162 = arith.constant 64 : index
        %swap3A_163 = tpu.vector_load %arg9[%swap3A_161, %swap3A_162] {strides = array<i32>} : memref<128x128xf32, #tpu.memory_space<vmem>>, vector<1x16xf32>,
        %swap3A_164 = vector.shape_cast %swap3A_163 : vector<1x16xf32> to vector<16xf32>
        %swap3A_165 = vector.shape_cast %max3A_160 : vector<16xf32> to vector<1x16xf32>
        tpu.vector_store %arg9[%swap3A_161, %swap3A_162], %swap3A_165 {strides = array<i32>} : memref<128x128xf32, #tpu.memory_space<vmem>>, vector<1x16xf32>,
        %get3A_166 = arith.index_cast %scan3A_83 : i32 to index
        %get3A_167 = arith.constant 80 : index
        %get3A_168 = tpu.vector_load %arg9[%get3A_166, %get3A_167] {strides = array<i32>} : memref<128x128xf32, #tpu.memory_space<vmem>>, vector<1x16xf32>,
        %get3A_169 = vector.shape_cast %get3A_168 : vector<1x16xf32> to vector<16xf32>
        %get3A_170 = arith.index_cast %scan3A_83 : i32 to index
        %get3A_171 = arith.constant 80 : index
        %get3A_172 = tpu.vector_load %arg10[%get3A_170, %get3A_171] {strides = array<i32>} : memref<128x128xf32, #tpu.memory_space<vmem>>, vector<1x16xf32>,
        %get3A_173 = vector.shape_cast %get3A_172 : vector<1x16xf32> to vector<16xf32>
        %add3A_174 = arith.addf %get3A_169, %get3A_173 : vector<16xf32>
        %max3A_175 = arith.constant 0.000000e+00 : f32
        %max3A_176 = vector.broadcast %max3A_175 : f32 to vector<16xf32>
        %max3A_177 = arith.maximumf %add3A_174, %max3A_176 : vector<16xf32>
        %swap3A_178 = arith.index_cast %scan3A_83 : i32 to index
        %swap3A_179 = arith.constant 80 : index
        %swap3A_180 = tpu.vector_load %arg9[%swap3A_178, %swap3A_179] {strides = array<i32>} : memref<128x128xf32, #tpu.memory_space<vmem>>, vector<1x16xf32>,
        %swap3A_181 = vector.shape_cast %swap3A_180 : vector<1x16xf32> to vector<16xf32>
        %swap3A_182 = vector.shape_cast %max3A_177 : vector<16xf32> to vector<1x16xf32>
        tpu.vector_store %arg9[%swap3A_178, %swap3A_179], %swap3A_182 {strides = array<i32>} : memref<128x128xf32, #tpu.memory_space<vmem>>, vector<1x16xf32>,
        %get3A_183 = arith.index_cast %scan3A_83 : i32 to index
        %get3A_184 = arith.constant 96 : index
        %get3A_185 = tpu.vector_load %arg9[%get3A_183, %get3A_184] {strides = array<i32>} : memref<128x128xf32, #tpu.memory_space<vmem>>, vector<1x16xf32>,
        %get3A_186 = vector.shape_cast %get3A_185 : vector<1x16xf32> to vector<16xf32>
        %get3A_187 = arith.index_cast %scan3A_83 : i32 to index
        %get3A_188 = arith.constant 96 : index
        %get3A_189 = tpu.vector_load %arg10[%get3A_187, %get3A_188] {strides = array<i32>} : memref<128x128xf32, #tpu.memory_space<vmem>>, vector<1x16xf32>,
        %get3A_190 = vector.shape_cast %get3A_189 : vector<1x16xf32> to vector<16xf32>
        %add3A_191 = arith.addf %get3A_186, %get3A_190 : vector<16xf32>
        %max3A_192 = arith.constant 0.000000e+00 : f32
        %max3A_193 = vector.broadcast %max3A_192 : f32 to vector<16xf32>
        %max3A_194 = arith.maximumf %add3A_191, %max3A_193 : vector<16xf32>
        %swap3A_195 = arith.index_cast %scan3A_83 : i32 to index
        %swap3A_196 = arith.constant 96 : index
        %swap3A_197 = tpu.vector_load %arg9[%swap3A_195, %swap3A_196] {strides = array<i32>} : memref<128x128xf32, #tpu.memory_space<vmem>>, vector<1x16xf32>,
        %swap3A_198 = vector.shape_cast %swap3A_197 : vector<1x16xf32> to vector<16xf32>
        %swap3A_199 = vector.shape_cast %max3A_194 : vector<16xf32> to vector<1x16xf32>
        tpu.vector_store %arg9[%swap3A_195, %swap3A_196], %swap3A_199 {strides = array<i32>} : memref<128x128xf32, #tpu.memory_space<vmem>>, vector<1x16xf32>,
        %get3A_200 = arith.index_cast %scan3A_83 : i32 to index
        %get3A_201 = arith.constant 112 : index
        %get3A_202 = tpu.vector_load %arg9[%get3A_200, %get3A_201] {strides = array<i32>} : memref<128x128xf32, #tpu.memory_space<vmem>>, vector<1x16xf32>,
        %get3A_203 = vector.shape_cast %get3A_202 : vector<1x16xf32> to vector<16xf32>
        %get3A_204 = arith.index_cast %scan3A_83 : i32 to index
        %get3A_205 = arith.constant 112 : index
        %get3A_206 = tpu.vector_load %arg10[%get3A_204, %get3A_205] {strides = array<i32>} : memref<128x128xf32, #tpu.memory_space<vmem>>, vector<1x16xf32>,
        %get3A_207 = vector.shape_cast %get3A_206 : vector<1x16xf32> to vector<16xf32>
        %add3A_208 = arith.addf %get3A_203, %get3A_207 : vector<16xf32>
        %max3A_209 = arith.constant 0.000000e+00 : f32
        %max3A_210 = vector.broadcast %max3A_209 : f32 to vector<16xf32>
        %max3A_211 = arith.maximumf %add3A_208, %max3A_210 : vector<16xf32>
        %swap3A_212 = arith.index_cast %scan3A_83 : i32 to index
        %swap3A_213 = arith.constant 112 : index
        %swap3A_214 = tpu.vector_load %arg9[%swap3A_212, %swap3A_213] {strides = array<i32>} : memref<128x128xf32, #tpu.memory_space<vmem>>, vector<1x16xf32>,
        %swap3A_215 = vector.shape_cast %swap3A_214 : vector<1x16xf32> to vector<16xf32>
        %swap3A_216 = vector.shape_cast %max3A_211 : vector<16xf32> to vector<1x16xf32>
        tpu.vector_store %arg9[%swap3A_212, %swap3A_213], %swap3A_216 {strides = array<i32>} : memref<128x128xf32, #tpu.memory_space<vmem>>, vector<1x16xf32>,
      }
      %scan3A_82 = arith.constant 128 : i32
      "tpu.region"() ({
        %run_scoped3A = tpu.sem_alloc : memref<!tpu.dma_semaphore, #tpu.memory_space<semaphore_mem>>
        %dma_start3A_83 = arith.constant 0 : i32
        %dma_start3A_84 = arith.constant 0 : i32
        %dma_start3A_85 = tpu.memref_slice %arg15[%dma_start3A_83, %dma_start3A_84] : memref<10240x128xf32, #tpu.memory_space<vmem_shared>> -> memref<10240x128xf32, #tpu.memory_space<vmem_shared>>
        tpu.enqueue_indirect_dma source(%arg9 : memref<128x128xf32, #tpu.memory_space<vmem>>) target(%dma_start3A_85 : memref<10240x128xf32, #tpu.memory_space<vmem_shared>>) offsets(%arg8 : memref<128xi32, #tpu.memory_space<vmem>>) semaphore(%run_scoped3A : memref<!tpu.dma_semaphore, #tpu.memory_space<semaphore_mem>>) {add = true}
        %dma_wait3A_86 = arith.constant 0 : i32
        %dma_wait3A_87 = arith.constant 0 : i32
        %dma_wait3A_88 = tpu.memref_slice %arg15[%dma_wait3A_86, %dma_wait3A_87] : memref<10240x128xf32, #tpu.memory_space<vmem_shared>> -> memref<10240x128xf32, #tpu.memory_space<vmem_shared>>
        tpu.wait_indirect_dma semaphore(%run_scoped3A : memref<!tpu.dma_semaphore, #tpu.memory_space<semaphore_mem>>) src(%arg9 : memref<128x128xf32, #tpu.memory_space<vmem>>) dst(%dma_wait3A_88 : memref<10240x128xf32, #tpu.memory_space<vmem_shared>>)
        tpu.yield
      }) : () -> ()
    }
    %scan3A_33 = arith.constant 78 : i32
    %add3A_34 = arith.constant 9984 : i32
    %add3A_35 = arith.addi %mul3A_27, %add3A_34 : i32
    "tpu.region"() ({
      %run_scoped3A = tpu.sem_alloc : memref<!tpu.dma_semaphore, #tpu.memory_space<semaphore_mem>>
      %dma_start3A_67 = tpu.memref_slice %arg4[%add3A_35] : memref<320000xi32, #tpu.memory_space<hbm>> -> memref<16xi32, #tpu.memory_space<hbm>>
      %dma_start3A_68 = tpu.memref_slice %arg4[%add3A_35] : memref<320000xi32, #tpu.memory_space<hbm>> -> memref<16xi32, #tpu.memory_space<hbm>>
      tpu.enqueue_dma source(%dma_start3A_68 : memref<16xi32, #tpu.memory_space<hbm>>) target(%arg11 : memref<16xi32, #tpu.memory_space<vmem>>) target_semaphore(%run_scoped3A : memref<!tpu.dma_semaphore, #tpu.memory_space<semaphore_mem>>)
      %dma_wait3A_69 = tpu.memref_slice %arg4[%add3A_35] : memref<320000xi32, #tpu.memory_space<hbm>> -> memref<16xi32, #tpu.memory_space<hbm>>
      %dma_wait3A_70 = tpu.memref_slice %arg4[%add3A_35] : memref<320000xi32, #tpu.memory_space<hbm>> -> memref<16xi32, #tpu.memory_space<hbm>>
      tpu.wait_dma2 semaphore(%run_scoped3A : memref<!tpu.dma_semaphore, #tpu.memory_space<semaphore_mem>>) src(%dma_wait3A_70 : memref<16xi32, #tpu.memory_space<hbm>>) dst(%arg11 : memref<16xi32, #tpu.memory_space<vmem>>)
      tpu.yield
    }) : () -> ()
    "tpu.region"() ({
      %run_scoped3A = tpu.sem_alloc : memref<!tpu.dma_semaphore, #tpu.memory_space<semaphore_mem>>
      %dma_start3A_67 = tpu.memref_slice %arg5[%add3A_35] : memref<320000xi32, #tpu.memory_space<hbm>> -> memref<16xi32, #tpu.memory_space<hbm>>
      %dma_start3A_68 = tpu.memref_slice %arg5[%add3A_35] : memref<320000xi32, #tpu.memory_space<hbm>> -> memref<16xi32, #tpu.memory_space<hbm>>
      tpu.enqueue_dma source(%dma_start3A_68 : memref<16xi32, #tpu.memory_space<hbm>>) target(%arg12 : memref<16xi32, #tpu.memory_space<vmem>>) target_semaphore(%run_scoped3A : memref<!tpu.dma_semaphore, #tpu.memory_space<semaphore_mem>>)
      %dma_wait3A_69 = tpu.memref_slice %arg5[%add3A_35] : memref<320000xi32, #tpu.memory_space<hbm>> -> memref<16xi32, #tpu.memory_space<hbm>>
      %dma_wait3A_70 = tpu.memref_slice %arg5[%add3A_35] : memref<320000xi32, #tpu.memory_space<hbm>> -> memref<16xi32, #tpu.memory_space<hbm>>
      tpu.wait_dma2 semaphore(%run_scoped3A : memref<!tpu.dma_semaphore, #tpu.memory_space<semaphore_mem>>) src(%dma_wait3A_70 : memref<16xi32, #tpu.memory_space<hbm>>) dst(%arg12 : memref<16xi32, #tpu.memory_space<vmem>>)
      tpu.yield
    }) : () -> ()
    %dma_start3A = arith.constant 0 : i32
    %dma_start3A_36 = arith.constant 0 : i32
    %dma_start3A_37 = tpu.memref_slice %arg2[%dma_start3A, %dma_start3A_36] : memref<10240x128xf32, #tpu.memory_space<hbm>> -> memref<10240x128xf32, #tpu.memory_space<hbm>>
    tpu.enqueue_indirect_dma source(%dma_start3A_37 : memref<10240x128xf32, #tpu.memory_space<hbm>>) target(%arg14 : memref<16x128xf32, #tpu.memory_space<vmem>>) offsets(%arg11 : memref<16xi32, #tpu.memory_space<vmem>>) semaphore(%arg16 : memref<!tpu.dma_semaphore, #tpu.memory_space<semaphore_mem>>)
    %dma_wait3A = arith.constant 0 : i32
    %dma_wait3A_38 = arith.constant 0 : i32
    %dma_wait3A_39 = tpu.memref_slice %arg2[%dma_wait3A, %dma_wait3A_38] : memref<10240x128xf32, #tpu.memory_space<hbm>> -> memref<10240x128xf32, #tpu.memory_space<hbm>>
    tpu.wait_indirect_dma semaphore(%arg16 : memref<!tpu.dma_semaphore, #tpu.memory_space<semaphore_mem>>) src(%dma_wait3A_39 : memref<10240x128xf32, #tpu.memory_space<hbm>>) dst(%arg14 : memref<16x128xf32, #tpu.memory_space<vmem>>)
    "tpu.region"() ({
      %run_scoped3A = tpu.sem_alloc : memref<!tpu.dma_semaphore, #tpu.memory_space<semaphore_mem>>
      %dma_start3A_67 = arith.constant 0 : i32
      %dma_start3A_68 = tpu.memref_slice %arg3[%add3A_35, %dma_start3A_67] : memref<320000x128xf32, #tpu.memory_space<hbm>> -> memref<16x128xf32, #tpu.memory_space<hbm>>
      %dma_start3A_69 = arith.constant 0 : i32
      %dma_start3A_70 = tpu.memref_slice %arg3[%add3A_35, %dma_start3A_69] : memref<320000x128xf32, #tpu.memory_space<hbm>> -> memref<16x128xf32, #tpu.memory_space<hbm>>
      tpu.enqueue_dma source(%dma_start3A_70 : memref<16x128xf32, #tpu.memory_space<hbm>>) target(%arg13 : memref<16x128xf32, #tpu.memory_space<vmem>>) target_semaphore(%run_scoped3A : memref<!tpu.dma_semaphore, #tpu.memory_space<semaphore_mem>>)
      %dma_wait3A_71 = arith.constant 0 : i32
      %dma_wait3A_72 = tpu.memref_slice %arg3[%add3A_35, %dma_wait3A_71] : memref<320000x128xf32, #tpu.memory_space<hbm>> -> memref<16x128xf32, #tpu.memory_space<hbm>>
      %dma_wait3A_73 = arith.constant 0 : i32
      %dma_wait3A_74 = tpu.memref_slice %arg3[%add3A_35, %dma_wait3A_73] : memref<320000x128xf32, #tpu.memory_space<hbm>> -> memref<16x128xf32, #tpu.memory_space<hbm>>
      tpu.wait_dma2 semaphore(%run_scoped3A : memref<!tpu.dma_semaphore, #tpu.memory_space<semaphore_mem>>) src(%dma_wait3A_74 : memref<16x128xf32, #tpu.memory_space<hbm>>) dst(%arg13 : memref<16x128xf32, #tpu.memory_space<vmem>>)
      tpu.yield
    }) : () -> ()
    %scan3A_40 = arith.constant 0 : i32
    %scan3A_41 = arith.constant 0 : i32
    %scan3A_42 = arith.constant 16 : i32
    %scan3A_43 = arith.addi %scan3A_41, %scan3A_42 : i32
    %scan3A_44 = arith.constant 1 : i32
    scf.for %scan3A_67 = %scan3A_41 to %scan3A_43 step %scan3A_44  : i32 {
      %get3A = arith.index_cast %scan3A_67 : i32 to index
      %get3A_68 = arith.constant 0 : index
      %get3A_69 = tpu.vector_load %arg13[%get3A, %get3A_68] {strides = array<i32>} : memref<16x128xf32, #tpu.memory_space<vmem>>, vector<1x16xf32>,
      %get3A_70 = vector.shape_cast %get3A_69 : vector<1x16xf32> to vector<16xf32>
      %get3A_71 = arith.index_cast %scan3A_67 : i32 to index
      %get3A_72 = arith.constant 0 : index
      %get3A_73 = tpu.vector_load %arg14[%get3A_71, %get3A_72] {strides = array<i32>} : memref<16x128xf32, #tpu.memory_space<vmem>>, vector<1x16xf32>,
      %get3A_74 = vector.shape_cast %get3A_73 : vector<1x16xf32> to vector<16xf32>
      %add3A_75 = arith.addf %get3A_70, %get3A_74 : vector<16xf32>
      %max3A = arith.constant 0.000000e+00 : f32
      %max3A_76 = vector.broadcast %max3A : f32 to vector<16xf32>
      %max3A_77 = arith.maximumf %add3A_75, %max3A_76 : vector<16xf32>
      %swap3A = arith.index_cast %scan3A_67 : i32 to index
      %swap3A_78 = arith.constant 0 : index
      %swap3A_79 = tpu.vector_load %arg13[%swap3A, %swap3A_78] {strides = array<i32>} : memref<16x128xf32, #tpu.memory_space<vmem>>, vector<1x16xf32>,
      %swap3A_80 = vector.shape_cast %swap3A_79 : vector<1x16xf32> to vector<16xf32>
      %swap3A_81 = vector.shape_cast %max3A_77 : vector<16xf32> to vector<1x16xf32>
      tpu.vector_store %arg13[%swap3A, %swap3A_78], %swap3A_81 {strides = array<i32>} : memref<16x128xf32, #tpu.memory_space<vmem>>, vector<1x16xf32>,
      %get3A_82 = arith.index_cast %scan3A_67 : i32 to index
      %get3A_83 = arith.constant 16 : index
      %get3A_84 = tpu.vector_load %arg13[%get3A_82, %get3A_83] {strides = array<i32>} : memref<16x128xf32, #tpu.memory_space<vmem>>, vector<1x16xf32>,
      %get3A_85 = vector.shape_cast %get3A_84 : vector<1x16xf32> to vector<16xf32>
      %get3A_86 = arith.index_cast %scan3A_67 : i32 to index
      %get3A_87 = arith.constant 16 : index
      %get3A_88 = tpu.vector_load %arg14[%get3A_86, %get3A_87] {strides = array<i32>} : memref<16x128xf32, #tpu.memory_space<vmem>>, vector<1x16xf32>,
      %get3A_89 = vector.shape_cast %get3A_88 : vector<1x16xf32> to vector<16xf32>
      %add3A_90 = arith.addf %get3A_85, %get3A_89 : vector<16xf32>
      %max3A_91 = arith.constant 0.000000e+00 : f32
      %max3A_92 = vector.broadcast %max3A_91 : f32 to vector<16xf32>
      %max3A_93 = arith.maximumf %add3A_90, %max3A_92 : vector<16xf32>
      %swap3A_94 = arith.index_cast %scan3A_67 : i32 to index
      %swap3A_95 = arith.constant 16 : index
      %swap3A_96 = tpu.vector_load %arg13[%swap3A_94, %swap3A_95] {strides = array<i32>} : memref<16x128xf32, #tpu.memory_space<vmem>>, vector<1x16xf32>,
      %swap3A_97 = vector.shape_cast %swap3A_96 : vector<1x16xf32> to vector<16xf32>
      %swap3A_98 = vector.shape_cast %max3A_93 : vector<16xf32> to vector<1x16xf32>
      tpu.vector_store %arg13[%swap3A_94, %swap3A_95], %swap3A_98 {strides = array<i32>} : memref<16x128xf32, #tpu.memory_space<vmem>>, vector<1x16xf32>,
      %get3A_99 = arith.index_cast %scan3A_67 : i32 to index
      %get3A_100 = arith.constant 32 : index
      %get3A_101 = tpu.vector_load %arg13[%get3A_99, %get3A_100] {strides = array<i32>} : memref<16x128xf32, #tpu.memory_space<vmem>>, vector<1x16xf32>,
      %get3A_102 = vector.shape_cast %get3A_101 : vector<1x16xf32> to vector<16xf32>
      %get3A_103 = arith.index_cast %scan3A_67 : i32 to index
      %get3A_104 = arith.constant 32 : index
      %get3A_105 = tpu.vector_load %arg14[%get3A_103, %get3A_104] {strides = array<i32>} : memref<16x128xf32, #tpu.memory_space<vmem>>, vector<1x16xf32>,
      %get3A_106 = vector.shape_cast %get3A_105 : vector<1x16xf32> to vector<16xf32>
      %add3A_107 = arith.addf %get3A_102, %get3A_106 : vector<16xf32>
      %max3A_108 = arith.constant 0.000000e+00 : f32
      %max3A_109 = vector.broadcast %max3A_108 : f32 to vector<16xf32>
      %max3A_110 = arith.maximumf %add3A_107, %max3A_109 : vector<16xf32>
      %swap3A_111 = arith.index_cast %scan3A_67 : i32 to index
      %swap3A_112 = arith.constant 32 : index
      %swap3A_113 = tpu.vector_load %arg13[%swap3A_111, %swap3A_112] {strides = array<i32>} : memref<16x128xf32, #tpu.memory_space<vmem>>, vector<1x16xf32>,
      %swap3A_114 = vector.shape_cast %swap3A_113 : vector<1x16xf32> to vector<16xf32>
      %swap3A_115 = vector.shape_cast %max3A_110 : vector<16xf32> to vector<1x16xf32>
      tpu.vector_store %arg13[%swap3A_111, %swap3A_112], %swap3A_115 {strides = array<i32>} : memref<16x128xf32, #tpu.memory_space<vmem>>, vector<1x16xf32>,
      %get3A_116 = arith.index_cast %scan3A_67 : i32 to index
      %get3A_117 = arith.constant 48 : index
      %get3A_118 = tpu.vector_load %arg13[%get3A_116, %get3A_117] {strides = array<i32>} : memref<16x128xf32, #tpu.memory_space<vmem>>, vector<1x16xf32>,
      %get3A_119 = vector.shape_cast %get3A_118 : vector<1x16xf32> to vector<16xf32>
      %get3A_120 = arith.index_cast %scan3A_67 : i32 to index
      %get3A_121 = arith.constant 48 : index
      %get3A_122 = tpu.vector_load %arg14[%get3A_120, %get3A_121] {strides = array<i32>} : memref<16x128xf32, #tpu.memory_space<vmem>>, vector<1x16xf32>,
      %get3A_123 = vector.shape_cast %get3A_122 : vector<1x16xf32> to vector<16xf32>
      %add3A_124 = arith.addf %get3A_119, %get3A_123 : vector<16xf32>
      %max3A_125 = arith.constant 0.000000e+00 : f32
      %max3A_126 = vector.broadcast %max3A_125 : f32 to vector<16xf32>
      %max3A_127 = arith.maximumf %add3A_124, %max3A_126 : vector<16xf32>
      %swap3A_128 = arith.index_cast %scan3A_67 : i32 to index
      %swap3A_129 = arith.constant 48 : index
      %swap3A_130 = tpu.vector_load %arg13[%swap3A_128, %swap3A_129] {strides = array<i32>} : memref<16x128xf32, #tpu.memory_space<vmem>>, vector<1x16xf32>,
      %swap3A_131 = vector.shape_cast %swap3A_130 : vector<1x16xf32> to vector<16xf32>
      %swap3A_132 = vector.shape_cast %max3A_127 : vector<16xf32> to vector<1x16xf32>
      tpu.vector_store %arg13[%swap3A_128, %swap3A_129], %swap3A_132 {strides = array<i32>} : memref<16x128xf32, #tpu.memory_space<vmem>>, vector<1x16xf32>,
      %get3A_133 = arith.index_cast %scan3A_67 : i32 to index
      %get3A_134 = arith.constant 64 : index
      %get3A_135 = tpu.vector_load %arg13[%get3A_133, %get3A_134] {strides = array<i32>} : memref<16x128xf32, #tpu.memory_space<vmem>>, vector<1x16xf32>,
      %get3A_136 = vector.shape_cast %get3A_135 : vector<1x16xf32> to vector<16xf32>
      %get3A_137 = arith.index_cast %scan3A_67 : i32 to index
      %get3A_138 = arith.constant 64 : index
      %get3A_139 = tpu.vector_load %arg14[%get3A_137, %get3A_138] {strides = array<i32>} : memref<16x128xf32, #tpu.memory_space<vmem>>, vector<1x16xf32>,
      %get3A_140 = vector.shape_cast %get3A_139 : vector<1x16xf32> to vector<16xf32>
      %add3A_141 = arith.addf %get3A_136, %get3A_140 : vector<16xf32>
      %max3A_142 = arith.constant 0.000000e+00 : f32
      %max3A_143 = vector.broadcast %max3A_142 : f32 to vector<16xf32>
      %max3A_144 = arith.maximumf %add3A_141, %max3A_143 : vector<16xf32>
      %swap3A_145 = arith.index_cast %scan3A_67 : i32 to index
      %swap3A_146 = arith.constant 64 : index
      %swap3A_147 = tpu.vector_load %arg13[%swap3A_145, %swap3A_146] {strides = array<i32>} : memref<16x128xf32, #tpu.memory_space<vmem>>, vector<1x16xf32>,
      %swap3A_148 = vector.shape_cast %swap3A_147 : vector<1x16xf32> to vector<16xf32>
      %swap3A_149 = vector.shape_cast %max3A_144 : vector<16xf32> to vector<1x16xf32>
      tpu.vector_store %arg13[%swap3A_145, %swap3A_146], %swap3A_149 {strides = array<i32>} : memref<16x128xf32, #tpu.memory_space<vmem>>, vector<1x16xf32>,
      %get3A_150 = arith.index_cast %scan3A_67 : i32 to index
      %get3A_151 = arith.constant 80 : index
      %get3A_152 = tpu.vector_load %arg13[%get3A_150, %get3A_151] {strides = array<i32>} : memref<16x128xf32, #tpu.memory_space<vmem>>, vector<1x16xf32>,
      %get3A_153 = vector.shape_cast %get3A_152 : vector<1x16xf32> to vector<16xf32>
      %get3A_154 = arith.index_cast %scan3A_67 : i32 to index
      %get3A_155 = arith.constant 80 : index
      %get3A_156 = tpu.vector_load %arg14[%get3A_154, %get3A_155] {strides = array<i32>} : memref<16x128xf32, #tpu.memory_space<vmem>>, vector<1x16xf32>,
      %get3A_157 = vector.shape_cast %get3A_156 : vector<1x16xf32> to vector<16xf32>
      %add3A_158 = arith.addf %get3A_153, %get3A_157 : vector<16xf32>
      %max3A_159 = arith.constant 0.000000e+00 : f32
      %max3A_160 = vector.broadcast %max3A_159 : f32 to vector<16xf32>
      %max3A_161 = arith.maximumf %add3A_158, %max3A_160 : vector<16xf32>
      %swap3A_162 = arith.index_cast %scan3A_67 : i32 to index
      %swap3A_163 = arith.constant 80 : index
      %swap3A_164 = tpu.vector_load %arg13[%swap3A_162, %swap3A_163] {strides = array<i32>} : memref<16x128xf32, #tpu.memory_space<vmem>>, vector<1x16xf32>,
      %swap3A_165 = vector.shape_cast %swap3A_164 : vector<1x16xf32> to vector<16xf32>
      %swap3A_166 = vector.shape_cast %max3A_161 : vector<16xf32> to vector<1x16xf32>
      tpu.vector_store %arg13[%swap3A_162, %swap3A_163], %swap3A_166 {strides = array<i32>} : memref<16x128xf32, #tpu.memory_space<vmem>>, vector<1x16xf32>,
      %get3A_167 = arith.index_cast %scan3A_67 : i32 to index
      %get3A_168 = arith.constant 96 : index
      %get3A_169 = tpu.vector_load %arg13[%get3A_167, %get3A_168] {strides = array<i32>} : memref<16x128xf32, #tpu.memory_space<vmem>>, vector<1x16xf32>,
      %get3A_170 = vector.shape_cast %get3A_169 : vector<1x16xf32> to vector<16xf32>
      %get3A_171 = arith.index_cast %scan3A_67 : i32 to index
      %get3A_172 = arith.constant 96 : index
      %get3A_173 = tpu.vector_load %arg14[%get3A_171, %get3A_172] {strides = array<i32>} : memref<16x128xf32, #tpu.memory_space<vmem>>, vector<1x16xf32>,
      %get3A_174 = vector.shape_cast %get3A_173 : vector<1x16xf32> to vector<16xf32>
      %add3A_175 = arith.addf %get3A_170, %get3A_174 : vector<16xf32>
      %max3A_176 = arith.constant 0.000000e+00 : f32
      %max3A_177 = vector.broadcast %max3A_176 : f32 to vector<16xf32>
      %max3A_178 = arith.maximumf %add3A_175, %max3A_177 : vector<16xf32>
      %swap3A_179 = arith.index_cast %scan3A_67 : i32 to index
      %swap3A_180 = arith.constant 96 : index
      %swap3A_181 = tpu.vector_load %arg13[%swap3A_179, %swap3A_180] {strides = array<i32>} : memref<16x128xf32, #tpu.memory_space<vmem>>, vector<1x16xf32>,
      %swap3A_182 = vector.shape_cast %swap3A_181 : vector<1x16xf32> to vector<16xf32>
      %swap3A_183 = vector.shape_cast %max3A_178 : vector<16xf32> to vector<1x16xf32>
      tpu.vector_store %arg13[%swap3A_179, %swap3A_180], %swap3A_183 {strides = array<i32>} : memref<16x128xf32, #tpu.memory_space<vmem>>, vector<1x16xf32>,
      %get3A_184 = arith.index_cast %scan3A_67 : i32 to index
      %get3A_185 = arith.constant 112 : index
      %get3A_186 = tpu.vector_load %arg13[%get3A_184, %get3A_185] {strides = array<i32>} : memref<16x128xf32, #tpu.memory_space<vmem>>, vector<1x16xf32>,
      %get3A_187 = vector.shape_cast %get3A_186 : vector<1x16xf32> to vector<16xf32>
      %get3A_188 = arith.index_cast %scan3A_67 : i32 to index
      %get3A_189 = arith.constant 112 : index
      %get3A_190 = tpu.vector_load %arg14[%get3A_188, %get3A_189] {strides = array<i32>} : memref<16x128xf32, #tpu.memory_space<vmem>>, vector<1x16xf32>,
      %get3A_191 = vector.shape_cast %get3A_190 : vector<1x16xf32> to vector<16xf32>
      %add3A_192 = arith.addf %get3A_187, %get3A_191 : vector<16xf32>
      %max3A_193 = arith.constant 0.000000e+00 : f32
      %max3A_194 = vector.broadcast %max3A_193 : f32 to vector<16xf32>
      %max3A_195 = arith.maximumf %add3A_192, %max3A_194 : vector<16xf32>
      %swap3A_196 = arith.index_cast %scan3A_67 : i32 to index
      %swap3A_197 = arith.constant 112 : index
      %swap3A_198 = tpu.vector_load %arg13[%swap3A_196, %swap3A_197] {strides = array<i32>} : memref<16x128xf32, #tpu.memory_space<vmem>>, vector<1x16xf32>,
      %swap3A_199 = vector.shape_cast %swap3A_198 : vector<1x16xf32> to vector<16xf32>
      %swap3A_200 = vector.shape_cast %max3A_195 : vector<16xf32> to vector<1x16xf32>
      tpu.vector_store %arg13[%swap3A_196, %swap3A_197], %swap3A_200 {strides = array<i32>} : memref<16x128xf32, #tpu.memory_space<vmem>>, vector<1x16xf32>,
    }
    %scan3A_45 = arith.constant 16 : i32
    "tpu.region"() ({
      %run_scoped3A = tpu.sem_alloc : memref<!tpu.dma_semaphore, #tpu.memory_space<semaphore_mem>>
      %dma_start3A_67 = arith.constant 0 : i32
      %dma_start3A_68 = arith.constant 0 : i32
      %dma_start3A_69 = tpu.memref_slice %arg15[%dma_start3A_67, %dma_start3A_68] : memref<10240x128xf32, #tpu.memory_space<vmem_shared>> -> memref<10240x128xf32, #tpu.memory_space<vmem_shared>>
      tpu.enqueue_indirect_dma source(%arg13 : memref<16x128xf32, #tpu.memory_space<vmem>>) target(%dma_start3A_69 : memref<10240x128xf32, #tpu.memory_space<vmem_shared>>) offsets(%arg12 : memref<16xi32, #tpu.memory_space<vmem>>) semaphore(%run_scoped3A : memref<!tpu.dma_semaphore, #tpu.memory_space<semaphore_mem>>) {add = true}
      %dma_wait3A_70 = arith.constant 0 : i32
      %dma_wait3A_71 = arith.constant 0 : i32
      %dma_wait3A_72 = tpu.memref_slice %arg15[%dma_wait3A_70, %dma_wait3A_71] : memref<10240x128xf32, #tpu.memory_space<vmem_shared>> -> memref<10240x128xf32, #tpu.memory_space<vmem_shared>>
      tpu.wait_indirect_dma semaphore(%run_scoped3A : memref<!tpu.dma_semaphore, #tpu.memory_space<semaphore_mem>>) src(%arg13 : memref<16x128xf32, #tpu.memory_space<vmem>>) dst(%dma_wait3A_72 : memref<10240x128xf32, #tpu.memory_space<vmem_shared>>)
      tpu.yield
    }) : () -> ()
    %barrier3A_46 = arith.constant 0 : index
    tpu.barrier barrier_id(%barrier3A_46)
    %mul3A_47 = arith.constant 640 : i32
    %mul3A_48 = arith.muli %arg1, %mul3A_47 : i32
    %add3A_49 = arith.constant 0 : i32
    %add3A_50 = arith.addi %mul3A_48, %add3A_49 : i32
    "tpu.region"() ({
      %run_scoped3A = tpu.sem_alloc : memref<!tpu.dma_semaphore, #tpu.memory_space<semaphore_mem>>
      %dma_start3A_67 = arith.constant 0 : i32
      %dma_start3A_68 = tpu.memref_slice %arg6[%arg0, %add3A_50, %dma_start3A_67] : memref<2x10240x128xf32, #tpu.memory_space<hbm>> -> memref<1x128x128xf32, #tpu.memory_space<hbm>>
      %dma_start3A_69 = tpu.memref_squeeze %dma_start3A_68 : memref<1x128x128xf32, #tpu.memory_space<hbm>> -> memref<128x128xf32, #tpu.memory_space<hbm>>
      %dma_start3A_70 = arith.constant 0 : i32
      %dma_start3A_71 = tpu.memref_slice %arg15[%add3A_50, %dma_start3A_70] : memref<10240x128xf32, #tpu.memory_space<vmem_shared>> -> memref<128x128xf32, #tpu.memory_space<vmem_shared>>
      tpu.enqueue_dma source(%dma_start3A_71 : memref<128x128xf32, #tpu.memory_space<vmem_shared>>) target(%dma_start3A_69 : memref<128x128xf32, #tpu.memory_space<hbm>>) target_semaphore(%run_scoped3A : memref<!tpu.dma_semaphore, #tpu.memory_space<semaphore_mem>>)
      %dma_wait3A_72 = arith.constant 0 : i32
      %dma_wait3A_73 = tpu.memref_slice %arg6[%arg0, %add3A_50, %dma_wait3A_72] : memref<2x10240x128xf32, #tpu.memory_space<hbm>> -> memref<1x128x128xf32, #tpu.memory_space<hbm>>
      %dma_wait3A_74 = tpu.memref_squeeze %dma_wait3A_73 : memref<1x128x128xf32, #tpu.memory_space<hbm>> -> memref<128x128xf32, #tpu.memory_space<hbm>>
      %dma_wait3A_75 = arith.constant 0 : i32
      %dma_wait3A_76 = tpu.memref_slice %arg15[%add3A_50, %dma_wait3A_75] : memref<10240x128xf32, #tpu.memory_space<vmem_shared>> -> memref<128x128xf32, #tpu.memory_space<vmem_shared>>
      tpu.wait_dma2 semaphore(%run_scoped3A : memref<!tpu.dma_semaphore, #tpu.memory_space<semaphore_mem>>) src(%dma_wait3A_76 : memref<128x128xf32, #tpu.memory_space<vmem_shared>>) dst(%dma_wait3A_74 : memref<128x128xf32, #tpu.memory_space<hbm>>)
      tpu.yield
    }) : () -> ()
    %mul3A_51 = arith.constant 640 : i32
    %mul3A_52 = arith.muli %arg1, %mul3A_51 : i32
    %add3A_53 = arith.constant 128 : i32
    %add3A_54 = arith.addi %mul3A_52, %add3A_53 : i32
    "tpu.region"() ({
      %run_scoped3A = tpu.sem_alloc : memref<!tpu.dma_semaphore, #tpu.memory_space<semaphore_mem>>
      %dma_start3A_67 = arith.constant 0 : i32
      %dma_start3A_68 = tpu.memref_slice %arg6[%arg0, %add3A_54, %dma_start3A_67] : memref<2x10240x128xf32, #tpu.memory_space<hbm>> -> memref<1x128x128xf32, #tpu.memory_space<hbm>>
      %dma_start3A_69 = tpu.memref_squeeze %dma_start3A_68 : memref<1x128x128xf32, #tpu.memory_space<hbm>> -> memref<128x128xf32, #tpu.memory_space<hbm>>
      %dma_start3A_70 = arith.constant 0 : i32
      %dma_start3A_71 = tpu.memref_slice %arg15[%add3A_54, %dma_start3A_70] : memref<10240x128xf32, #tpu.memory_space<vmem_shared>> -> memref<128x128xf32, #tpu.memory_space<vmem_shared>>
      tpu.enqueue_dma source(%dma_start3A_71 : memref<128x128xf32, #tpu.memory_space<vmem_shared>>) target(%dma_start3A_69 : memref<128x128xf32, #tpu.memory_space<hbm>>) target_semaphore(%run_scoped3A : memref<!tpu.dma_semaphore, #tpu.memory_space<semaphore_mem>>)
      %dma_wait3A_72 = arith.constant 0 : i32
      %dma_wait3A_73 = tpu.memref_slice %arg6[%arg0, %add3A_54, %dma_wait3A_72] : memref<2x10240x128xf32, #tpu.memory_space<hbm>> -> memref<1x128x128xf32, #tpu.memory_space<hbm>>
      %dma_wait3A_74 = tpu.memref_squeeze %dma_wait3A_73 : memref<1x128x128xf32, #tpu.memory_space<hbm>> -> memref<128x128xf32, #tpu.memory_space<hbm>>
      %dma_wait3A_75 = arith.constant 0 : i32
      %dma_wait3A_76 = tpu.memref_slice %arg15[%add3A_54, %dma_wait3A_75] : memref<10240x128xf32, #tpu.memory_space<vmem_shared>> -> memref<128x128xf32, #tpu.memory_space<vmem_shared>>
      tpu.wait_dma2 semaphore(%run_scoped3A : memref<!tpu.dma_semaphore, #tpu.memory_space<semaphore_mem>>) src(%dma_wait3A_76 : memref<128x128xf32, #tpu.memory_space<vmem_shared>>) dst(%dma_wait3A_74 : memref<128x128xf32, #tpu.memory_space<hbm>>)
      tpu.yield
    }) : () -> ()
    %mul3A_55 = arith.constant 640 : i32
    %mul3A_56 = arith.muli %arg1, %mul3A_55 : i32
    %add3A_57 = arith.constant 256 : i32
    %add3A_58 = arith.addi %mul3A_56, %add3A_57 : i32
    "tpu.region"() ({
      %run_scoped3A = tpu.sem_alloc : memref<!tpu.dma_semaphore, #tpu.memory_space<semaphore_mem>>
      %dma_start3A_67 = arith.constant 0 : i32
      %dma_start3A_68 = tpu.memref_slice %arg6[%arg0, %add3A_58, %dma_start3A_67] : memref<2x10240x128xf32, #tpu.memory_space<hbm>> -> memref<1x128x128xf32, #tpu.memory_space<hbm>>
      %dma_start3A_69 = tpu.memref_squeeze %dma_start3A_68 : memref<1x128x128xf32, #tpu.memory_space<hbm>> -> memref<128x128xf32, #tpu.memory_space<hbm>>
      %dma_start3A_70 = arith.constant 0 : i32
      %dma_start3A_71 = tpu.memref_slice %arg15[%add3A_58, %dma_start3A_70] : memref<10240x128xf32, #tpu.memory_space<vmem_shared>> -> memref<128x128xf32, #tpu.memory_space<vmem_shared>>
      tpu.enqueue_dma source(%dma_start3A_71 : memref<128x128xf32, #tpu.memory_space<vmem_shared>>) target(%dma_start3A_69 : memref<128x128xf32, #tpu.memory_space<hbm>>) target_semaphore(%run_scoped3A : memref<!tpu.dma_semaphore, #tpu.memory_space<semaphore_mem>>)
      %dma_wait3A_72 = arith.constant 0 : i32
      %dma_wait3A_73 = tpu.memref_slice %arg6[%arg0, %add3A_58, %dma_wait3A_72] : memref<2x10240x128xf32, #tpu.memory_space<hbm>> -> memref<1x128x128xf32, #tpu.memory_space<hbm>>
      %dma_wait3A_74 = tpu.memref_squeeze %dma_wait3A_73 : memref<1x128x128xf32, #tpu.memory_space<hbm>> -> memref<128x128xf32, #tpu.memory_space<hbm>>
      %dma_wait3A_75 = arith.constant 0 : i32
      %dma_wait3A_76 = tpu.memref_slice %arg15[%add3A_58, %dma_wait3A_75] : memref<10240x128xf32, #tpu.memory_space<vmem_shared>> -> memref<128x128xf32, #tpu.memory_space<vmem_shared>>
      tpu.wait_dma2 semaphore(%run_scoped3A : memref<!tpu.dma_semaphore, #tpu.memory_space<semaphore_mem>>) src(%dma_wait3A_76 : memref<128x128xf32, #tpu.memory_space<vmem_shared>>) dst(%dma_wait3A_74 : memref<128x128xf32, #tpu.memory_space<hbm>>)
      tpu.yield
    }) : () -> ()
    %mul3A_59 = arith.constant 640 : i32
    %mul3A_60 = arith.muli %arg1, %mul3A_59 : i32
    %add3A_61 = arith.constant 384 : i32
    %add3A_62 = arith.addi %mul3A_60, %add3A_61 : i32
    "tpu.region"() ({
      %run_scoped3A = tpu.sem_alloc : memref<!tpu.dma_semaphore, #tpu.memory_space<semaphore_mem>>
      %dma_start3A_67 = arith.constant 0 : i32
      %dma_start3A_68 = tpu.memref_slice %arg6[%arg0, %add3A_62, %dma_start3A_67] : memref<2x10240x128xf32, #tpu.memory_space<hbm>> -> memref<1x128x128xf32, #tpu.memory_space<hbm>>
      %dma_start3A_69 = tpu.memref_squeeze %dma_start3A_68 : memref<1x128x128xf32, #tpu.memory_space<hbm>> -> memref<128x128xf32, #tpu.memory_space<hbm>>
      %dma_start3A_70 = arith.constant 0 : i32
      %dma_start3A_71 = tpu.memref_slice %arg15[%add3A_62, %dma_start3A_70] : memref<10240x128xf32, #tpu.memory_space<vmem_shared>> -> memref<128x128xf32, #tpu.memory_space<vmem_shared>>
      tpu.enqueue_dma source(%dma_start3A_71 : memref<128x128xf32, #tpu.memory_space<vmem_shared>>) target(%dma_start3A_69 : memref<128x128xf32, #tpu.memory_space<hbm>>) target_semaphore(%run_scoped3A : memref<!tpu.dma_semaphore, #tpu.memory_space<semaphore_mem>>)
      %dma_wait3A_72 = arith.constant 0 : i32
      %dma_wait3A_73 = tpu.memref_slice %arg6[%arg0, %add3A_62, %dma_wait3A_72] : memref<2x10240x128xf32, #tpu.memory_space<hbm>> -> memref<1x128x128xf32, #tpu.memory_space<hbm>>
      %dma_wait3A_74 = tpu.memref_squeeze %dma_wait3A_73 : memref<1x128x128xf32, #tpu.memory_space<hbm>> -> memref<128x128xf32, #tpu.memory_space<hbm>>
      %dma_wait3A_75 = arith.constant 0 : i32
      %dma_wait3A_76 = tpu.memref_slice %arg15[%add3A_62, %dma_wait3A_75] : memref<10240x128xf32, #tpu.memory_space<vmem_shared>> -> memref<128x128xf32, #tpu.memory_space<vmem_shared>>
      tpu.wait_dma2 semaphore(%run_scoped3A : memref<!tpu.dma_semaphore, #tpu.memory_space<semaphore_mem>>) src(%dma_wait3A_76 : memref<128x128xf32, #tpu.memory_space<vmem_shared>>) dst(%dma_wait3A_74 : memref<128x128xf32, #tpu.memory_space<hbm>>)
      tpu.yield
    }) : () -> ()
    %mul3A_63 = arith.constant 640 : i32
    %mul3A_64 = arith.muli %arg1, %mul3A_63 : i32
    %add3A_65 = arith.constant 512 : i32
    %add3A_66 = arith.addi %mul3A_64, %add3A_65 : i32
    "tpu.region"() ({
      %run_scoped3A = tpu.sem_alloc : memref<!tpu.dma_semaphore, #tpu.memory_space<semaphore_mem>>
      %dma_start3A_67 = arith.constant 0 : i32
      %dma_start3A_68 = tpu.memref_slice %arg6[%arg0, %add3A_66, %dma_start3A_67] : memref<2x10240x128xf32, #tpu.memory_space<hbm>> -> memref<1x128x128xf32, #tpu.memory_space<hbm>>
      %dma_start3A_69 = tpu.memref_squeeze %dma_start3A_68 : memref<1x128x128xf32, #tpu.memory_space<hbm>> -> memref<128x128xf32, #tpu.memory_space<hbm>>
      %dma_start3A_70 = arith.constant 0 : i32
      %dma_start3A_71 = tpu.memref_slice %arg15[%add3A_66, %dma_start3A_70] : memref<10240x128xf32, #tpu.memory_space<vmem_shared>> -> memref<128x128xf32, #tpu.memory_space<vmem_shared>>
      tpu.enqueue_dma source(%dma_start3A_71 : memref<128x128xf32, #tpu.memory_space<vmem_shared>>) target(%dma_start3A_69 : memref<128x128xf32, #tpu.memory_space<hbm>>) target_semaphore(%run_scoped3A : memref<!tpu.dma_semaphore, #tpu.memory_space<semaphore_mem>>)
      %dma_wait3A_72 = arith.constant 0 : i32
      %dma_wait3A_73 = tpu.memref_slice %arg6[%arg0, %add3A_66, %dma_wait3A_72] : memref<2x10240x128xf32, #tpu.memory_space<hbm>> -> memref<1x128x128xf32, #tpu.memory_space<hbm>>
      %dma_wait3A_74 = tpu.memref_squeeze %dma_wait3A_73 : memref<1x128x128xf32, #tpu.memory_space<hbm>> -> memref<128x128xf32, #tpu.memory_space<hbm>>
      %dma_wait3A_75 = arith.constant 0 : i32
      %dma_wait3A_76 = tpu.memref_slice %arg15[%add3A_66, %dma_wait3A_75] : memref<10240x128xf32, #tpu.memory_space<vmem_shared>> -> memref<128x128xf32, #tpu.memory_space<vmem_shared>>
      tpu.wait_dma2 semaphore(%run_scoped3A : memref<!tpu.dma_semaphore, #tpu.memory_space<semaphore_mem>>) src(%dma_wait3A_76 : memref<128x128xf32, #tpu.memory_space<vmem_shared>>) dst(%dma_wait3A_74 : memref<128x128xf32, #tpu.memory_space<hbm>>)
      tpu.yield
    }) : () -> ()
    return
  }
}

#map = affine_map<(d0, d1) -> (0, 0)>
#map1 = affine_map<(d0, d1) -> (0)>
#map2 = affine_map<(d0, d1) -> (0, 0, 0)>
module attributes {stable_mosaic.version = 14 : i64} {
  func.func @k(%arg0: i32, %arg1: i32, %arg2: memref<10240x128xf32, #tpu.memory_space<hbm>>, %arg3: memref<320000x128xf32, #tpu.memory_space<hbm>>, %arg4: memref<320000xi32, #tpu.memory_space<hbm>>, %arg5: memref<320000xi32, #tpu.memory_space<hbm>>, %arg6: memref<2x10240x128xf32, #tpu.memory_space<hbm>>, %arg7: memref<128xi32, #tpu.memory_space<vmem>>, %arg8: memref<128xi32, #tpu.memory_space<vmem>>, %arg9: memref<128x128xf32, #tpu.memory_space<vmem>>, %arg10: memref<128x128xf32, #tpu.memory_space<vmem>>, %arg11: memref<16xi32, #tpu.memory_space<vmem>>, %arg12: memref<16xi32, #tpu.memory_space<vmem>>, %arg13: memref<16x128xf32, #tpu.memory_space<vmem>>, %arg14: memref<16x128xf32, #tpu.memory_space<vmem>>, %arg15: memref<10240x128xf32, #tpu.memory_space<vmem_shared>>, %arg16: memref<!tpu.dma_semaphore, #tpu.memory_space<semaphore_mem>>) attributes {dimension_semantics = [#tpu.dimension_semantics<core_parallel>, #tpu.dimension_semantics<subcore_parallel>], iteration_bounds = array<i64: 2, 16>, scalar_prefetch = 0 : i64, scratch_operands = 10 : i64, tpu.core_type = #tpu.core_type<sc_vector_subcore>, window_params = [{transform_indices = #map}, {transform_indices = #map}, {transform_indices = #map1}, {transform_indices = #map1}, {transform_indices = #map2}]} {
    %scan3A = arith.constant 0 : i32
    %scan3A_0 = arith.constant 0 : i32
    %scan3A_1 = arith.constant 128 : i32
    %scan3A_2 = arith.addi %scan3A_0, %scan3A_1 : i32
    %scan3A_3 = arith.constant 1 : i32
    scf.for %scan3A_67 = %scan3A_0 to %scan3A_2 step %scan3A_3  : i32 {
      %broadcast_in_dim3A = arith.constant 0.000000e+00 : f32
      %broadcast_in_dim3A_68 = vector.broadcast %broadcast_in_dim3A : f32 to vector<16xf32>
      %swap3A = arith.index_cast %scan3A_67 : i32 to index
      %swap3A_69 = arith.constant 0 : index
      %swap3A_70 = tpu.vector_load %arg9[%swap3A, %swap3A_69] {strides = array<i32>} : memref<128x128xf32, #tpu.memory_space<vmem>>, vector<1x16xf32>,
      %swap3A_71 = vector.shape_cast %swap3A_70 : vector<1x16xf32> to vector<16xf32>
      %swap3A_72 = vector.shape_cast %broadcast_in_dim3A_68 : vector<16xf32> to vector<1x16xf32>
      tpu.vector_store %arg9[%swap3A, %swap3A_69], %swap3A_72 {strides = array<i32>} : memref<128x128xf32, #tpu.memory_space<vmem>>, vector<1x16xf32>,
      %broadcast_in_dim3A_73 = arith.constant 0.000000e+00 : f32
      %broadcast_in_dim3A_74 = vector.broadcast %broadcast_in_dim3A_73 : f32 to vector<16xf32>
      %swap3A_75 = arith.index_cast %scan3A_67 : i32 to index
      %swap3A_76 = arith.constant 16 : index
      %swap3A_77 = tpu.vector_load %arg9[%swap3A_75, %swap3A_76] {strides = array<i32>} : memref<128x128xf32, #tpu.memory_space<vmem>>, vector<1x16xf32>,
      %swap3A_78 = vector.shape_cast %swap3A_77 : vector<1x16xf32> to vector<16xf32>
      %swap3A_79 = vector.shape_cast %broadcast_in_dim3A_74 : vector<16xf32> to vector<1x16xf32>
      tpu.vector_store %arg9[%swap3A_75, %swap3A_76], %swap3A_79 {strides = array<i32>} : memref<128x128xf32, #tpu.memory_space<vmem>>, vector<1x16xf32>,
      %broadcast_in_dim3A_80 = arith.constant 0.000000e+00 : f32
      %broadcast_in_dim3A_81 = vector.broadcast %broadcast_in_dim3A_80 : f32 to vector<16xf32>
      %swap3A_82 = arith.index_cast %scan3A_67 : i32 to index
      %swap3A_83 = arith.constant 32 : index
      %swap3A_84 = tpu.vector_load %arg9[%swap3A_82, %swap3A_83] {strides = array<i32>} : memref<128x128xf32, #tpu.memory_space<vmem>>, vector<1x16xf32>,
      %swap3A_85 = vector.shape_cast %swap3A_84 : vector<1x16xf32> to vector<16xf32>
      %swap3A_86 = vector.shape_cast %broadcast_in_dim3A_81 : vector<16xf32> to vector<1x16xf32>
      tpu.vector_store %arg9[%swap3A_82, %swap3A_83], %swap3A_86 {strides = array<i32>} : memref<128x128xf32, #tpu.memory_space<vmem>>, vector<1x16xf32>,
      %broadcast_in_dim3A_87 = arith.constant 0.000000e+00 : f32
      %broadcast_in_dim3A_88 = vector.broadcast %broadcast_in_dim3A_87 : f32 to vector<16xf32>
      %swap3A_89 = arith.index_cast %scan3A_67 : i32 to index
      %swap3A_90 = arith.constant 48 : index
      %swap3A_91 = tpu.vector_load %arg9[%swap3A_89, %swap3A_90] {strides = array<i32>} : memref<128x128xf32, #tpu.memory_space<vmem>>, vector<1x16xf32>,
      %swap3A_92 = vector.shape_cast %swap3A_91 : vector<1x16xf32> to vector<16xf32>
      %swap3A_93 = vector.shape_cast %broadcast_in_dim3A_88 : vector<16xf32> to vector<1x16xf32>
      tpu.vector_store %arg9[%swap3A_89, %swap3A_90], %swap3A_93 {strides = array<i32>} : memref<128x128xf32, #tpu.memory_space<vmem>>, vector<1x16xf32>,
      %broadcast_in_dim3A_94 = arith.constant 0.000000e+00 : f32
      %broadcast_in_dim3A_95 = vector.broadcast %broadcast_in_dim3A_94 : f32 to vector<16xf32>
      %swap3A_96 = arith.index_cast %scan3A_67 : i32 to index
      %swap3A_97 = arith.constant 64 : index
      %swap3A_98 = tpu.vector_load %arg9[%swap3A_96, %swap3A_97] {strides = array<i32>} : memref<128x128xf32, #tpu.memory_space<vmem>>, vector<1x16xf32>,
      %swap3A_99 = vector.shape_cast %swap3A_98 : vector<1x16xf32> to vector<16xf32>
      %swap3A_100 = vector.shape_cast %broadcast_in_dim3A_95 : vector<16xf32> to vector<1x16xf32>
      tpu.vector_store %arg9[%swap3A_96, %swap3A_97], %swap3A_100 {strides = array<i32>} : memref<128x128xf32, #tpu.memory_space<vmem>>, vector<1x16xf32>,
      %broadcast_in_dim3A_101 = arith.constant 0.000000e+00 : f32
      %broadcast_in_dim3A_102 = vector.broadcast %broadcast_in_dim3A_101 : f32 to vector<16xf32>
      %swap3A_103 = arith.index_cast %scan3A_67 : i32 to index
      %swap3A_104 = arith.constant 80 : index
      %swap3A_105 = tpu.vector_load %arg9[%swap3A_103, %swap3A_104] {strides = array<i32>} : memref<128x128xf32, #tpu.memory_space<vmem>>, vector<1x16xf32>,
      %swap3A_106 = vector.shape_cast %swap3A_105 : vector<1x16xf32> to vector<16xf32>
      %swap3A_107 = vector.shape_cast %broadcast_in_dim3A_102 : vector<16xf32> to vector<1x16xf32>
      tpu.vector_store %arg9[%swap3A_103, %swap3A_104], %swap3A_107 {strides = array<i32>} : memref<128x128xf32, #tpu.memory_space<vmem>>, vector<1x16xf32>,
      %broadcast_in_dim3A_108 = arith.constant 0.000000e+00 : f32
      %broadcast_in_dim3A_109 = vector.broadcast %broadcast_in_dim3A_108 : f32 to vector<16xf32>
      %swap3A_110 = arith.index_cast %scan3A_67 : i32 to index
      %swap3A_111 = arith.constant 96 : index
      %swap3A_112 = tpu.vector_load %arg9[%swap3A_110, %swap3A_111] {strides = array<i32>} : memref<128x128xf32, #tpu.memory_space<vmem>>, vector<1x16xf32>,
      %swap3A_113 = vector.shape_cast %swap3A_112 : vector<1x16xf32> to vector<16xf32>
      %swap3A_114 = vector.shape_cast %broadcast_in_dim3A_109 : vector<16xf32> to vector<1x16xf32>
      tpu.vector_store %arg9[%swap3A_110, %swap3A_111], %swap3A_114 {strides = array<i32>} : memref<128x128xf32, #tpu.memory_space<vmem>>, vector<1x16xf32>,
      %broadcast_in_dim3A_115 = arith.constant 0.000000e+00 : f32
      %broadcast_in_dim3A_116 = vector.broadcast %broadcast_in_dim3A_115 : f32 to vector<16xf32>
      %swap3A_117 = arith.index_cast %scan3A_67 : i32 to index
      %swap3A_118 = arith.constant 112 : index
      %swap3A_119 = tpu.vector_load %arg9[%swap3A_117, %swap3A_118] {strides = array<i32>} : memref<128x128xf32, #tpu.memory_space<vmem>>, vector<1x16xf32>,
      %swap3A_120 = vector.shape_cast %swap3A_119 : vector<1x16xf32> to vector<16xf32>
      %swap3A_121 = vector.shape_cast %broadcast_in_dim3A_116 : vector<16xf32> to vector<1x16xf32>
      tpu.vector_store %arg9[%swap3A_117, %swap3A_118], %swap3A_121 {strides = array<i32>} : memref<128x128xf32, #tpu.memory_space<vmem>>, vector<1x16xf32>,
    }
    %scan3A_4 = arith.constant 128 : i32
    %mul3A = arith.constant 640 : i32
    %mul3A_5 = arith.muli %arg1, %mul3A : i32
    %add3A = arith.constant 0 : i32
    %add3A_6 = arith.addi %mul3A_5, %add3A : i32
    "tpu.region"() ({
      %run_scoped3A = tpu.sem_alloc : memref<!tpu.dma_semaphore, #tpu.memory_space<semaphore_mem>>
      %dma_start3A_67 = arith.constant 0 : i32
      %dma_start3A_68 = tpu.memref_slice %arg15[%add3A_6, %dma_start3A_67] : memref<10240x128xf32, #tpu.memory_space<vmem_shared>> -> memref<128x128xf32, #tpu.memory_space<vmem_shared>>
      %dma_start3A_69 = arith.constant 0 : i32
      %dma_start3A_70 = tpu.memref_slice %arg15[%add3A_6, %dma_start3A_69] : memref<10240x128xf32, #tpu.memory_space<vmem_shared>> -> memref<128x128xf32, #tpu.memory_space<vmem_shared>>
      tpu.enqueue_dma source(%arg9 : memref<128x128xf32, #tpu.memory_space<vmem>>) target(%dma_start3A_70 : memref<128x128xf32, #tpu.memory_space<vmem_shared>>) target_semaphore(%run_scoped3A : memref<!tpu.dma_semaphore, #tpu.memory_space<semaphore_mem>>)
      %dma_wait3A_71 = arith.constant 0 : i32
      %dma_wait3A_72 = tpu.memref_slice %arg15[%add3A_6, %dma_wait3A_71] : memref<10240x128xf32, #tpu.memory_space<vmem_shared>> -> memref<128x128xf32, #tpu.memory_space<vmem_shared>>
      %dma_wait3A_73 = arith.constant 0 : i32
      %dma_wait3A_74 = tpu.memref_slice %arg15[%add3A_6, %dma_wait3A_73] : memref<10240x128xf32, #tpu.memory_space<vmem_shared>> -> memref<128x128xf32, #tpu.memory_space<vmem_shared>>
      tpu.wait_dma2 semaphore(%run_scoped3A : memref<!tpu.dma_semaphore, #tpu.memory_space<semaphore_mem>>) src(%arg9 : memref<128x128xf32, #tpu.memory_space<vmem>>) dst(%dma_wait3A_74 : memref<128x128xf32, #tpu.memory_space<vmem_shared>>)
      tpu.yield
    }) : () -> ()
    %mul3A_7 = arith.constant 640 : i32
    %mul3A_8 = arith.muli %arg1, %mul3A_7 : i32
    %add3A_9 = arith.constant 128 : i32
    %add3A_10 = arith.addi %mul3A_8, %add3A_9 : i32
    "tpu.region"() ({
      %run_scoped3A = tpu.sem_alloc : memref<!tpu.dma_semaphore, #tpu.memory_space<semaphore_mem>>
      %dma_start3A_67 = arith.constant 0 : i32
      %dma_start3A_68 = tpu.memref_slice %arg15[%add3A_10, %dma_start3A_67] : memref<10240x128xf32, #tpu.memory_space<vmem_shared>> -> memref<128x128xf32, #tpu.memory_space<vmem_shared>>
      %dma_start3A_69 = arith.constant 0 : i32
      %dma_start3A_70 = tpu.memref_slice %arg15[%add3A_10, %dma_start3A_69] : memref<10240x128xf32, #tpu.memory_space<vmem_shared>> -> memref<128x128xf32, #tpu.memory_space<vmem_shared>>
      tpu.enqueue_dma source(%arg9 : memref<128x128xf32, #tpu.memory_space<vmem>>) target(%dma_start3A_70 : memref<128x128xf32, #tpu.memory_space<vmem_shared>>) target_semaphore(%run_scoped3A : memref<!tpu.dma_semaphore, #tpu.memory_space<semaphore_mem>>)
      %dma_wait3A_71 = arith.constant 0 : i32
      %dma_wait3A_72 = tpu.memref_slice %arg15[%add3A_10, %dma_wait3A_71] : memref<10240x128xf32, #tpu.memory_space<vmem_shared>> -> memref<128x128xf32, #tpu.memory_space<vmem_shared>>
      %dma_wait3A_73 = arith.constant 0 : i32
      %dma_wait3A_74 = tpu.memref_slice %arg15[%add3A_10, %dma_wait3A_73] : memref<10240x128xf32, #tpu.memory_space<vmem_shared>> -> memref<128x128xf32, #tpu.memory_space<vmem_shared>>
      tpu.wait_dma2 semaphore(%run_scoped3A : memref<!tpu.dma_semaphore, #tpu.memory_space<semaphore_mem>>) src(%arg9 : memref<128x128xf32, #tpu.memory_space<vmem>>) dst(%dma_wait3A_74 : memref<128x128xf32, #tpu.memory_space<vmem_shared>>)
      tpu.yield
    }) : () -> ()
    %mul3A_11 = arith.constant 640 : i32
    %mul3A_12 = arith.muli %arg1, %mul3A_11 : i32
    %add3A_13 = arith.constant 256 : i32
    %add3A_14 = arith.addi %mul3A_12, %add3A_13 : i32
    "tpu.region"() ({
      %run_scoped3A = tpu.sem_alloc : memref<!tpu.dma_semaphore, #tpu.memory_space<semaphore_mem>>
      %dma_start3A_67 = arith.constant 0 : i32
      %dma_start3A_68 = tpu.memref_slice %arg15[%add3A_14, %dma_start3A_67] : memref<10240x128xf32, #tpu.memory_space<vmem_shared>> -> memref<128x128xf32, #tpu.memory_space<vmem_shared>>
      %dma_start3A_69 = arith.constant 0 : i32
      %dma_start3A_70 = tpu.memref_slice %arg15[%add3A_14, %dma_start3A_69] : memref<10240x128xf32, #tpu.memory_space<vmem_shared>> -> memref<128x128xf32, #tpu.memory_space<vmem_shared>>
      tpu.enqueue_dma source(%arg9 : memref<128x128xf32, #tpu.memory_space<vmem>>) target(%dma_start3A_70 : memref<128x128xf32, #tpu.memory_space<vmem_shared>>) target_semaphore(%run_scoped3A : memref<!tpu.dma_semaphore, #tpu.memory_space<semaphore_mem>>)
      %dma_wait3A_71 = arith.constant 0 : i32
      %dma_wait3A_72 = tpu.memref_slice %arg15[%add3A_14, %dma_wait3A_71] : memref<10240x128xf32, #tpu.memory_space<vmem_shared>> -> memref<128x128xf32, #tpu.memory_space<vmem_shared>>
      %dma_wait3A_73 = arith.constant 0 : i32
      %dma_wait3A_74 = tpu.memref_slice %arg15[%add3A_14, %dma_wait3A_73] : memref<10240x128xf32, #tpu.memory_space<vmem_shared>> -> memref<128x128xf32, #tpu.memory_space<vmem_shared>>
      tpu.wait_dma2 semaphore(%run_scoped3A : memref<!tpu.dma_semaphore, #tpu.memory_space<semaphore_mem>>) src(%arg9 : memref<128x128xf32, #tpu.memory_space<vmem>>) dst(%dma_wait3A_74 : memref<128x128xf32, #tpu.memory_space<vmem_shared>>)
      tpu.yield
    }) : () -> ()
    %mul3A_15 = arith.constant 640 : i32
    %mul3A_16 = arith.muli %arg1, %mul3A_15 : i32
    %add3A_17 = arith.constant 384 : i32
    %add3A_18 = arith.addi %mul3A_16, %add3A_17 : i32
    "tpu.region"() ({
      %run_scoped3A = tpu.sem_alloc : memref<!tpu.dma_semaphore, #tpu.memory_space<semaphore_mem>>
      %dma_start3A_67 = arith.constant 0 : i32
      %dma_start3A_68 = tpu.memref_slice %arg15[%add3A_18, %dma_start3A_67] : memref<10240x128xf32, #tpu.memory_space<vmem_shared>> -> memref<128x128xf32, #tpu.memory_space<vmem_shared>>
      %dma_start3A_69 = arith.constant 0 : i32
      %dma_start3A_70 = tpu.memref_slice %arg15[%add3A_18, %dma_start3A_69] : memref<10240x128xf32, #tpu.memory_space<vmem_shared>> -> memref<128x128xf32, #tpu.memory_space<vmem_shared>>
      tpu.enqueue_dma source(%arg9 : memref<128x128xf32, #tpu.memory_space<vmem>>) target(%dma_start3A_70 : memref<128x128xf32, #tpu.memory_space<vmem_shared>>) target_semaphore(%run_scoped3A : memref<!tpu.dma_semaphore, #tpu.memory_space<semaphore_mem>>)
      %dma_wait3A_71 = arith.constant 0 : i32
      %dma_wait3A_72 = tpu.memref_slice %arg15[%add3A_18, %dma_wait3A_71] : memref<10240x128xf32, #tpu.memory_space<vmem_shared>> -> memref<128x128xf32, #tpu.memory_space<vmem_shared>>
      %dma_wait3A_73 = arith.constant 0 : i32
      %dma_wait3A_74 = tpu.memref_slice %arg15[%add3A_18, %dma_wait3A_73] : memref<10240x128xf32, #tpu.memory_space<vmem_shared>> -> memref<128x128xf32, #tpu.memory_space<vmem_shared>>
      tpu.wait_dma2 semaphore(%run_scoped3A : memref<!tpu.dma_semaphore, #tpu.memory_space<semaphore_mem>>) src(%arg9 : memref<128x128xf32, #tpu.memory_space<vmem>>) dst(%dma_wait3A_74 : memref<128x128xf32, #tpu.memory_space<vmem_shared>>)
      tpu.yield
    }) : () -> ()
    %mul3A_19 = arith.constant 640 : i32
    %mul3A_20 = arith.muli %arg1, %mul3A_19 : i32
    %add3A_21 = arith.constant 512 : i32
    %add3A_22 = arith.addi %mul3A_20, %add3A_21 : i32
    "tpu.region"() ({
      %run_scoped3A = tpu.sem_alloc : memref<!tpu.dma_semaphore, #tpu.memory_space<semaphore_mem>>
      %dma_start3A_67 = arith.constant 0 : i32
      %dma_start3A_68 = tpu.memref_slice %arg15[%add3A_22, %dma_start3A_67] : memref<10240x128xf32, #tpu.memory_space<vmem_shared>> -> memref<128x128xf32, #tpu.memory_space<vmem_shared>>
      %dma_start3A_69 = arith.constant 0 : i32
      %dma_start3A_70 = tpu.memref_slice %arg15[%add3A_22, %dma_start3A_69] : memref<10240x128xf32, #tpu.memory_space<vmem_shared>> -> memref<128x128xf32, #tpu.memory_space<vmem_shared>>
      tpu.enqueue_dma source(%arg9 : memref<128x128xf32, #tpu.memory_space<vmem>>) target(%dma_start3A_70 : memref<128x128xf32, #tpu.memory_space<vmem_shared>>) target_semaphore(%run_scoped3A : memref<!tpu.dma_semaphore, #tpu.memory_space<semaphore_mem>>)
      %dma_wait3A_71 = arith.constant 0 : i32
      %dma_wait3A_72 = tpu.memref_slice %arg15[%add3A_22, %dma_wait3A_71] : memref<10240x128xf32, #tpu.memory_space<vmem_shared>> -> memref<128x128xf32, #tpu.memory_space<vmem_shared>>
      %dma_wait3A_73 = arith.constant 0 : i32
      %dma_wait3A_74 = tpu.memref_slice %arg15[%add3A_22, %dma_wait3A_73] : memref<10240x128xf32, #tpu.memory_space<vmem_shared>> -> memref<128x128xf32, #tpu.memory_space<vmem_shared>>
      tpu.wait_dma2 semaphore(%run_scoped3A : memref<!tpu.dma_semaphore, #tpu.memory_space<semaphore_mem>>) src(%arg9 : memref<128x128xf32, #tpu.memory_space<vmem>>) dst(%dma_wait3A_74 : memref<128x128xf32, #tpu.memory_space<vmem_shared>>)
      tpu.yield
    }) : () -> ()
    %barrier3A = arith.constant 0 : index
    tpu.barrier barrier_id(%barrier3A)
    %mul3A_23 = arith.constant 16 : i32
    %mul3A_24 = arith.muli %arg0, %mul3A_23 : i32
    %add3A_25 = arith.addi %mul3A_24, %arg1 : i32
    %mul3A_26 = arith.constant 10000 : i32
    %mul3A_27 = arith.muli %add3A_25, %mul3A_26 : i32
    %scan3A_28 = arith.constant 0 : i32
    %scan3A_29 = arith.constant 0 : i32
    %scan3A_30 = arith.constant 78 : i32
    %scan3A_31 = arith.addi %scan3A_29, %scan3A_30 : i32
    %scan3A_32 = arith.constant 1 : i32
    scf.for %scan3A_67 = %scan3A_29 to %scan3A_31 step %scan3A_32  : i32 {
      %mul3A_68 = arith.constant 128 : i32
      %mul3A_69 = arith.muli %scan3A_67, %mul3A_68 : i32
      %add3A_70 = arith.addi %mul3A_27, %mul3A_69 : i32
      "tpu.region"() ({
        %run_scoped3A = tpu.sem_alloc : memref<!tpu.dma_semaphore, #tpu.memory_space<semaphore_mem>>
        %dma_start3A_83 = tpu.memref_slice %arg4[%add3A_70] : memref<320000xi32, #tpu.memory_space<hbm>> -> memref<128xi32, #tpu.memory_space<hbm>>
        %dma_start3A_84 = tpu.memref_slice %arg4[%add3A_70] : memref<320000xi32, #tpu.memory_space<hbm>> -> memref<128xi32, #tpu.memory_space<hbm>>
        tpu.enqueue_dma source(%dma_start3A_84 : memref<128xi32, #tpu.memory_space<hbm>>) target(%arg7 : memref<128xi32, #tpu.memory_space<vmem>>) target_semaphore(%run_scoped3A : memref<!tpu.dma_semaphore, #tpu.memory_space<semaphore_mem>>)
        %dma_wait3A_85 = tpu.memref_slice %arg4[%add3A_70] : memref<320000xi32, #tpu.memory_space<hbm>> -> memref<128xi32, #tpu.memory_space<hbm>>
        %dma_wait3A_86 = tpu.memref_slice %arg4[%add3A_70] : memref<320000xi32, #tpu.memory_space<hbm>> -> memref<128xi32, #tpu.memory_space<hbm>>
        tpu.wait_dma2 semaphore(%run_scoped3A : memref<!tpu.dma_semaphore, #tpu.memory_space<semaphore_mem>>) src(%dma_wait3A_86 : memref<128xi32, #tpu.memory_space<hbm>>) dst(%arg7 : memref<128xi32, #tpu.memory_space<vmem>>)
        tpu.yield
      }) : () -> ()
      "tpu.region"() ({
        %run_scoped3A = tpu.sem_alloc : memref<!tpu.dma_semaphore, #tpu.memory_space<semaphore_mem>>
        %dma_start3A_83 = tpu.memref_slice %arg5[%add3A_70] : memref<320000xi32, #tpu.memory_space<hbm>> -> memref<128xi32, #tpu.memory_space<hbm>>
        %dma_start3A_84 = tpu.memref_slice %arg5[%add3A_70] : memref<320000xi32, #tpu.memory_space<hbm>> -> memref<128xi32, #tpu.memory_space<hbm>>
        tpu.enqueue_dma source(%dma_start3A_84 : memref<128xi32, #tpu.memory_space<hbm>>) target(%arg8 : memref<128xi32, #tpu.memory_space<vmem>>) target_semaphore(%run_scoped3A : memref<!tpu.dma_semaphore, #tpu.memory_space<semaphore_mem>>)
        %dma_wait3A_85 = tpu.memref_slice %arg5[%add3A_70] : memref<320000xi32, #tpu.memory_space<hbm>> -> memref<128xi32, #tpu.memory_space<hbm>>
        %dma_wait3A_86 = tpu.memref_slice %arg5[%add3A_70] : memref<320000xi32, #tpu.memory_space<hbm>> -> memref<128xi32, #tpu.memory_space<hbm>>
        tpu.wait_dma2 semaphore(%run_scoped3A : memref<!tpu.dma_semaphore, #tpu.memory_space<semaphore_mem>>) src(%dma_wait3A_86 : memref<128xi32, #tpu.memory_space<hbm>>) dst(%arg8 : memref<128xi32, #tpu.memory_space<vmem>>)
        tpu.yield
      }) : () -> ()
      %dma_start3A_71 = arith.constant 0 : i32
      %dma_start3A_72 = arith.constant 0 : i32
      %dma_start3A_73 = tpu.memref_slice %arg2[%dma_start3A_71, %dma_start3A_72] : memref<10240x128xf32, #tpu.memory_space<hbm>> -> memref<10240x128xf32, #tpu.memory_space<hbm>>
      tpu.enqueue_indirect_dma source(%dma_start3A_73 : memref<10240x128xf32, #tpu.memory_space<hbm>>) target(%arg10 : memref<128x128xf32, #tpu.memory_space<vmem>>) offsets(%arg7 : memref<128xi32, #tpu.memory_space<vmem>>) semaphore(%arg16 : memref<!tpu.dma_semaphore, #tpu.memory_space<semaphore_mem>>)
      %dma_wait3A_74 = arith.constant 0 : i32
      %dma_wait3A_75 = arith.constant 0 : i32
      %dma_wait3A_76 = tpu.memref_slice %arg2[%dma_wait3A_74, %dma_wait3A_75] : memref<10240x128xf32, #tpu.memory_space<hbm>> -> memref<10240x128xf32, #tpu.memory_space<hbm>>
      tpu.wait_indirect_dma semaphore(%arg16 : memref<!tpu.dma_semaphore, #tpu.memory_space<semaphore_mem>>) src(%dma_wait3A_76 : memref<10240x128xf32, #tpu.memory_space<hbm>>) dst(%arg10 : memref<128x128xf32, #tpu.memory_space<vmem>>)
      "tpu.region"() ({
        %run_scoped3A = tpu.sem_alloc : memref<!tpu.dma_semaphore, #tpu.memory_space<semaphore_mem>>
        %dma_start3A_83 = arith.constant 0 : i32
        %dma_start3A_84 = tpu.memref_slice %arg3[%add3A_70, %dma_start3A_83] : memref<320000x128xf32, #tpu.memory_space<hbm>> -> memref<128x128xf32, #tpu.memory_space<hbm>>
        %dma_start3A_85 = arith.constant 0 : i32
        %dma_start3A_86 = tpu.memref_slice %arg3[%add3A_70, %dma_start3A_85] : memref<320000x128xf32, #tpu.memory_space<hbm>> -> memref<128x128xf32, #tpu.memory_space<hbm>>
        tpu.enqueue_dma source(%dma_start3A_86 : memref<128x128xf32, #tpu.memory_space<hbm>>) target(%arg9 : memref<128x128xf32, #tpu.memory_space<vmem>>) target_semaphore(%run_scoped3A : memref<!tpu.dma_semaphore, #tpu.memory_space<semaphore_mem>>)
        %dma_wait3A_87 = arith.constant 0 : i32
        %dma_wait3A_88 = tpu.memref_slice %arg3[%add3A_70, %dma_wait3A_87] : memref<320000x128xf32, #tpu.memory_space<hbm>> -> memref<128x128xf32, #tpu.memory_space<hbm>>
        %dma_wait3A_89 = arith.constant 0 : i32
        %dma_wait3A_90 = tpu.memref_slice %arg3[%add3A_70, %dma_wait3A_89] : memref<320000x128xf32, #tpu.memory_space<hbm>> -> memref<128x128xf32, #tpu.memory_space<hbm>>
        tpu.wait_dma2 semaphore(%run_scoped3A : memref<!tpu.dma_semaphore, #tpu.memory_space<semaphore_mem>>) src(%dma_wait3A_90 : memref<128x128xf32, #tpu.memory_space<hbm>>) dst(%arg9 : memref<128x128xf32, #tpu.memory_space<vmem>>)
        tpu.yield
      }) : () -> ()
      %scan3A_77 = arith.constant 0 : i32
      %scan3A_78 = arith.constant 0 : i32
      %scan3A_79 = arith.constant 128 : i32
      %scan3A_80 = arith.addi %scan3A_78, %scan3A_79 : i32
      %scan3A_81 = arith.constant 1 : i32
      scf.for %scan3A_83 = %scan3A_78 to %scan3A_80 step %scan3A_81  : i32 {
        %get3A = arith.index_cast %scan3A_83 : i32 to index
        %get3A_84 = arith.constant 0 : index
        %get3A_85 = tpu.vector_load %arg9[%get3A, %get3A_84] {strides = array<i32>} : memref<128x128xf32, #tpu.memory_space<vmem>>, vector<1x16xf32>,
        %get3A_86 = vector.shape_cast %get3A_85 : vector<1x16xf32> to vector<16xf32>
        %get3A_87 = arith.index_cast %scan3A_83 : i32 to index
        %get3A_88 = arith.constant 0 : index
        %get3A_89 = tpu.vector_load %arg10[%get3A_87, %get3A_88] {strides = array<i32>} : memref<128x128xf32, #tpu.memory_space<vmem>>, vector<1x16xf32>,
        %get3A_90 = vector.shape_cast %get3A_89 : vector<1x16xf32> to vector<16xf32>
        %add3A_91 = arith.addf %get3A_86, %get3A_90 : vector<16xf32>
        %max3A = arith.constant 0.000000e+00 : f32
        %max3A_92 = vector.broadcast %max3A : f32 to vector<16xf32>
        %max3A_93 = arith.maximumf %add3A_91, %max3A_92 : vector<16xf32>
        %swap3A = arith.index_cast %scan3A_83 : i32 to index
        %swap3A_94 = arith.constant 0 : index
        %swap3A_95 = tpu.vector_load %arg9[%swap3A, %swap3A_94] {strides = array<i32>} : memref<128x128xf32, #tpu.memory_space<vmem>>, vector<1x16xf32>,
        %swap3A_96 = vector.shape_cast %swap3A_95 : vector<1x16xf32> to vector<16xf32>
        %swap3A_97 = vector.shape_cast %max3A_93 : vector<16xf32> to vector<1x16xf32>
        tpu.vector_store %arg9[%swap3A, %swap3A_94], %swap3A_97 {strides = array<i32>} : memref<128x128xf32, #tpu.memory_space<vmem>>, vector<1x16xf32>,
        %get3A_98 = arith.index_cast %scan3A_83 : i32 to index
        %get3A_99 = arith.constant 16 : index
        %get3A_100 = tpu.vector_load %arg9[%get3A_98, %get3A_99] {strides = array<i32>} : memref<128x128xf32, #tpu.memory_space<vmem>>, vector<1x16xf32>,
        %get3A_101 = vector.shape_cast %get3A_100 : vector<1x16xf32> to vector<16xf32>
        %get3A_102 = arith.index_cast %scan3A_83 : i32 to index
        %get3A_103 = arith.constant 16 : index
        %get3A_104 = tpu.vector_load %arg10[%get3A_102, %get3A_103] {strides = array<i32>} : memref<128x128xf32, #tpu.memory_space<vmem>>, vector<1x16xf32>,
        %get3A_105 = vector.shape_cast %get3A_104 : vector<1x16xf32> to vector<16xf32>
        %add3A_106 = arith.addf %get3A_101, %get3A_105 : vector<16xf32>
        %max3A_107 = arith.constant 0.000000e+00 : f32
        %max3A_108 = vector.broadcast %max3A_107 : f32 to vector<16xf32>
        %max3A_109 = arith.maximumf %add3A_106, %max3A_108 : vector<16xf32>
        %swap3A_110 = arith.index_cast %scan3A_83 : i32 to index
        %swap3A_111 = arith.constant 16 : index
        %swap3A_112 = tpu.vector_load %arg9[%swap3A_110, %swap3A_111] {strides = array<i32>} : memref<128x128xf32, #tpu.memory_space<vmem>>, vector<1x16xf32>,
        %swap3A_113 = vector.shape_cast %swap3A_112 : vector<1x16xf32> to vector<16xf32>
        %swap3A_114 = vector.shape_cast %max3A_109 : vector<16xf32> to vector<1x16xf32>
        tpu.vector_store %arg9[%swap3A_110, %swap3A_111], %swap3A_114 {strides = array<i32>} : memref<128x128xf32, #tpu.memory_space<vmem>>, vector<1x16xf32>,
        %get3A_115 = arith.index_cast %scan3A_83 : i32 to index
        %get3A_116 = arith.constant 32 : index
        %get3A_117 = tpu.vector_load %arg9[%get3A_115, %get3A_116] {strides = array<i32>} : memref<128x128xf32, #tpu.memory_space<vmem>>, vector<1x16xf32>,
        %get3A_118 = vector.shape_cast %get3A_117 : vector<1x16xf32> to vector<16xf32>
        %get3A_119 = arith.index_cast %scan3A_83 : i32 to index
        %get3A_120 = arith.constant 32 : index
        %get3A_121 = tpu.vector_load %arg10[%get3A_119, %get3A_120] {strides = array<i32>} : memref<128x128xf32, #tpu.memory_space<vmem>>, vector<1x16xf32>,
        %get3A_122 = vector.shape_cast %get3A_121 : vector<1x16xf32> to vector<16xf32>
        %add3A_123 = arith.addf %get3A_118, %get3A_122 : vector<16xf32>
        %max3A_124 = arith.constant 0.000000e+00 : f32
        %max3A_125 = vector.broadcast %max3A_124 : f32 to vector<16xf32>
        %max3A_126 = arith.maximumf %add3A_123, %max3A_125 : vector<16xf32>
        %swap3A_127 = arith.index_cast %scan3A_83 : i32 to index
        %swap3A_128 = arith.constant 32 : index
        %swap3A_129 = tpu.vector_load %arg9[%swap3A_127, %swap3A_128] {strides = array<i32>} : memref<128x128xf32, #tpu.memory_space<vmem>>, vector<1x16xf32>,
        %swap3A_130 = vector.shape_cast %swap3A_129 : vector<1x16xf32> to vector<16xf32>
        %swap3A_131 = vector.shape_cast %max3A_126 : vector<16xf32> to vector<1x16xf32>
        tpu.vector_store %arg9[%swap3A_127, %swap3A_128], %swap3A_131 {strides = array<i32>} : memref<128x128xf32, #tpu.memory_space<vmem>>, vector<1x16xf32>,
        %get3A_132 = arith.index_cast %scan3A_83 : i32 to index
        %get3A_133 = arith.constant 48 : index
        %get3A_134 = tpu.vector_load %arg9[%get3A_132, %get3A_133] {strides = array<i32>} : memref<128x128xf32, #tpu.memory_space<vmem>>, vector<1x16xf32>,
        %get3A_135 = vector.shape_cast %get3A_134 : vector<1x16xf32> to vector<16xf32>
        %get3A_136 = arith.index_cast %scan3A_83 : i32 to index
        %get3A_137 = arith.constant 48 : index
        %get3A_138 = tpu.vector_load %arg10[%get3A_136, %get3A_137] {strides = array<i32>} : memref<128x128xf32, #tpu.memory_space<vmem>>, vector<1x16xf32>,
        %get3A_139 = vector.shape_cast %get3A_138 : vector<1x16xf32> to vector<16xf32>
        %add3A_140 = arith.addf %get3A_135, %get3A_139 : vector<16xf32>
        %max3A_141 = arith.constant 0.000000e+00 : f32
        %max3A_142 = vector.broadcast %max3A_141 : f32 to vector<16xf32>
        %max3A_143 = arith.maximumf %add3A_140, %max3A_142 : vector<16xf32>
        %swap3A_144 = arith.index_cast %scan3A_83 : i32 to index
        %swap3A_145 = arith.constant 48 : index
        %swap3A_146 = tpu.vector_load %arg9[%swap3A_144, %swap3A_145] {strides = array<i32>} : memref<128x128xf32, #tpu.memory_space<vmem>>, vector<1x16xf32>,
        %swap3A_147 = vector.shape_cast %swap3A_146 : vector<1x16xf32> to vector<16xf32>
        %swap3A_148 = vector.shape_cast %max3A_143 : vector<16xf32> to vector<1x16xf32>
        tpu.vector_store %arg9[%swap3A_144, %swap3A_145], %swap3A_148 {strides = array<i32>} : memref<128x128xf32, #tpu.memory_space<vmem>>, vector<1x16xf32>,
        %get3A_149 = arith.index_cast %scan3A_83 : i32 to index
        %get3A_150 = arith.constant 64 : index
        %get3A_151 = tpu.vector_load %arg9[%get3A_149, %get3A_150] {strides = array<i32>} : memref<128x128xf32, #tpu.memory_space<vmem>>, vector<1x16xf32>,
        %get3A_152 = vector.shape_cast %get3A_151 : vector<1x16xf32> to vector<16xf32>
        %get3A_153 = arith.index_cast %scan3A_83 : i32 to index
        %get3A_154 = arith.constant 64 : index
        %get3A_155 = tpu.vector_load %arg10[%get3A_153, %get3A_154] {strides = array<i32>} : memref<128x128xf32, #tpu.memory_space<vmem>>, vector<1x16xf32>,
        %get3A_156 = vector.shape_cast %get3A_155 : vector<1x16xf32> to vector<16xf32>
        %add3A_157 = arith.addf %get3A_152, %get3A_156 : vector<16xf32>
        %max3A_158 = arith.constant 0.000000e+00 : f32
        %max3A_159 = vector.broadcast %max3A_158 : f32 to vector<16xf32>
        %max3A_160 = arith.maximumf %add3A_157, %max3A_159 : vector<16xf32>
        %swap3A_161 = arith.index_cast %scan3A_83 : i32 to index
        %swap3A_162 = arith.constant 64 : index
        %swap3A_163 = tpu.vector_load %arg9[%swap3A_161, %swap3A_162] {strides = array<i32>} : memref<128x128xf32, #tpu.memory_space<vmem>>, vector<1x16xf32>,
        %swap3A_164 = vector.shape_cast %swap3A_163 : vector<1x16xf32> to vector<16xf32>
        %swap3A_165 = vector.shape_cast %max3A_160 : vector<16xf32> to vector<1x16xf32>
        tpu.vector_store %arg9[%swap3A_161, %swap3A_162], %swap3A_165 {strides = array<i32>} : memref<128x128xf32, #tpu.memory_space<vmem>>, vector<1x16xf32>,
        %get3A_166 = arith.index_cast %scan3A_83 : i32 to index
        %get3A_167 = arith.constant 80 : index
        %get3A_168 = tpu.vector_load %arg9[%get3A_166, %get3A_167] {strides = array<i32>} : memref<128x128xf32, #tpu.memory_space<vmem>>, vector<1x16xf32>,
        %get3A_169 = vector.shape_cast %get3A_168 : vector<1x16xf32> to vector<16xf32>
        %get3A_170 = arith.index_cast %scan3A_83 : i32 to index
        %get3A_171 = arith.constant 80 : index
        %get3A_172 = tpu.vector_load %arg10[%get3A_170, %get3A_171] {strides = array<i32>} : memref<128x128xf32, #tpu.memory_space<vmem>>, vector<1x16xf32>,
        %get3A_173 = vector.shape_cast %get3A_172 : vector<1x16xf32> to vector<16xf32>
        %add3A_174 = arith.addf %get3A_169, %get3A_173 : vector<16xf32>
        %max3A_175 = arith.constant 0.000000e+00 : f32
        %max3A_176 = vector.broadcast %max3A_175 : f32 to vector<16xf32>
        %max3A_177 = arith.maximumf %add3A_174, %max3A_176 : vector<16xf32>
        %swap3A_178 = arith.index_cast %scan3A_83 : i32 to index
        %swap3A_179 = arith.constant 80 : index
        %swap3A_180 = tpu.vector_load %arg9[%swap3A_178, %swap3A_179] {strides = array<i32>} : memref<128x128xf32, #tpu.memory_space<vmem>>, vector<1x16xf32>,
        %swap3A_181 = vector.shape_cast %swap3A_180 : vector<1x16xf32> to vector<16xf32>
        %swap3A_182 = vector.shape_cast %max3A_177 : vector<16xf32> to vector<1x16xf32>
        tpu.vector_store %arg9[%swap3A_178, %swap3A_179], %swap3A_182 {strides = array<i32>} : memref<128x128xf32, #tpu.memory_space<vmem>>, vector<1x16xf32>,
        %get3A_183 = arith.index_cast %scan3A_83 : i32 to index
        %get3A_184 = arith.constant 96 : index
        %get3A_185 = tpu.vector_load %arg9[%get3A_183, %get3A_184] {strides = array<i32>} : memref<128x128xf32, #tpu.memory_space<vmem>>, vector<1x16xf32>,
        %get3A_186 = vector.shape_cast %get3A_185 : vector<1x16xf32> to vector<16xf32>
        %get3A_187 = arith.index_cast %scan3A_83 : i32 to index
        %get3A_188 = arith.constant 96 : index
        %get3A_189 = tpu.vector_load %arg10[%get3A_187, %get3A_188] {strides = array<i32>} : memref<128x128xf32, #tpu.memory_space<vmem>>, vector<1x16xf32>,
        %get3A_190 = vector.shape_cast %get3A_189 : vector<1x16xf32> to vector<16xf32>
        %add3A_191 = arith.addf %get3A_186, %get3A_190 : vector<16xf32>
        %max3A_192 = arith.constant 0.000000e+00 : f32
        %max3A_193 = vector.broadcast %max3A_192 : f32 to vector<16xf32>
        %max3A_194 = arith.maximumf %add3A_191, %max3A_193 : vector<16xf32>
        %swap3A_195 = arith.index_cast %scan3A_83 : i32 to index
        %swap3A_196 = arith.constant 96 : index
        %swap3A_197 = tpu.vector_load %arg9[%swap3A_195, %swap3A_196] {strides = array<i32>} : memref<128x128xf32, #tpu.memory_space<vmem>>, vector<1x16xf32>,
        %swap3A_198 = vector.shape_cast %swap3A_197 : vector<1x16xf32> to vector<16xf32>
        %swap3A_199 = vector.shape_cast %max3A_194 : vector<16xf32> to vector<1x16xf32>
        tpu.vector_store %arg9[%swap3A_195, %swap3A_196], %swap3A_199 {strides = array<i32>} : memref<128x128xf32, #tpu.memory_space<vmem>>, vector<1x16xf32>,
        %get3A_200 = arith.index_cast %scan3A_83 : i32 to index
        %get3A_201 = arith.constant 112 : index
        %get3A_202 = tpu.vector_load %arg9[%get3A_200, %get3A_201] {strides = array<i32>} : memref<128x128xf32, #tpu.memory_space<vmem>>, vector<1x16xf32>,
        %get3A_203 = vector.shape_cast %get3A_202 : vector<1x16xf32> to vector<16xf32>
        %get3A_204 = arith.index_cast %scan3A_83 : i32 to index
        %get3A_205 = arith.constant 112 : index
        %get3A_206 = tpu.vector_load %arg10[%get3A_204, %get3A_205] {strides = array<i32>} : memref<128x128xf32, #tpu.memory_space<vmem>>, vector<1x16xf32>,
        %get3A_207 = vector.shape_cast %get3A_206 : vector<1x16xf32> to vector<16xf32>
        %add3A_208 = arith.addf %get3A_203, %get3A_207 : vector<16xf32>
        %max3A_209 = arith.constant 0.000000e+00 : f32
        %max3A_210 = vector.broadcast %max3A_209 : f32 to vector<16xf32>
        %max3A_211 = arith.maximumf %add3A_208, %max3A_210 : vector<16xf32>
        %swap3A_212 = arith.index_cast %scan3A_83 : i32 to index
        %swap3A_213 = arith.constant 112 : index
        %swap3A_214 = tpu.vector_load %arg9[%swap3A_212, %swap3A_213] {strides = array<i32>} : memref<128x128xf32, #tpu.memory_space<vmem>>, vector<1x16xf32>,
        %swap3A_215 = vector.shape_cast %swap3A_214 : vector<1x16xf32> to vector<16xf32>
        %swap3A_216 = vector.shape_cast %max3A_211 : vector<16xf32> to vector<1x16xf32>
        tpu.vector_store %arg9[%swap3A_212, %swap3A_213], %swap3A_216 {strides = array<i32>} : memref<128x128xf32, #tpu.memory_space<vmem>>, vector<1x16xf32>,
      }
      %scan3A_82 = arith.constant 128 : i32
      "tpu.region"() ({
        %run_scoped3A = tpu.sem_alloc : memref<!tpu.dma_semaphore, #tpu.memory_space<semaphore_mem>>
        %dma_start3A_83 = arith.constant 0 : i32
        %dma_start3A_84 = arith.constant 0 : i32
        %dma_start3A_85 = tpu.memref_slice %arg15[%dma_start3A_83, %dma_start3A_84] : memref<10240x128xf32, #tpu.memory_space<vmem_shared>> -> memref<10240x128xf32, #tpu.memory_space<vmem_shared>>
        tpu.enqueue_indirect_dma source(%arg9 : memref<128x128xf32, #tpu.memory_space<vmem>>) target(%dma_start3A_85 : memref<10240x128xf32, #tpu.memory_space<vmem_shared>>) offsets(%arg8 : memref<128xi32, #tpu.memory_space<vmem>>) semaphore(%run_scoped3A : memref<!tpu.dma_semaphore, #tpu.memory_space<semaphore_mem>>) {add = true}
        %dma_wait3A_86 = arith.constant 0 : i32
        %dma_wait3A_87 = arith.constant 0 : i32
        %dma_wait3A_88 = tpu.memref_slice %arg15[%dma_wait3A_86, %dma_wait3A_87] : memref<10240x128xf32, #tpu.memory_space<vmem_shared>> -> memref<10240x128xf32, #tpu.memory_space<vmem_shared>>
        tpu.wait_indirect_dma semaphore(%run_scoped3A : memref<!tpu.dma_semaphore, #tpu.memory_space<semaphore_mem>>) src(%arg9 : memref<128x128xf32, #tpu.memory_space<vmem>>) dst(%dma_wait3A_88 : memref<10240x128xf32, #tpu.memory_space<vmem_shared>>)
        tpu.yield
      }) : () -> ()
    }
    %scan3A_33 = arith.constant 78 : i32
    %add3A_34 = arith.constant 9984 : i32
    %add3A_35 = arith.addi %mul3A_27, %add3A_34 : i32
    "tpu.region"() ({
      %run_scoped3A = tpu.sem_alloc : memref<!tpu.dma_semaphore, #tpu.memory_space<semaphore_mem>>
      %dma_start3A_67 = tpu.memref_slice %arg4[%add3A_35] : memref<320000xi32, #tpu.memory_space<hbm>> -> memref<16xi32, #tpu.memory_space<hbm>>
      %dma_start3A_68 = tpu.memref_slice %arg4[%add3A_35] : memref<320000xi32, #tpu.memory_space<hbm>> -> memref<16xi32, #tpu.memory_space<hbm>>
      tpu.enqueue_dma source(%dma_start3A_68 : memref<16xi32, #tpu.memory_space<hbm>>) target(%arg11 : memref<16xi32, #tpu.memory_space<vmem>>) target_semaphore(%run_scoped3A : memref<!tpu.dma_semaphore, #tpu.memory_space<semaphore_mem>>)
      %dma_wait3A_69 = tpu.memref_slice %arg4[%add3A_35] : memref<320000xi32, #tpu.memory_space<hbm>> -> memref<16xi32, #tpu.memory_space<hbm>>
      %dma_wait3A_70 = tpu.memref_slice %arg4[%add3A_35] : memref<320000xi32, #tpu.memory_space<hbm>> -> memref<16xi32, #tpu.memory_space<hbm>>
      tpu.wait_dma2 semaphore(%run_scoped3A : memref<!tpu.dma_semaphore, #tpu.memory_space<semaphore_mem>>) src(%dma_wait3A_70 : memref<16xi32, #tpu.memory_space<hbm>>) dst(%arg11 : memref<16xi32, #tpu.memory_space<vmem>>)
      tpu.yield
    }) : () -> ()
    "tpu.region"() ({
      %run_scoped3A = tpu.sem_alloc : memref<!tpu.dma_semaphore, #tpu.memory_space<semaphore_mem>>
      %dma_start3A_67 = tpu.memref_slice %arg5[%add3A_35] : memref<320000xi32, #tpu.memory_space<hbm>> -> memref<16xi32, #tpu.memory_space<hbm>>
      %dma_start3A_68 = tpu.memref_slice %arg5[%add3A_35] : memref<320000xi32, #tpu.memory_space<hbm>> -> memref<16xi32, #tpu.memory_space<hbm>>
      tpu.enqueue_dma source(%dma_start3A_68 : memref<16xi32, #tpu.memory_space<hbm>>) target(%arg12 : memref<16xi32, #tpu.memory_space<vmem>>) target_semaphore(%run_scoped3A : memref<!tpu.dma_semaphore, #tpu.memory_space<semaphore_mem>>)
      %dma_wait3A_69 = tpu.memref_slice %arg5[%add3A_35] : memref<320000xi32, #tpu.memory_space<hbm>> -> memref<16xi32, #tpu.memory_space<hbm>>
      %dma_wait3A_70 = tpu.memref_slice %arg5[%add3A_35] : memref<320000xi32, #tpu.memory_space<hbm>> -> memref<16xi32, #tpu.memory_space<hbm>>
      tpu.wait_dma2 semaphore(%run_scoped3A : memref<!tpu.dma_semaphore, #tpu.memory_space<semaphore_mem>>) src(%dma_wait3A_70 : memref<16xi32, #tpu.memory_space<hbm>>) dst(%arg12 : memref<16xi32, #tpu.memory_space<vmem>>)
      tpu.yield
    }) : () -> ()
    %dma_start3A = arith.constant 0 : i32
    %dma_start3A_36 = arith.constant 0 : i32
    %dma_start3A_37 = tpu.memref_slice %arg2[%dma_start3A, %dma_start3A_36] : memref<10240x128xf32, #tpu.memory_space<hbm>> -> memref<10240x128xf32, #tpu.memory_space<hbm>>
    tpu.enqueue_indirect_dma source(%dma_start3A_37 : memref<10240x128xf32, #tpu.memory_space<hbm>>) target(%arg14 : memref<16x128xf32, #tpu.memory_space<vmem>>) offsets(%arg11 : memref<16xi32, #tpu.memory_space<vmem>>) semaphore(%arg16 : memref<!tpu.dma_semaphore, #tpu.memory_space<semaphore_mem>>)
    %dma_wait3A = arith.constant 0 : i32
    %dma_wait3A_38 = arith.constant 0 : i32
    %dma_wait3A_39 = tpu.memref_slice %arg2[%dma_wait3A, %dma_wait3A_38] : memref<10240x128xf32, #tpu.memory_space<hbm>> -> memref<10240x128xf32, #tpu.memory_space<hbm>>
    tpu.wait_indirect_dma semaphore(%arg16 : memref<!tpu.dma_semaphore, #tpu.memory_space<semaphore_mem>>) src(%dma_wait3A_39 : memref<10240x128xf32, #tpu.memory_space<hbm>>) dst(%arg14 : memref<16x128xf32, #tpu.memory_space<vmem>>)
    "tpu.region"() ({
      %run_scoped3A = tpu.sem_alloc : memref<!tpu.dma_semaphore, #tpu.memory_space<semaphore_mem>>
      %dma_start3A_67 = arith.constant 0 : i32
      %dma_start3A_68 = tpu.memref_slice %arg3[%add3A_35, %dma_start3A_67] : memref<320000x128xf32, #tpu.memory_space<hbm>> -> memref<16x128xf32, #tpu.memory_space<hbm>>
      %dma_start3A_69 = arith.constant 0 : i32
      %dma_start3A_70 = tpu.memref_slice %arg3[%add3A_35, %dma_start3A_69] : memref<320000x128xf32, #tpu.memory_space<hbm>> -> memref<16x128xf32, #tpu.memory_space<hbm>>
      tpu.enqueue_dma source(%dma_start3A_70 : memref<16x128xf32, #tpu.memory_space<hbm>>) target(%arg13 : memref<16x128xf32, #tpu.memory_space<vmem>>) target_semaphore(%run_scoped3A : memref<!tpu.dma_semaphore, #tpu.memory_space<semaphore_mem>>)
      %dma_wait3A_71 = arith.constant 0 : i32
      %dma_wait3A_72 = tpu.memref_slice %arg3[%add3A_35, %dma_wait3A_71] : memref<320000x128xf32, #tpu.memory_space<hbm>> -> memref<16x128xf32, #tpu.memory_space<hbm>>
      %dma_wait3A_73 = arith.constant 0 : i32
      %dma_wait3A_74 = tpu.memref_slice %arg3[%add3A_35, %dma_wait3A_73] : memref<320000x128xf32, #tpu.memory_space<hbm>> -> memref<16x128xf32, #tpu.memory_space<hbm>>
      tpu.wait_dma2 semaphore(%run_scoped3A : memref<!tpu.dma_semaphore, #tpu.memory_space<semaphore_mem>>) src(%dma_wait3A_74 : memref<16x128xf32, #tpu.memory_space<hbm>>) dst(%arg13 : memref<16x128xf32, #tpu.memory_space<vmem>>)
      tpu.yield
    }) : () -> ()
    %scan3A_40 = arith.constant 0 : i32
    %scan3A_41 = arith.constant 0 : i32
    %scan3A_42 = arith.constant 16 : i32
    %scan3A_43 = arith.addi %scan3A_41, %scan3A_42 : i32
    %scan3A_44 = arith.constant 1 : i32
    scf.for %scan3A_67 = %scan3A_41 to %scan3A_43 step %scan3A_44  : i32 {
      %get3A = arith.index_cast %scan3A_67 : i32 to index
      %get3A_68 = arith.constant 0 : index
      %get3A_69 = tpu.vector_load %arg13[%get3A, %get3A_68] {strides = array<i32>} : memref<16x128xf32, #tpu.memory_space<vmem>>, vector<1x16xf32>,
      %get3A_70 = vector.shape_cast %get3A_69 : vector<1x16xf32> to vector<16xf32>
      %get3A_71 = arith.index_cast %scan3A_67 : i32 to index
      %get3A_72 = arith.constant 0 : index
      %get3A_73 = tpu.vector_load %arg14[%get3A_71, %get3A_72] {strides = array<i32>} : memref<16x128xf32, #tpu.memory_space<vmem>>, vector<1x16xf32>,
      %get3A_74 = vector.shape_cast %get3A_73 : vector<1x16xf32> to vector<16xf32>
      %add3A_75 = arith.addf %get3A_70, %get3A_74 : vector<16xf32>
      %max3A = arith.constant 0.000000e+00 : f32
      %max3A_76 = vector.broadcast %max3A : f32 to vector<16xf32>
      %max3A_77 = arith.maximumf %add3A_75, %max3A_76 : vector<16xf32>
      %swap3A = arith.index_cast %scan3A_67 : i32 to index
      %swap3A_78 = arith.constant 0 : index
      %swap3A_79 = tpu.vector_load %arg13[%swap3A, %swap3A_78] {strides = array<i32>} : memref<16x128xf32, #tpu.memory_space<vmem>>, vector<1x16xf32>,
      %swap3A_80 = vector.shape_cast %swap3A_79 : vector<1x16xf32> to vector<16xf32>
      %swap3A_81 = vector.shape_cast %max3A_77 : vector<16xf32> to vector<1x16xf32>
      tpu.vector_store %arg13[%swap3A, %swap3A_78], %swap3A_81 {strides = array<i32>} : memref<16x128xf32, #tpu.memory_space<vmem>>, vector<1x16xf32>,
      %get3A_82 = arith.index_cast %scan3A_67 : i32 to index
      %get3A_83 = arith.constant 16 : index
      %get3A_84 = tpu.vector_load %arg13[%get3A_82, %get3A_83] {strides = array<i32>} : memref<16x128xf32, #tpu.memory_space<vmem>>, vector<1x16xf32>,
      %get3A_85 = vector.shape_cast %get3A_84 : vector<1x16xf32> to vector<16xf32>
      %get3A_86 = arith.index_cast %scan3A_67 : i32 to index
      %get3A_87 = arith.constant 16 : index
      %get3A_88 = tpu.vector_load %arg14[%get3A_86, %get3A_87] {strides = array<i32>} : memref<16x128xf32, #tpu.memory_space<vmem>>, vector<1x16xf32>,
      %get3A_89 = vector.shape_cast %get3A_88 : vector<1x16xf32> to vector<16xf32>
      %add3A_90 = arith.addf %get3A_85, %get3A_89 : vector<16xf32>
      %max3A_91 = arith.constant 0.000000e+00 : f32
      %max3A_92 = vector.broadcast %max3A_91 : f32 to vector<16xf32>
      %max3A_93 = arith.maximumf %add3A_90, %max3A_92 : vector<16xf32>
      %swap3A_94 = arith.index_cast %scan3A_67 : i32 to index
      %swap3A_95 = arith.constant 16 : index
      %swap3A_96 = tpu.vector_load %arg13[%swap3A_94, %swap3A_95] {strides = array<i32>} : memref<16x128xf32, #tpu.memory_space<vmem>>, vector<1x16xf32>,
      %swap3A_97 = vector.shape_cast %swap3A_96 : vector<1x16xf32> to vector<16xf32>
      %swap3A_98 = vector.shape_cast %max3A_93 : vector<16xf32> to vector<1x16xf32>
      tpu.vector_store %arg13[%swap3A_94, %swap3A_95], %swap3A_98 {strides = array<i32>} : memref<16x128xf32, #tpu.memory_space<vmem>>, vector<1x16xf32>,
      %get3A_99 = arith.index_cast %scan3A_67 : i32 to index
      %get3A_100 = arith.constant 32 : index
      %get3A_101 = tpu.vector_load %arg13[%get3A_99, %get3A_100] {strides = array<i32>} : memref<16x128xf32, #tpu.memory_space<vmem>>, vector<1x16xf32>,
      %get3A_102 = vector.shape_cast %get3A_101 : vector<1x16xf32> to vector<16xf32>
      %get3A_103 = arith.index_cast %scan3A_67 : i32 to index
      %get3A_104 = arith.constant 32 : index
      %get3A_105 = tpu.vector_load %arg14[%get3A_103, %get3A_104] {strides = array<i32>} : memref<16x128xf32, #tpu.memory_space<vmem>>, vector<1x16xf32>,
      %get3A_106 = vector.shape_cast %get3A_105 : vector<1x16xf32> to vector<16xf32>
      %add3A_107 = arith.addf %get3A_102, %get3A_106 : vector<16xf32>
      %max3A_108 = arith.constant 0.000000e+00 : f32
      %max3A_109 = vector.broadcast %max3A_108 : f32 to vector<16xf32>
      %max3A_110 = arith.maximumf %add3A_107, %max3A_109 : vector<16xf32>
      %swap3A_111 = arith.index_cast %scan3A_67 : i32 to index
      %swap3A_112 = arith.constant 32 : index
      %swap3A_113 = tpu.vector_load %arg13[%swap3A_111, %swap3A_112] {strides = array<i32>} : memref<16x128xf32, #tpu.memory_space<vmem>>, vector<1x16xf32>,
      %swap3A_114 = vector.shape_cast %swap3A_113 : vector<1x16xf32> to vector<16xf32>
      %swap3A_115 = vector.shape_cast %max3A_110 : vector<16xf32> to vector<1x16xf32>
      tpu.vector_store %arg13[%swap3A_111, %swap3A_112], %swap3A_115 {strides = array<i32>} : memref<16x128xf32, #tpu.memory_space<vmem>>, vector<1x16xf32>,
      %get3A_116 = arith.index_cast %scan3A_67 : i32 to index
      %get3A_117 = arith.constant 48 : index
      %get3A_118 = tpu.vector_load %arg13[%get3A_116, %get3A_117] {strides = array<i32>} : memref<16x128xf32, #tpu.memory_space<vmem>>, vector<1x16xf32>,
      %get3A_119 = vector.shape_cast %get3A_118 : vector<1x16xf32> to vector<16xf32>
      %get3A_120 = arith.index_cast %scan3A_67 : i32 to index
      %get3A_121 = arith.constant 48 : index
      %get3A_122 = tpu.vector_load %arg14[%get3A_120, %get3A_121] {strides = array<i32>} : memref<16x128xf32, #tpu.memory_space<vmem>>, vector<1x16xf32>,
      %get3A_123 = vector.shape_cast %get3A_122 : vector<1x16xf32> to vector<16xf32>
      %add3A_124 = arith.addf %get3A_119, %get3A_123 : vector<16xf32>
      %max3A_125 = arith.constant 0.000000e+00 : f32
      %max3A_126 = vector.broadcast %max3A_125 : f32 to vector<16xf32>
      %max3A_127 = arith.maximumf %add3A_124, %max3A_126 : vector<16xf32>
      %swap3A_128 = arith.index_cast %scan3A_67 : i32 to index
      %swap3A_129 = arith.constant 48 : index
      %swap3A_130 = tpu.vector_load %arg13[%swap3A_128, %swap3A_129] {strides = array<i32>} : memref<16x128xf32, #tpu.memory_space<vmem>>, vector<1x16xf32>,
      %swap3A_131 = vector.shape_cast %swap3A_130 : vector<1x16xf32> to vector<16xf32>
      %swap3A_132 = vector.shape_cast %max3A_127 : vector<16xf32> to vector<1x16xf32>
      tpu.vector_store %arg13[%swap3A_128, %swap3A_129], %swap3A_132 {strides = array<i32>} : memref<16x128xf32, #tpu.memory_space<vmem>>, vector<1x16xf32>,
      %get3A_133 = arith.index_cast %scan3A_67 : i32 to index
      %get3A_134 = arith.constant 64 : index
      %get3A_135 = tpu.vector_load %arg13[%get3A_133, %get3A_134] {strides = array<i32>} : memref<16x128xf32, #tpu.memory_space<vmem>>, vector<1x16xf32>,
      %get3A_136 = vector.shape_cast %get3A_135 : vector<1x16xf32> to vector<16xf32>
      %get3A_137 = arith.index_cast %scan3A_67 : i32 to index
      %get3A_138 = arith.constant 64 : index
      %get3A_139 = tpu.vector_load %arg14[%get3A_137, %get3A_138] {strides = array<i32>} : memref<16x128xf32, #tpu.memory_space<vmem>>, vector<1x16xf32>,
      %get3A_140 = vector.shape_cast %get3A_139 : vector<1x16xf32> to vector<16xf32>
      %add3A_141 = arith.addf %get3A_136, %get3A_140 : vector<16xf32>
      %max3A_142 = arith.constant 0.000000e+00 : f32
      %max3A_143 = vector.broadcast %max3A_142 : f32 to vector<16xf32>
      %max3A_144 = arith.maximumf %add3A_141, %max3A_143 : vector<16xf32>
      %swap3A_145 = arith.index_cast %scan3A_67 : i32 to index
      %swap3A_146 = arith.constant 64 : index
      %swap3A_147 = tpu.vector_load %arg13[%swap3A_145, %swap3A_146] {strides = array<i32>} : memref<16x128xf32, #tpu.memory_space<vmem>>, vector<1x16xf32>,
      %swap3A_148 = vector.shape_cast %swap3A_147 : vector<1x16xf32> to vector<16xf32>
      %swap3A_149 = vector.shape_cast %max3A_144 : vector<16xf32> to vector<1x16xf32>
      tpu.vector_store %arg13[%swap3A_145, %swap3A_146], %swap3A_149 {strides = array<i32>} : memref<16x128xf32, #tpu.memory_space<vmem>>, vector<1x16xf32>,
      %get3A_150 = arith.index_cast %scan3A_67 : i32 to index
      %get3A_151 = arith.constant 80 : index
      %get3A_152 = tpu.vector_load %arg13[%get3A_150, %get3A_151] {strides = array<i32>} : memref<16x128xf32, #tpu.memory_space<vmem>>, vector<1x16xf32>,
      %get3A_153 = vector.shape_cast %get3A_152 : vector<1x16xf32> to vector<16xf32>
      %get3A_154 = arith.index_cast %scan3A_67 : i32 to index
      %get3A_155 = arith.constant 80 : index
      %get3A_156 = tpu.vector_load %arg14[%get3A_154, %get3A_155] {strides = array<i32>} : memref<16x128xf32, #tpu.memory_space<vmem>>, vector<1x16xf32>,
      %get3A_157 = vector.shape_cast %get3A_156 : vector<1x16xf32> to vector<16xf32>
      %add3A_158 = arith.addf %get3A_153, %get3A_157 : vector<16xf32>
      %max3A_159 = arith.constant 0.000000e+00 : f32
      %max3A_160 = vector.broadcast %max3A_159 : f32 to vector<16xf32>
      %max3A_161 = arith.maximumf %add3A_158, %max3A_160 : vector<16xf32>
      %swap3A_162 = arith.index_cast %scan3A_67 : i32 to index
      %swap3A_163 = arith.constant 80 : index
      %swap3A_164 = tpu.vector_load %arg13[%swap3A_162, %swap3A_163] {strides = array<i32>} : memref<16x128xf32, #tpu.memory_space<vmem>>, vector<1x16xf32>,
      %swap3A_165 = vector.shape_cast %swap3A_164 : vector<1x16xf32> to vector<16xf32>
      %swap3A_166 = vector.shape_cast %max3A_161 : vector<16xf32> to vector<1x16xf32>
      tpu.vector_store %arg13[%swap3A_162, %swap3A_163], %swap3A_166 {strides = array<i32>} : memref<16x128xf32, #tpu.memory_space<vmem>>, vector<1x16xf32>,
      %get3A_167 = arith.index_cast %scan3A_67 : i32 to index
      %get3A_168 = arith.constant 96 : index
      %get3A_169 = tpu.vector_load %arg13[%get3A_167, %get3A_168] {strides = array<i32>} : memref<16x128xf32, #tpu.memory_space<vmem>>, vector<1x16xf32>,
      %get3A_170 = vector.shape_cast %get3A_169 : vector<1x16xf32> to vector<16xf32>
      %get3A_171 = arith.index_cast %scan3A_67 : i32 to index
      %get3A_172 = arith.constant 96 : index
      %get3A_173 = tpu.vector_load %arg14[%get3A_171, %get3A_172] {strides = array<i32>} : memref<16x128xf32, #tpu.memory_space<vmem>>, vector<1x16xf32>,
      %get3A_174 = vector.shape_cast %get3A_173 : vector<1x16xf32> to vector<16xf32>
      %add3A_175 = arith.addf %get3A_170, %get3A_174 : vector<16xf32>
      %max3A_176 = arith.constant 0.000000e+00 : f32
      %max3A_177 = vector.broadcast %max3A_176 : f32 to vector<16xf32>
      %max3A_178 = arith.maximumf %add3A_175, %max3A_177 : vector<16xf32>
      %swap3A_179 = arith.index_cast %scan3A_67 : i32 to index
      %swap3A_180 = arith.constant 96 : index
      %swap3A_181 = tpu.vector_load %arg13[%swap3A_179, %swap3A_180] {strides = array<i32>} : memref<16x128xf32, #tpu.memory_space<vmem>>, vector<1x16xf32>,
      %swap3A_182 = vector.shape_cast %swap3A_181 : vector<1x16xf32> to vector<16xf32>
      %swap3A_183 = vector.shape_cast %max3A_178 : vector<16xf32> to vector<1x16xf32>
      tpu.vector_store %arg13[%swap3A_179, %swap3A_180], %swap3A_183 {strides = array<i32>} : memref<16x128xf32, #tpu.memory_space<vmem>>, vector<1x16xf32>,
      %get3A_184 = arith.index_cast %scan3A_67 : i32 to index
      %get3A_185 = arith.constant 112 : index
      %get3A_186 = tpu.vector_load %arg13[%get3A_184, %get3A_185] {strides = array<i32>} : memref<16x128xf32, #tpu.memory_space<vmem>>, vector<1x16xf32>,
      %get3A_187 = vector.shape_cast %get3A_186 : vector<1x16xf32> to vector<16xf32>
      %get3A_188 = arith.index_cast %scan3A_67 : i32 to index
      %get3A_189 = arith.constant 112 : index
      %get3A_190 = tpu.vector_load %arg14[%get3A_188, %get3A_189] {strides = array<i32>} : memref<16x128xf32, #tpu.memory_space<vmem>>, vector<1x16xf32>,
      %get3A_191 = vector.shape_cast %get3A_190 : vector<1x16xf32> to vector<16xf32>
      %add3A_192 = arith.addf %get3A_187, %get3A_191 : vector<16xf32>
      %max3A_193 = arith.constant 0.000000e+00 : f32
      %max3A_194 = vector.broadcast %max3A_193 : f32 to vector<16xf32>
      %max3A_195 = arith.maximumf %add3A_192, %max3A_194 : vector<16xf32>
      %swap3A_196 = arith.index_cast %scan3A_67 : i32 to index
      %swap3A_197 = arith.constant 112 : index
      %swap3A_198 = tpu.vector_load %arg13[%swap3A_196, %swap3A_197] {strides = array<i32>} : memref<16x128xf32, #tpu.memory_space<vmem>>, vector<1x16xf32>,
      %swap3A_199 = vector.shape_cast %swap3A_198 : vector<1x16xf32> to vector<16xf32>
      %swap3A_200 = vector.shape_cast %max3A_195 : vector<16xf32> to vector<1x16xf32>
      tpu.vector_store %arg13[%swap3A_196, %swap3A_197], %swap3A_200 {strides = array<i32>} : memref<16x128xf32, #tpu.memory_space<vmem>>, vector<1x16xf32>,
    }
    %scan3A_45 = arith.constant 16 : i32
    "tpu.region"() ({
      %run_scoped3A = tpu.sem_alloc : memref<!tpu.dma_semaphore, #tpu.memory_space<semaphore_mem>>
      %dma_start3A_67 = arith.constant 0 : i32
      %dma_start3A_68 = arith.constant 0 : i32
      %dma_start3A_69 = tpu.memref_slice %arg15[%dma_start3A_67, %dma_start3A_68] : memref<10240x128xf32, #tpu.memory_space<vmem_shared>> -> memref<10240x128xf32, #tpu.memory_space<vmem_shared>>
      tpu.enqueue_indirect_dma source(%arg13 : memref<16x128xf32, #tpu.memory_space<vmem>>) target(%dma_start3A_69 : memref<10240x128xf32, #tpu.memory_space<vmem_shared>>) offsets(%arg12 : memref<16xi32, #tpu.memory_space<vmem>>) semaphore(%run_scoped3A : memref<!tpu.dma_semaphore, #tpu.memory_space<semaphore_mem>>) {add = true}
      %dma_wait3A_70 = arith.constant 0 : i32
      %dma_wait3A_71 = arith.constant 0 : i32
      %dma_wait3A_72 = tpu.memref_slice %arg15[%dma_wait3A_70, %dma_wait3A_71] : memref<10240x128xf32, #tpu.memory_space<vmem_shared>> -> memref<10240x128xf32, #tpu.memory_space<vmem_shared>>
      tpu.wait_indirect_dma semaphore(%run_scoped3A : memref<!tpu.dma_semaphore, #tpu.memory_space<semaphore_mem>>) src(%arg13 : memref<16x128xf32, #tpu.memory_space<vmem>>) dst(%dma_wait3A_72 : memref<10240x128xf32, #tpu.memory_space<vmem_shared>>)
      tpu.yield
    }) : () -> ()
    %barrier3A_46 = arith.constant 0 : index
    tpu.barrier barrier_id(%barrier3A_46)
    %mul3A_47 = arith.constant 640 : i32
    %mul3A_48 = arith.muli %arg1, %mul3A_47 : i32
    %add3A_49 = arith.constant 0 : i32
    %add3A_50 = arith.addi %mul3A_48, %add3A_49 : i32
    "tpu.region"() ({
      %run_scoped3A = tpu.sem_alloc : memref<!tpu.dma_semaphore, #tpu.memory_space<semaphore_mem>>
      %dma_start3A_67 = arith.constant 0 : i32
      %dma_start3A_68 = tpu.memref_slice %arg6[%arg0, %add3A_50, %dma_start3A_67] : memref<2x10240x128xf32, #tpu.memory_space<hbm>> -> memref<1x128x128xf32, #tpu.memory_space<hbm>>
      %dma_start3A_69 = tpu.memref_squeeze %dma_start3A_68 : memref<1x128x128xf32, #tpu.memory_space<hbm>> -> memref<128x128xf32, #tpu.memory_space<hbm>>
      %dma_start3A_70 = arith.constant 0 : i32
      %dma_start3A_71 = tpu.memref_slice %arg15[%add3A_50, %dma_start3A_70] : memref<10240x128xf32, #tpu.memory_space<vmem_shared>> -> memref<128x128xf32, #tpu.memory_space<vmem_shared>>
      tpu.enqueue_dma source(%dma_start3A_71 : memref<128x128xf32, #tpu.memory_space<vmem_shared>>) target(%dma_start3A_69 : memref<128x128xf32, #tpu.memory_space<hbm>>) target_semaphore(%run_scoped3A : memref<!tpu.dma_semaphore, #tpu.memory_space<semaphore_mem>>)
      %dma_wait3A_72 = arith.constant 0 : i32
      %dma_wait3A_73 = tpu.memref_slice %arg6[%arg0, %add3A_50, %dma_wait3A_72] : memref<2x10240x128xf32, #tpu.memory_space<hbm>> -> memref<1x128x128xf32, #tpu.memory_space<hbm>>
      %dma_wait3A_74 = tpu.memref_squeeze %dma_wait3A_73 : memref<1x128x128xf32, #tpu.memory_space<hbm>> -> memref<128x128xf32, #tpu.memory_space<hbm>>
      %dma_wait3A_75 = arith.constant 0 : i32
      %dma_wait3A_76 = tpu.memref_slice %arg15[%add3A_50, %dma_wait3A_75] : memref<10240x128xf32, #tpu.memory_space<vmem_shared>> -> memref<128x128xf32, #tpu.memory_space<vmem_shared>>
      tpu.wait_dma2 semaphore(%run_scoped3A : memref<!tpu.dma_semaphore, #tpu.memory_space<semaphore_mem>>) src(%dma_wait3A_76 : memref<128x128xf32, #tpu.memory_space<vmem_shared>>) dst(%dma_wait3A_74 : memref<128x128xf32, #tpu.memory_space<hbm>>)
      tpu.yield
    }) : () -> ()
    %mul3A_51 = arith.constant 640 : i32
    %mul3A_52 = arith.muli %arg1, %mul3A_51 : i32
    %add3A_53 = arith.constant 128 : i32
    %add3A_54 = arith.addi %mul3A_52, %add3A_53 : i32
    "tpu.region"() ({
      %run_scoped3A = tpu.sem_alloc : memref<!tpu.dma_semaphore, #tpu.memory_space<semaphore_mem>>
      %dma_start3A_67 = arith.constant 0 : i32
      %dma_start3A_68 = tpu.memref_slice %arg6[%arg0, %add3A_54, %dma_start3A_67] : memref<2x10240x128xf32, #tpu.memory_space<hbm>> -> memref<1x128x128xf32, #tpu.memory_space<hbm>>
      %dma_start3A_69 = tpu.memref_squeeze %dma_start3A_68 : memref<1x128x128xf32, #tpu.memory_space<hbm>> -> memref<128x128xf32, #tpu.memory_space<hbm>>
      %dma_start3A_70 = arith.constant 0 : i32
      %dma_start3A_71 = tpu.memref_slice %arg15[%add3A_54, %dma_start3A_70] : memref<10240x128xf32, #tpu.memory_space<vmem_shared>> -> memref<128x128xf32, #tpu.memory_space<vmem_shared>>
      tpu.enqueue_dma source(%dma_start3A_71 : memref<128x128xf32, #tpu.memory_space<vmem_shared>>) target(%dma_start3A_69 : memref<128x128xf32, #tpu.memory_space<hbm>>) target_semaphore(%run_scoped3A : memref<!tpu.dma_semaphore, #tpu.memory_space<semaphore_mem>>)
      %dma_wait3A_72 = arith.constant 0 : i32
      %dma_wait3A_73 = tpu.memref_slice %arg6[%arg0, %add3A_54, %dma_wait3A_72] : memref<2x10240x128xf32, #tpu.memory_space<hbm>> -> memref<1x128x128xf32, #tpu.memory_space<hbm>>
      %dma_wait3A_74 = tpu.memref_squeeze %dma_wait3A_73 : memref<1x128x128xf32, #tpu.memory_space<hbm>> -> memref<128x128xf32, #tpu.memory_space<hbm>>
      %dma_wait3A_75 = arith.constant 0 : i32
      %dma_wait3A_76 = tpu.memref_slice %arg15[%add3A_54, %dma_wait3A_75] : memref<10240x128xf32, #tpu.memory_space<vmem_shared>> -> memref<128x128xf32, #tpu.memory_space<vmem_shared>>
      tpu.wait_dma2 semaphore(%run_scoped3A : memref<!tpu.dma_semaphore, #tpu.memory_space<semaphore_mem>>) src(%dma_wait3A_76 : memref<128x128xf32, #tpu.memory_space<vmem_shared>>) dst(%dma_wait3A_74 : memref<128x128xf32, #tpu.memory_space<hbm>>)
      tpu.yield
    }) : () -> ()
    %mul3A_55 = arith.constant 640 : i32
    %mul3A_56 = arith.muli %arg1, %mul3A_55 : i32
    %add3A_57 = arith.constant 256 : i32
    %add3A_58 = arith.addi %mul3A_56, %add3A_57 : i32
    "tpu.region"() ({
      %run_scoped3A = tpu.sem_alloc : memref<!tpu.dma_semaphore, #tpu.memory_space<semaphore_mem>>
      %dma_start3A_67 = arith.constant 0 : i32
      %dma_start3A_68 = tpu.memref_slice %arg6[%arg0, %add3A_58, %dma_start3A_67] : memref<2x10240x128xf32, #tpu.memory_space<hbm>> -> memref<1x128x128xf32, #tpu.memory_space<hbm>>
      %dma_start3A_69 = tpu.memref_squeeze %dma_start3A_68 : memref<1x128x128xf32, #tpu.memory_space<hbm>> -> memref<128x128xf32, #tpu.memory_space<hbm>>
      %dma_start3A_70 = arith.constant 0 : i32
      %dma_start3A_71 = tpu.memref_slice %arg15[%add3A_58, %dma_start3A_70] : memref<10240x128xf32, #tpu.memory_space<vmem_shared>> -> memref<128x128xf32, #tpu.memory_space<vmem_shared>>
      tpu.enqueue_dma source(%dma_start3A_71 : memref<128x128xf32, #tpu.memory_space<vmem_shared>>) target(%dma_start3A_69 : memref<128x128xf32, #tpu.memory_space<hbm>>) target_semaphore(%run_scoped3A : memref<!tpu.dma_semaphore, #tpu.memory_space<semaphore_mem>>)
      %dma_wait3A_72 = arith.constant 0 : i32
      %dma_wait3A_73 = tpu.memref_slice %arg6[%arg0, %add3A_58, %dma_wait3A_72] : memref<2x10240x128xf32, #tpu.memory_space<hbm>> -> memref<1x128x128xf32, #tpu.memory_space<hbm>>
      %dma_wait3A_74 = tpu.memref_squeeze %dma_wait3A_73 : memref<1x128x128xf32, #tpu.memory_space<hbm>> -> memref<128x128xf32, #tpu.memory_space<hbm>>
      %dma_wait3A_75 = arith.constant 0 : i32
      %dma_wait3A_76 = tpu.memref_slice %arg15[%add3A_58, %dma_wait3A_75] : memref<10240x128xf32, #tpu.memory_space<vmem_shared>> -> memref<128x128xf32, #tpu.memory_space<vmem_shared>>
      tpu.wait_dma2 semaphore(%run_scoped3A : memref<!tpu.dma_semaphore, #tpu.memory_space<semaphore_mem>>) src(%dma_wait3A_76 : memref<128x128xf32, #tpu.memory_space<vmem_shared>>) dst(%dma_wait3A_74 : memref<128x128xf32, #tpu.memory_space<hbm>>)
      tpu.yield
    }) : () -> ()
    %mul3A_59 = arith.constant 640 : i32
    %mul3A_60 = arith.muli %arg1, %mul3A_59 : i32
    %add3A_61 = arith.constant 384 : i32
    %add3A_62 = arith.addi %mul3A_60, %add3A_61 : i32
    "tpu.region"() ({
      %run_scoped3A = tpu.sem_alloc : memref<!tpu.dma_semaphore, #tpu.memory_space<semaphore_mem>>
      %dma_start3A_67 = arith.constant 0 : i32
      %dma_start3A_68 = tpu.memref_slice %arg6[%arg0, %add3A_62, %dma_start3A_67] : memref<2x10240x128xf32, #tpu.memory_space<hbm>> -> memref<1x128x128xf32, #tpu.memory_space<hbm>>
      %dma_start3A_69 = tpu.memref_squeeze %dma_start3A_68 : memref<1x128x128xf32, #tpu.memory_space<hbm>> -> memref<128x128xf32, #tpu.memory_space<hbm>>
      %dma_start3A_70 = arith.constant 0 : i32
      %dma_start3A_71 = tpu.memref_slice %arg15[%add3A_62, %dma_start3A_70] : memref<10240x128xf32, #tpu.memory_space<vmem_shared>> -> memref<128x128xf32, #tpu.memory_space<vmem_shared>>
      tpu.enqueue_dma source(%dma_start3A_71 : memref<128x128xf32, #tpu.memory_space<vmem_shared>>) target(%dma_start3A_69 : memref<128x128xf32, #tpu.memory_space<hbm>>) target_semaphore(%run_scoped3A : memref<!tpu.dma_semaphore, #tpu.memory_space<semaphore_mem>>)
      %dma_wait3A_72 = arith.constant 0 : i32
      %dma_wait3A_73 = tpu.memref_slice %arg6[%arg0, %add3A_62, %dma_wait3A_72] : memref<2x10240x128xf32, #tpu.memory_space<hbm>> -> memref<1x128x128xf32, #tpu.memory_space<hbm>>
      %dma_wait3A_74 = tpu.memref_squeeze %dma_wait3A_73 : memref<1x128x128xf32, #tpu.memory_space<hbm>> -> memref<128x128xf32, #tpu.memory_space<hbm>>
      %dma_wait3A_75 = arith.constant 0 : i32
      %dma_wait3A_76 = tpu.memref_slice %arg15[%add3A_62, %dma_wait3A_75] : memref<10240x128xf32, #tpu.memory_space<vmem_shared>> -> memref<128x128xf32, #tpu.memory_space<vmem_shared>>
      tpu.wait_dma2 semaphore(%run_scoped3A : memref<!tpu.dma_semaphore, #tpu.memory_space<semaphore_mem>>) src(%dma_wait3A_76 : memref<128x128xf32, #tpu.memory_space<vmem_shared>>) dst(%dma_wait3A_74 : memref<128x128xf32, #tpu.memory_space<hbm>>)
      tpu.yield
    }) : () -> ()
    %mul3A_63 = arith.constant 640 : i32
    %mul3A_64 = arith.muli %arg1, %mul3A_63 : i32
    %add3A_65 = arith.constant 512 : i32
    %add3A_66 = arith.addi %mul3A_64, %add3A_65 : i32
    "tpu.region"() ({
      %run_scoped3A = tpu.sem_alloc : memref<!tpu.dma_semaphore, #tpu.memory_space<semaphore_mem>>
      %dma_start3A_67 = arith.constant 0 : i32
      %dma_start3A_68 = tpu.memref_slice %arg6[%arg0, %add3A_66, %dma_start3A_67] : memref<2x10240x128xf32, #tpu.memory_space<hbm>> -> memref<1x128x128xf32, #tpu.memory_space<hbm>>
      %dma_start3A_69 = tpu.memref_squeeze %dma_start3A_68 : memref<1x128x128xf32, #tpu.memory_space<hbm>> -> memref<128x128xf32, #tpu.memory_space<hbm>>
      %dma_start3A_70 = arith.constant 0 : i32
      %dma_start3A_71 = tpu.memref_slice %arg15[%add3A_66, %dma_start3A_70] : memref<10240x128xf32, #tpu.memory_space<vmem_shared>> -> memref<128x128xf32, #tpu.memory_space<vmem_shared>>
      tpu.enqueue_dma source(%dma_start3A_71 : memref<128x128xf32, #tpu.memory_space<vmem_shared>>) target(%dma_start3A_69 : memref<128x128xf32, #tpu.memory_space<hbm>>) target_semaphore(%run_scoped3A : memref<!tpu.dma_semaphore, #tpu.memory_space<semaphore_mem>>)
      %dma_wait3A_72 = arith.constant 0 : i32
      %dma_wait3A_73 = tpu.memref_slice %arg6[%arg0, %add3A_66, %dma_wait3A_72] : memref<2x10240x128xf32, #tpu.memory_space<hbm>> -> memref<1x128x128xf32, #tpu.memory_space<hbm>>
      %dma_wait3A_74 = tpu.memref_squeeze %dma_wait3A_73 : memref<1x128x128xf32, #tpu.memory_space<hbm>> -> memref<128x128xf32, #tpu.memory_space<hbm>>
      %dma_wait3A_75 = arith.constant 0 : i32
      %dma_wait3A_76 = tpu.memref_slice %arg15[%add3A_66, %dma_wait3A_75] : memref<10240x128xf32, #tpu.memory_space<vmem_shared>> -> memref<128x128xf32, #tpu.memory_space<vmem_shared>>
      tpu.wait_dma2 semaphore(%run_scoped3A : memref<!tpu.dma_semaphore, #tpu.memory_space<semaphore_mem>>) src(%dma_wait3A_76 : memref<128x128xf32, #tpu.memory_space<vmem_shared>>) dst(%dma_wait3A_74 : memref<128x128xf32, #tpu.memory_space<hbm>>)
      tpu.yield
    }) : () -> ()
    return
  }
}

module attributes {stable_mosaic.version = 14 : i64} {
  func.func @_prep_body(%arg0: i32, %arg1: memref<1024x1xi32, #tpu.memory_space<vmem>>, %arg2: memref<128x256xf32, #tpu.memory_space<vmem>>, %arg3: memref<1024x128xf32, #tpu.memory_space<vmem>>, %arg4: memref<1024x128xf32, #tpu.memory_space<vmem>>) attributes {dimension_semantics = [#tpu.dimension_semantics<arbitrary>], iteration_bounds = array<i64: 10>, scalar_prefetch = 0 : i64, scratch_operands = 0 : i64, tpu.core_type = #tpu.core_type<tc>, window_params = [{transform_indices = @transform_0, window_bounds = array<i64: 1024, 1>}, {pipeline_mode = #tpu.pipeline_mode<synchronous>, transform_indices = @transform_1, window_bounds = array<i64: 128, 256>}, {transform_indices = @transform_2, window_bounds = array<i64: 1024, 128>}, {transform_indices = @transform_3, window_bounds = array<i64: 1024, 128>}]} {
    %get3A = arith.constant 0 : index
    %get3A_0 = arith.constant 0 : index
    %get3A_1 = vector.load %arg1[%get3A, %get3A_0] : memref<1024x1xi32, #tpu.memory_space<vmem>>, vector<1024x1xi32>
    %iota3A = tpu.iota {dimensions = array<i32: 1>} : vector<1024x128xi32>
    %eq3A = vector.broadcast %get3A_1 : vector<1024x1xi32> to vector<1024x128xi32>
    %eq3A_2 = arith.cmpi eq, %eq3A, %iota3A : vector<1024x128xi32>
    %convert_element_type3A = arith.extui %eq3A_2 : vector<1024x128xi1> to vector<1024x128xi32>
    %convert_element_type3A_3 = arith.sitofp %convert_element_type3A : vector<1024x128xi32> to vector<1024x128xf32>
    %get3A_4 = arith.constant 0 : index
    %get3A_5 = arith.constant 0 : index
    %get3A_6 = vector.load %arg2[%get3A_4, %get3A_5] : memref<128x256xf32, #tpu.memory_space<vmem>>, vector<128x256xf32>
    %dot_general3A = arith.constant dense<0.000000e+00> : vector<1024x256xf32>
    %dot_general3A_7 = tpu.matmul %convert_element_type3A_3, %get3A_6, %dot_general3A {dimension_numbers = #tpu.dot_dimension_numbers<[1], [0], [0], [1], [0, 0, 1, 1], [], []>, transpose_lhs_hint = false} : vector<1024x128xf32>, vector<128x256xf32>, vector<1024x256xf32> -> vector<1024x256xf32>
    %slice3A = vector.extract_strided_slice %dot_general3A_7 {offsets = [0, 0], sizes = [1024, 128], strides = [1, 1]} : vector<1024x256xf32> to vector<1024x128xf32>
    %swap3A = arith.constant 0 : index
    %swap3A_8 = arith.constant 0 : index
    %swap3A_9 = vector.load %arg3[%swap3A, %swap3A_8] : memref<1024x128xf32, #tpu.memory_space<vmem>>, vector<1024x128xf32>
    tpu.vector_store %arg3[%swap3A, %swap3A_8], %slice3A {strides = array<i32>} : memref<1024x128xf32, #tpu.memory_space<vmem>>, vector<1024x128xf32>,
    %slice3A_10 = vector.extract_strided_slice %dot_general3A_7 {offsets = [0, 128], sizes = [1024, 128], strides = [1, 1]} : vector<1024x256xf32> to vector<1024x128xf32>
    %swap3A_11 = arith.constant 0 : index
    %swap3A_12 = arith.constant 0 : index
    %swap3A_13 = vector.load %arg4[%swap3A_11, %swap3A_12] : memref<1024x128xf32, #tpu.memory_space<vmem>>, vector<1024x128xf32>
    tpu.vector_store %arg4[%swap3A_11, %swap3A_12], %slice3A_10 {strides = array<i32>} : memref<1024x128xf32, #tpu.memory_space<vmem>>, vector<1024x128xf32>,
    return
  }
  func.func @transform_0(%arg0: i32) -> (i32, i32) {
    %c0_i32 = arith.constant 0 : i32
    %c0_i32_0 = arith.constant 0 : i32
    return %arg0, %c0_i32 : i32, i32
  }
  func.func @transform_1(%arg0: i32) -> (i32, i32) {
    %c0_i32 = arith.constant 0 : i32
    %c0_i32_0 = arith.constant 0 : i32
    %c0_i32_1 = arith.constant 0 : i32
    return %c0_i32, %c0_i32_0 : i32, i32
  }
  func.func @transform_2(%arg0: i32) -> (i32, i32) {
    %c0_i32 = arith.constant 0 : i32
    %c0_i32_0 = arith.constant 0 : i32
    return %arg0, %c0_i32 : i32, i32
  }
  func.func @transform_3(%arg0: i32) -> (i32, i32) {
    %c0_i32 = arith.constant 0 : i32
    %c0_i32_0 = arith.constant 0 : i32
    return %arg0, %c0_i32 : i32, i32
  }
}

module attributes {stable_mosaic.version = 14 : i64} {
  func.func @_edge_body(%arg0: i32, %arg1: memref<8000x4xf32, #tpu.memory_space<vmem>>, %arg2: memref<4x256xf32, #tpu.memory_space<vmem>>, %arg3: memref<1x256xf32, #tpu.memory_space<vmem>>, %arg4: memref<8000x128xf32, #tpu.memory_space<vmem>>, %arg5: memref<8000x128xf32, #tpu.memory_space<vmem>>) attributes {dimension_semantics = [#tpu.dimension_semantics<arbitrary>], iteration_bounds = array<i64: 40>, scalar_prefetch = 0 : i64, scratch_operands = 0 : i64, tpu.core_type = #tpu.core_type<tc>, window_params = [{transform_indices = @transform_0, window_bounds = array<i64: 8000, 4>}, {pipeline_mode = #tpu.pipeline_mode<synchronous>, transform_indices = @transform_1, window_bounds = array<i64: 4, 256>}, {pipeline_mode = #tpu.pipeline_mode<synchronous>, transform_indices = @transform_2, window_bounds = array<i64: 1, 256>}, {transform_indices = @transform_3, window_bounds = array<i64: 8000, 128>}, {transform_indices = @transform_4, window_bounds = array<i64: 8000, 128>}]} {
    %get3A = arith.constant 0 : index
    %get3A_0 = arith.constant 0 : index
    %get3A_1 = vector.load %arg1[%get3A, %get3A_0] : memref<8000x4xf32, #tpu.memory_space<vmem>>, vector<8000x4xf32>
    %get3A_2 = arith.constant 0 : index
    %get3A_3 = arith.constant 0 : index
    %get3A_4 = vector.load %arg2[%get3A_2, %get3A_3] : memref<4x256xf32, #tpu.memory_space<vmem>>, vector<4x256xf32>
    %dot_general3A = arith.constant dense<0.000000e+00> : vector<8000x256xf32>
    %dot_general3A_5 = tpu.matmul %get3A_1, %get3A_4, %dot_general3A {dimension_numbers = #tpu.dot_dimension_numbers<[1], [0], [0], [1], [0, 0, 1, 1], [], []>, transpose_lhs_hint = false} : vector<8000x4xf32>, vector<4x256xf32>, vector<8000x256xf32> -> vector<8000x256xf32>
    %get3A_6 = arith.constant 0 : index
    %get3A_7 = arith.constant 0 : index
    %get3A_8 = vector.load %arg3[%get3A_6, %get3A_7] : memref<1x256xf32, #tpu.memory_space<vmem>>, vector<1x256xf32>
    %add3A = vector.broadcast %get3A_8 : vector<1x256xf32> to vector<8000x256xf32>
    %add3A_9 = arith.addf %dot_general3A_5, %add3A : vector<8000x256xf32>
    %slice3A = vector.extract_strided_slice %add3A_9 {offsets = [0, 0], sizes = [8000, 128], strides = [1, 1]} : vector<8000x256xf32> to vector<8000x128xf32>
    %swap3A = arith.constant 0 : index
    %swap3A_10 = arith.constant 0 : index
    %swap3A_11 = vector.load %arg4[%swap3A, %swap3A_10] : memref<8000x128xf32, #tpu.memory_space<vmem>>, vector<8000x128xf32>
    tpu.vector_store %arg4[%swap3A, %swap3A_10], %slice3A {strides = array<i32>} : memref<8000x128xf32, #tpu.memory_space<vmem>>, vector<8000x128xf32>,
    %slice3A_12 = vector.extract_strided_slice %add3A_9 {offsets = [0, 128], sizes = [8000, 128], strides = [1, 1]} : vector<8000x256xf32> to vector<8000x128xf32>
    %swap3A_13 = arith.constant 0 : index
    %swap3A_14 = arith.constant 0 : index
    %swap3A_15 = vector.load %arg5[%swap3A_13, %swap3A_14] : memref<8000x128xf32, #tpu.memory_space<vmem>>, vector<8000x128xf32>
    tpu.vector_store %arg5[%swap3A_13, %swap3A_14], %slice3A_12 {strides = array<i32>} : memref<8000x128xf32, #tpu.memory_space<vmem>>, vector<8000x128xf32>,
    return
  }
  func.func @transform_0(%arg0: i32) -> (i32, i32) {
    %c0_i32 = arith.constant 0 : i32
    %c0_i32_0 = arith.constant 0 : i32
    return %arg0, %c0_i32 : i32, i32
  }
  func.func @transform_1(%arg0: i32) -> (i32, i32) {
    %c0_i32 = arith.constant 0 : i32
    %c0_i32_0 = arith.constant 0 : i32
    %c0_i32_1 = arith.constant 0 : i32
    return %c0_i32, %c0_i32_0 : i32, i32
  }
  func.func @transform_2(%arg0: i32) -> (i32, i32) {
    %c0_i32 = arith.constant 0 : i32
    %c0_i32_0 = arith.constant 0 : i32
    %c0_i32_1 = arith.constant 0 : i32
    return %c0_i32, %c0_i32_0 : i32, i32
  }
  func.func @transform_3(%arg0: i32) -> (i32, i32) {
    %c0_i32 = arith.constant 0 : i32
    %c0_i32_0 = arith.constant 0 : i32
    return %arg0, %c0_i32 : i32, i32
  }
  func.func @transform_4(%arg0: i32) -> (i32, i32) {
    %c0_i32 = arith.constant 0 : i32
    %c0_i32_0 = arith.constant 0 : i32
    return %arg0, %c0_i32 : i32, i32
  }
}

module attributes {stable_mosaic.version = 14 : i64} {
  func.func @_up1_body(%arg0: i32, %arg1: memref<1024x128xf32, #tpu.memory_space<vmem>>, %arg2: memref<2x1024x128xf32, #tpu.memory_space<vmem>>, %arg3: memref<128x128xf32, #tpu.memory_space<vmem>>, %arg4: memref<1x128xf32, #tpu.memory_space<vmem>>, %arg5: memref<128x256xf32, #tpu.memory_space<vmem>>, %arg6: memref<1024x128xf32, #tpu.memory_space<vmem>>, %arg7: memref<1024x128xf32, #tpu.memory_space<vmem>>) attributes {dimension_semantics = [#tpu.dimension_semantics<arbitrary>], iteration_bounds = array<i64: 10>, scalar_prefetch = 0 : i64, scratch_operands = 0 : i64, tpu.core_type = #tpu.core_type<tc>, window_params = [{transform_indices = @transform_0, window_bounds = array<i64: 1024, 128>}, {transform_indices = @transform_1, window_bounds = array<i64: 2, 1024, 128>}, {pipeline_mode = #tpu.pipeline_mode<synchronous>, transform_indices = @transform_2, window_bounds = array<i64: 128, 128>}, {pipeline_mode = #tpu.pipeline_mode<synchronous>, transform_indices = @transform_3, window_bounds = array<i64: 1, 128>}, {pipeline_mode = #tpu.pipeline_mode<synchronous>, transform_indices = @transform_4, window_bounds = array<i64: 128, 256>}, {transform_indices = @transform_5, window_bounds = array<i64: 1024, 128>}, {transform_indices = @transform_6, window_bounds = array<i64: 1024, 128>}]} {
    %get3A = arith.constant 0 : index
    %get3A_0 = arith.constant 0 : index
    %get3A_1 = arith.constant 0 : index
    %get3A_2 = vector.load %arg2[%get3A, %get3A_0, %get3A_1] : memref<2x1024x128xf32, #tpu.memory_space<vmem>>, vector<1x1024x128xf32>
    %get3A_3 = vector.shape_cast %get3A_2 : vector<1x1024x128xf32> to vector<1024x128xf32>
    %get3A_4 = arith.constant 1 : index
    %get3A_5 = arith.constant 0 : index
    %get3A_6 = arith.constant 0 : index
    %get3A_7 = vector.load %arg2[%get3A_4, %get3A_5, %get3A_6] : memref<2x1024x128xf32, #tpu.memory_space<vmem>>, vector<1x1024x128xf32>
    %get3A_8 = vector.shape_cast %get3A_7 : vector<1x1024x128xf32> to vector<1024x128xf32>
    %add3A = arith.addf %get3A_3, %get3A_8 : vector<1024x128xf32>
    %get3A_9 = arith.constant 0 : index
    %get3A_10 = arith.constant 0 : index
    %get3A_11 = vector.load %arg1[%get3A_9, %get3A_10] : memref<1024x128xf32, #tpu.memory_space<vmem>>, vector<1024x128xf32>
    %get3A_12 = arith.constant 0 : index
    %get3A_13 = arith.constant 0 : index
    %get3A_14 = vector.load %arg3[%get3A_12, %get3A_13] : memref<128x128xf32, #tpu.memory_space<vmem>>, vector<128x128xf32>
    %dot_general3A = arith.constant dense<0.000000e+00> : vector<1024x128xf32>
    %dot_general3A_15 = tpu.matmul %add3A, %get3A_14, %dot_general3A {dimension_numbers = #tpu.dot_dimension_numbers<[1], [0], [0], [1], [0, 0, 1, 1], [], []>, transpose_lhs_hint = false} : vector<1024x128xf32>, vector<128x128xf32>, vector<1024x128xf32> -> vector<1024x128xf32>
    %add3A_16 = arith.addf %get3A_11, %dot_general3A_15 : vector<1024x128xf32>
    %get3A_17 = arith.constant 0 : index
    %get3A_18 = arith.constant 0 : index
    %get3A_19 = vector.load %arg4[%get3A_17, %get3A_18] : memref<1x128xf32, #tpu.memory_space<vmem>>, vector<1x128xf32>
    %add3A_20 = vector.broadcast %get3A_19 : vector<1x128xf32> to vector<1024x128xf32>
    %add3A_21 = arith.addf %add3A_16, %add3A_20 : vector<1024x128xf32>
    %max3A = arith.constant 0.000000e+00 : f32
    %max3A_22 = vector.broadcast %max3A : f32 to vector<1024x128xf32>
    %max3A_23 = arith.maximumf %add3A_21, %max3A_22 : vector<1024x128xf32>
    %get3A_24 = arith.constant 0 : index
    %get3A_25 = arith.constant 0 : index
    %get3A_26 = vector.load %arg5[%get3A_24, %get3A_25] : memref<128x256xf32, #tpu.memory_space<vmem>>, vector<128x256xf32>
    %dot_general3A_27 = arith.constant dense<0.000000e+00> : vector<1024x256xf32>
    %dot_general3A_28 = tpu.matmul %max3A_23, %get3A_26, %dot_general3A_27 {dimension_numbers = #tpu.dot_dimension_numbers<[1], [0], [0], [1], [0, 0, 1, 1], [], []>, transpose_lhs_hint = false} : vector<1024x128xf32>, vector<128x256xf32>, vector<1024x256xf32> -> vector<1024x256xf32>
    %slice3A = vector.extract_strided_slice %dot_general3A_28 {offsets = [0, 0], sizes = [1024, 128], strides = [1, 1]} : vector<1024x256xf32> to vector<1024x128xf32>
    %swap3A = arith.constant 0 : index
    %swap3A_29 = arith.constant 0 : index
    %swap3A_30 = vector.load %arg6[%swap3A, %swap3A_29] : memref<1024x128xf32, #tpu.memory_space<vmem>>, vector<1024x128xf32>
    tpu.vector_store %arg6[%swap3A, %swap3A_29], %slice3A {strides = array<i32>} : memref<1024x128xf32, #tpu.memory_space<vmem>>, vector<1024x128xf32>,
    %slice3A_31 = vector.extract_strided_slice %dot_general3A_28 {offsets = [0, 128], sizes = [1024, 128], strides = [1, 1]} : vector<1024x256xf32> to vector<1024x128xf32>
    %swap3A_32 = arith.constant 0 : index
    %swap3A_33 = arith.constant 0 : index
    %swap3A_34 = vector.load %arg7[%swap3A_32, %swap3A_33] : memref<1024x128xf32, #tpu.memory_space<vmem>>, vector<1024x128xf32>
    tpu.vector_store %arg7[%swap3A_32, %swap3A_33], %slice3A_31 {strides = array<i32>} : memref<1024x128xf32, #tpu.memory_space<vmem>>, vector<1024x128xf32>,
    return
  }
  func.func @transform_0(%arg0: i32) -> (i32, i32) {
    %c0_i32 = arith.constant 0 : i32
    %c0_i32_0 = arith.constant 0 : i32
    return %arg0, %c0_i32 : i32, i32
  }
  func.func @transform_1(%arg0: i32) -> (i32, i32, i32) {
    %c0_i32 = arith.constant 0 : i32
    %c0_i32_0 = arith.constant 0 : i32
    %c0_i32_1 = arith.constant 0 : i32
    return %c0_i32, %arg0, %c0_i32_0 : i32, i32, i32
  }
  func.func @transform_2(%arg0: i32) -> (i32, i32) {
    %c0_i32 = arith.constant 0 : i32
    %c0_i32_0 = arith.constant 0 : i32
    %c0_i32_1 = arith.constant 0 : i32
    return %c0_i32, %c0_i32_0 : i32, i32
  }
  func.func @transform_3(%arg0: i32) -> (i32, i32) {
    %c0_i32 = arith.constant 0 : i32
    %c0_i32_0 = arith.constant 0 : i32
    %c0_i32_1 = arith.constant 0 : i32
    return %c0_i32, %c0_i32_0 : i32, i32
  }
  func.func @transform_4(%arg0: i32) -> (i32, i32) {
    %c0_i32 = arith.constant 0 : i32
    %c0_i32_0 = arith.constant 0 : i32
    %c0_i32_1 = arith.constant 0 : i32
    return %c0_i32, %c0_i32_0 : i32, i32
  }
  func.func @transform_5(%arg0: i32) -> (i32, i32) {
    %c0_i32 = arith.constant 0 : i32
    %c0_i32_0 = arith.constant 0 : i32
    return %arg0, %c0_i32 : i32, i32
  }
  func.func @transform_6(%arg0: i32) -> (i32, i32) {
    %c0_i32 = arith.constant 0 : i32
    %c0_i32_0 = arith.constant 0 : i32
    return %arg0, %c0_i32 : i32, i32
  }
}

module attributes {stable_mosaic.version = 14 : i64} {
  func.func @_up2_body(%arg0: i32, %arg1: memref<1024x128xf32, #tpu.memory_space<vmem>>, %arg2: memref<2x1024x128xf32, #tpu.memory_space<vmem>>, %arg3: memref<128x128xf32, #tpu.memory_space<vmem>>, %arg4: memref<1x128xf32, #tpu.memory_space<vmem>>, %arg5: memref<1x128xf32, #tpu.memory_space<vmem>>) attributes {dimension_semantics = [#tpu.dimension_semantics<arbitrary>], iteration_bounds = array<i64: 10>, scalar_prefetch = 0 : i64, scratch_operands = 0 : i64, tpu.core_type = #tpu.core_type<tc>, window_params = [{transform_indices = @transform_0, window_bounds = array<i64: 1024, 128>}, {transform_indices = @transform_1, window_bounds = array<i64: 2, 1024, 128>}, {pipeline_mode = #tpu.pipeline_mode<synchronous>, transform_indices = @transform_2, window_bounds = array<i64: 128, 128>}, {pipeline_mode = #tpu.pipeline_mode<synchronous>, transform_indices = @transform_3, window_bounds = array<i64: 1, 128>}, {pipeline_mode = #tpu.pipeline_mode<synchronous>, transform_indices = @transform_4, window_bounds = array<i64: 1, 128>}]} {
    %get3A = arith.constant 0 : index
    %get3A_0 = arith.constant 0 : index
    %get3A_1 = arith.constant 0 : index
    %get3A_2 = vector.load %arg2[%get3A, %get3A_0, %get3A_1] : memref<2x1024x128xf32, #tpu.memory_space<vmem>>, vector<1x1024x128xf32>
    %get3A_3 = vector.shape_cast %get3A_2 : vector<1x1024x128xf32> to vector<1024x128xf32>
    %get3A_4 = arith.constant 1 : index
    %get3A_5 = arith.constant 0 : index
    %get3A_6 = arith.constant 0 : index
    %get3A_7 = vector.load %arg2[%get3A_4, %get3A_5, %get3A_6] : memref<2x1024x128xf32, #tpu.memory_space<vmem>>, vector<1x1024x128xf32>
    %get3A_8 = vector.shape_cast %get3A_7 : vector<1x1024x128xf32> to vector<1024x128xf32>
    %add3A = arith.addf %get3A_3, %get3A_8 : vector<1024x128xf32>
    %get3A_9 = arith.constant 0 : index
    %get3A_10 = arith.constant 0 : index
    %get3A_11 = vector.load %arg1[%get3A_9, %get3A_10] : memref<1024x128xf32, #tpu.memory_space<vmem>>, vector<1024x128xf32>
    %get3A_12 = arith.constant 0 : index
    %get3A_13 = arith.constant 0 : index
    %get3A_14 = vector.load %arg3[%get3A_12, %get3A_13] : memref<128x128xf32, #tpu.memory_space<vmem>>, vector<128x128xf32>
    %dot_general3A = arith.constant dense<0.000000e+00> : vector<1024x128xf32>
    %dot_general3A_15 = tpu.matmul %add3A, %get3A_14, %dot_general3A {dimension_numbers = #tpu.dot_dimension_numbers<[1], [0], [0], [1], [0, 0, 1, 1], [], []>, transpose_lhs_hint = false} : vector<1024x128xf32>, vector<128x128xf32>, vector<1024x128xf32> -> vector<1024x128xf32>
    %add3A_16 = arith.addf %get3A_11, %dot_general3A_15 : vector<1024x128xf32>
    %get3A_17 = arith.constant 0 : index
    %get3A_18 = arith.constant 0 : index
    %get3A_19 = vector.load %arg4[%get3A_17, %get3A_18] : memref<1x128xf32, #tpu.memory_space<vmem>>, vector<1x128xf32>
    %add3A_20 = vector.broadcast %get3A_19 : vector<1x128xf32> to vector<1024x128xf32>
    %add3A_21 = arith.addf %add3A_16, %add3A_20 : vector<1024x128xf32>
    %max3A = arith.constant 0.000000e+00 : f32
    %max3A_22 = vector.broadcast %max3A : f32 to vector<1024x128xf32>
    %max3A_23 = arith.maximumf %add3A_21, %max3A_22 : vector<1024x128xf32>
    %mul3A = arith.constant 1024 : i32
    %mul3A_24 = arith.muli %arg0, %mul3A : i32
    %iota3A = tpu.iota {dimensions = array<i32: 0>} : vector<1024x1xi32>
    %add3A_25 = vector.broadcast %mul3A_24 : i32 to vector<1024x1xi32>
    %add3A_26 = arith.addi %add3A_25, %iota3A : vector<1024x1xi32>
    %lt3A = arith.constant 10000 : i32
    %lt3A_27 = vector.broadcast %lt3A : i32 to vector<1024x1xi32>
    %lt3A_28 = arith.cmpi slt, %add3A_26, %lt3A_27 : vector<1024x1xi32>
    %jit3A = arith.constant 0.000000e+00 : f32
    %broadcast_in_dim3A = vector.shape_cast %lt3A_28 : vector<1024x1xi1> to vector<1024x1xi1>
    %broadcast_in_dim3A_29 = vector.broadcast %broadcast_in_dim3A : vector<1024x1xi1> to vector<1024x128xi1>
    %broadcast_in_dim3A_30 = vector.broadcast %jit3A : f32 to vector<1024x128xf32>
    %select_n3A = arith.select %broadcast_in_dim3A_29, %max3A_23, %broadcast_in_dim3A_30 : vector<1024x128xi1>, vector<1024x128xf32>
    %eq3A = arith.constant 0 : i32
    %eq3A_31 = arith.cmpi eq, %arg0, %eq3A : i32
    %convert_element_type3A = arith.extui %eq3A_31 : i1 to i32
    %cond3A = arith.constant 0 : i32
    %cond3A_32 = arith.cmpi ne, %convert_element_type3A, %cond3A : i32
    scf.if %cond3A_32 {
      %broadcast_in_dim3A_41 = arith.constant 0.000000e+00 : f32
      %broadcast_in_dim3A_42 = vector.broadcast %broadcast_in_dim3A_41 : f32 to vector<1x128xf32>
      %swap3A_43 = arith.constant 0 : index
      %swap3A_44 = arith.constant 0 : index
      %swap3A_45 = vector.load %arg5[%swap3A_43, %swap3A_44] : memref<1x128xf32, #tpu.memory_space<vmem>>, vector<1x128xf32>
      tpu.vector_store %arg5[%swap3A_43, %swap3A_44], %broadcast_in_dim3A_42 {strides = array<i32>} : memref<1x128xf32, #tpu.memory_space<vmem>>, vector<1x128xf32>,
    } else {
    }
    %get3A_33 = arith.constant 0 : index
    %get3A_34 = arith.constant 0 : index
    %get3A_35 = vector.load %arg5[%get3A_33, %get3A_34] : memref<1x128xf32, #tpu.memory_space<vmem>>, vector<1x128xf32>
    %reduce_sum3A = arith.constant dense<0.000000e+00> : vector<128xf32>
    %reduce_sum3A_36 = vector.multi_reduction <add>, %select_n3A, %reduce_sum3A [0] : vector<1024x128xf32> to vector<128xf32>
    %broadcast_in_dim3A_37 = vector.shape_cast %reduce_sum3A_36 : vector<128xf32> to vector<1x128xf32>
    %add3A_38 = arith.addf %get3A_35, %broadcast_in_dim3A_37 : vector<1x128xf32>
    %swap3A = arith.constant 0 : index
    %swap3A_39 = arith.constant 0 : index
    %swap3A_40 = vector.load %arg5[%swap3A, %swap3A_39] : memref<1x128xf32, #tpu.memory_space<vmem>>, vector<1x128xf32>
    tpu.vector_store %arg5[%swap3A, %swap3A_39], %add3A_38 {strides = array<i32>} : memref<1x128xf32, #tpu.memory_space<vmem>>, vector<1x128xf32>,
    return
  }
  func.func @transform_0(%arg0: i32) -> (i32, i32) {
    %c0_i32 = arith.constant 0 : i32
    %c0_i32_0 = arith.constant 0 : i32
    return %arg0, %c0_i32 : i32, i32
  }
  func.func @transform_1(%arg0: i32) -> (i32, i32, i32) {
    %c0_i32 = arith.constant 0 : i32
    %c0_i32_0 = arith.constant 0 : i32
    %c0_i32_1 = arith.constant 0 : i32
    return %c0_i32, %arg0, %c0_i32_0 : i32, i32, i32
  }
  func.func @transform_2(%arg0: i32) -> (i32, i32) {
    %c0_i32 = arith.constant 0 : i32
    %c0_i32_0 = arith.constant 0 : i32
    %c0_i32_1 = arith.constant 0 : i32
    return %c0_i32, %c0_i32_0 : i32, i32
  }
  func.func @transform_3(%arg0: i32) -> (i32, i32) {
    %c0_i32 = arith.constant 0 : i32
    %c0_i32_0 = arith.constant 0 : i32
    %c0_i32_1 = arith.constant 0 : i32
    return %c0_i32, %c0_i32_0 : i32, i32
  }
  func.func @transform_4(%arg0: i32) -> (i32, i32) {
    %c0_i32 = arith.constant 0 : i32
    %c0_i32_0 = arith.constant 0 : i32
    %c0_i32_1 = arith.constant 0 : i32
    return %c0_i32, %c0_i32_0 : i32, i32
  }
}

</mosaic_0001>

<sc_bundles>
// kernel: kernel.11.cloned.1.call-start
scs
__scs_entry_jumppad:
0x0: {  	(pc) =	sbr.rel $0x88, $3  }
0x1: {  	(tag) =	ssettag $0x0;
	lr =	simm.s32 $0x1  }
0x2: {  	[smem:$0x3F95] =	sst lr;
	_ =	strace $0xD0000000  }
0x3: {  	_ = 	snop  }
0x4: {  	_ = 	snop  }
0x5: {  	_ = 	snop  }
0x6: {  	_ = 	snop  }
0x7: {  	_ = 	snop  }
__scs_overlays_trampoline_lowered:
0x8: {  	[smem:$0x3FA4] =	sst s0  }
0x9: {  	[smem:$0x3FA5] =	sst s1  }
0xa: {  	[smem:$0x3FA6] =	sst s2  }
0xb: {  	[smem:$0x3FA7] =	sst s3  }
0xc: {  	[smem:$0x3FA8] =	sst s4  }
0xd: {  	[smem:$0x3FA9] =	sst s5  }
0xe: {  	[smem:$0x3FAA] =	sst s6  }
0xf: {  	[smem:$0x3FAB] =	sst s7  }
0x10: {  	[smem:$0x3FAC] =	sst s8  }
0x11: {  	[smem:$0x3FAD] =	sst s9;
	s0 =	simm.s32 @!p0 $0x0  }
0x12: {  	s1 =	sld [smem:$0x3F93];
	s0 =	simm.s32 @p0 $0x1  }
0x13: {  	[smem:$0x3FAE] =	sst s0;
	s0 =	simm.s32 @!p1 $0x0  }
0x14: {  	s2 =	sld [smem:$0x3F92];
	s0 =	simm.s32 @p1 $0x1  }
0x15: {  	[smem:$0x3FAF] =	sst s0;
	s0 =	simm.s32 @!p2 $0x0  }
0x16: {  	s3 =	sld [smem:$0x3FDB];
	s0 =	simm.s32 @p2 $0x1  }
0x17: {  	s4 =	simm.s32 $0x1BF5;
	[smem:$0x3FB1] =	sst s0  }
0x18: {  	s0 =	sld [smem:$0x3F94];
	_ =	swait.ge [sflag:s4], $0x0  }
0x19: {  	s7 =	sld [smem:$0x3F95]  }
0x1a: {  	s8 =	sadd.s32 $0xFFFFE003, lr  }
0x1b: {  	s9 =	sadd.s32 $0xFFFFFEF7, lr;
	s5 =	simm.s32 $0xFFFFFFFF;
	p2 =	slt.u32 s8, $0xFFFFF086  }
0x1c: {  	p1 =	slt.u32 s9, $0xF7A;
	s5 =	simm.s32 @!p2 $0x0  }
0x1d: {  	s5 =	simm.s32 @p1 $0x1;
	p0 =	seq.s32 s7, s2  }
0x1e: {  	s7 =	smul.u32 @!p0 $0xF7A, s2;
	p2 =	seq.s32 @!p0 s5, $0x0  }
0x1f: {  	s9 =	smul.u32 $0xF7A, s1;
	s8 =	simm.s32 @!p0 $0x1BF5;
	p2 =	por !p2, p0  }
0x20: {  	[sflag:s8] =	ssyncset.s32 @!p0 $0xFFFFF086;
	s6 =	sadd.s32 @!p0 s3, s7;
	s7 =	simm.s32 @!p0 $0x108  }
0x21: {  	s3 =	sadd.s32 s3, s9;
	s6 =	sadd.s32 @!p0 $0x88, s6;
	s7 =	simm.s32 @p2 $0x1082  }
0x22: {  	[simem:s7], [sflag:s8] =	dma.local @!p0 [hbm:s6], $0xF7A  }
0x23: {  	s9 =	sor.u32 $0xD0000000, s2;
	s6 =	simm.s32 $0x108;
	_ =	swait.ge @!p0 [sflag:s8], $0x0  }
0x24: {  	s3 =	sadd.s32 $0x88, s3;
	s6 =	simm.s32 @!p1 $0x1082;
	[sflag:s4] =	ssyncset.s32 $0xFFFFF086  }
0x25: {  	[simem:s6], [sflag:s4] =	dma.local [hbm:s3], $0xF7A  }
0x26: {  	[smem:$0x3F95] =	sst s1;
	(tag) =	ssettag s2;
	_ =	strace s9  }
0x27: {  	s1 =	sld [smem:$0x3FA5]  }
0x28: {  	s2 =	sld [smem:$0x3FA6]  }
0x29: {  	s4 =	sld [smem:$0x3FA8]  }
0x2a: {  	p0 =	seq.s32 s5, $0x0;
	s5 =	sld [smem:$0x3FA9]  }
0x2b: {  	s6 =	sld [smem:$0x3FAA]  }
0x2c: {  	s7 =	sld [smem:$0x3FAB]  }
0x2d: {  	s3 =	simm.s32 $0x108;
	s8 =	sld [smem:$0x3FAC]  }
0x2e: {  	s3 =	simm.s32 @!p0 $0x1082;
	s9 =	sld [smem:$0x3FAD]  }
0x2f: {  	lr =	sadd.s32 s0, s3;
	s0 =	sld [smem:$0x3FA4]  }
0x30: {  	s3 =	sld [smem:$0x3FA7]  }
0x31: {  	[smem:$0x3FB0] =	sst s10  }
0x32: {  	s10 =	sld [smem:$0x3FAE];
	_ =	sdelay $0x3  }
0x33: {  	p0 =	seq.s32 s10, $0x1;
	s10 =	sld [smem:$0x3FB0];
	_ =	sdelay $0x3  }
0x34: {  	[smem:$0x3FB0] =	sst s10  }
0x35: {  	s10 =	sld [smem:$0x3FAF];
	_ =	sdelay $0x3  }
0x36: {  	p1 =	seq.s32 s10, $0x1;
	s10 =	sld [smem:$0x3FB0];
	_ =	sdelay $0x3  }
0x37: {  	[smem:$0x3FB0] =	sst s10  }
0x38: {  	s10 =	sld [smem:$0x3FB1]  }
0x39: {  	_ = 	snop;
	(pc) =	sbr.ind lr, $3  }
0x3a: {  	_ = 	snop  }
0x3b: {  	_ = 	snop  }
0x3c: {  	p2 =	seq.s32 s10, $0x1;
	s10 =	sld [smem:$0x3FB0]  }
0x3d: {  	_ =	shalt  }
0x3e: {  	_ =	shalt  }
0x3f: {  	_ =	shalt  }
0x40: {  	_ =	shalt  }
0x41: {  	_ =	shalt  }
0x42: {  	_ =	shalt  }
0x43: {  	_ =	shalt  }
0x44: {  	_ =	shalt  }
0x45: {  	_ =	shalt  }
0x46: {  	_ =	shalt  }
0x47: {  	_ =	shalt  }
0x48: {  	_ =	shalt  }
0x49: {  	_ =	shalt  }
0x4a: {  	_ =	shalt  }
0x4b: {  	_ =	shalt  }
0x4c: {  	_ =	shalt  }
0x4d: {  	_ =	shalt  }
0x4e: {  	_ =	shalt  }
0x4f: {  	_ =	shalt  }
0x50: {  	_ =	shalt  }
0x51: {  	_ =	shalt  }
0x52: {  	_ =	shalt  }
0x53: {  	_ =	shalt  }
0x54: {  	_ =	shalt  }
0x55: {  	_ =	shalt  }
0x56: {  	_ =	shalt  }
0x57: {  	_ =	shalt  }
0x58: {  	_ =	shalt  }
0x59: {  	_ =	shalt  }
0x5a: {  	_ =	shalt  }
0x5b: {  	_ =	shalt  }
0x5c: {  	_ =	shalt  }
0x5d: {  	_ =	shalt  }
0x5e: {  	_ =	shalt  }
0x5f: {  	_ =	shalt  }
0x60: {  	_ =	shalt  }
0x61: {  	_ =	shalt  }
0x62: {  	_ =	shalt  }
0x63: {  	_ =	shalt  }
0x64: {  	_ =	shalt  }
0x65: {  	_ =	shalt  }
0x66: {  	_ =	shalt  }
0x67: {  	_ =	shalt  }
0x68: {  	_ =	shalt  }
0x69: {  	_ =	shalt  }
0x6a: {  	_ =	shalt  }
0x6b: {  	_ =	shalt  }
0x6c: {  	_ =	shalt  }
0x6d: {  	_ =	shalt  }
0x6e: {  	_ =	shalt  }
0x6f: {  	_ =	shalt  }
0x70: {  	_ =	shalt  }
0x71: {  	_ =	shalt  }
0x72: {  	_ =	shalt  }
0x73: {  	_ =	shalt  }
0x74: {  	_ =	shalt  }
0x75: {  	_ =	shalt  }
0x76: {  	_ =	shalt  }
0x77: {  	_ =	shalt  }
0x78: {  	_ =	shalt  }
0x79: {  	_ =	shalt  }
0x7a: {  	_ =	shalt  }
0x7b: {  	_ =	shalt  }
0x7c: {  	_ =	shalt  }
0x7d: {  	_ =	shalt  }
0x7e: {  	_ =	shalt  }
0x7f: {  	_ =	shalt  }
0x80: {  	_ =	shalt  }
0x81: {  	_ =	shalt  }
0x82: {  	_ =	shalt  }
0x83: {  	_ =	shalt  }
0x84: {  	_ =	shalt  }
0x85: {  	_ =	shalt  }
0x86: {  	_ =	shalt  }
0x87: {  	_ =	shalt  }
.Lfunc_end0:
.L_simem_size_0:
called_computation.1_lowered:
.L_overlay_start_0:
0x88: {  	s2 =	sld [smem:$0x3FD9]  }
0x89: {  	s3 =	sld [smem:$0x3FFE];
	_ =	sdelay $0x1  }
0x8a: {  	s1 =	srdreg.scid  }
0x8b: {  	s0 =	sand.u32 $0x1, s1  }
0x8c: {  	s16 =	sshll.u32 s0, $0xA;
	s2 =	sadd.s32 s3, s2  }
0x8d: {  	s2 =	sadd.s32 s2, s16  }
0x8e: {  	[smem:$0x3FBC] =	sst s2  }
0x8f: {  	_ = 	snop  }
0x90: {  	(tm) =	ssettm $0x1  }
0x91: {  	s17 =	sld [smem:$0x3FFB];
	_ =	sdelay $0x3  }
0x92: {  	_ =	strace s17  }
0x93: {  	s2 =	sld [smem:$0x3FFC];
	_ =	sdelay $0x3  }
0x94: {  	_ =	strace s2  }
0x95: {  	s2 =	sld [smem:$0x3FFD];
	_ =	sdelay $0x3  }
0x96: {  	_ =	strace s2  }
0x97: {  	_ =	strace $0x8FFFFFFF  }
0x98: {  	s18 =	sld [smem:$0x3FDB];
	_ =	sdelay $0x1  }
0x99: {  	s19 =	simm.s32 $_scs_section_size  }
0x9a: {  	s4 =	simm.s32 $_size__tile_overlayer_lowered;
	s5 =	simm.s32 $_tile_overlayer_lowered  }
0x9b: {  	s22 =	simm.s32 $0x1BFF;
	s21 =	sshll.u32 s5, $0x1;
	s2 =	sadd.s32 s19, s18  }
0x9c: {  	s6 =	simm.s32 $0x0;
	s20 =	sshll.u32 s4, $0x1;
	s4 =	sadd.s32 s21, s2  }
0x9d: {  	[timem:s6], [sflag:s22] =	dma.local [hbm:s4], s20  }
0x9e: {  	_ =	swait.ge [sflag:s22], s20  }
0x9f: {  	s3 =	ssub.s32 $0x0, s20;
	[sflag:s22] =	ssyncset.done $0x0  }
0xa0: {  	[sflag:s22] =	ssyncadd.s32 s3;
	_ =	sdelay $0x1  }
0xa1: {  	s23 =	simm.s32 $0x1B8B  }
0xa2: {  	_ =	swait.ge [sflag:s23], $0x1  }
0xa3: {  	[sflag:s23] =	ssyncset.done $0x0  }
0xa4: {  	s25 =	simm.s32 $0x1B8E;
	s24 =	sld [smem:$0x3FFE];
	[sflag:s23] =	ssyncadd.s32 $0xFFFFFFFF  }
0xa5: {  	s26 =	simm.s32 $execute0_lowered;
	[smem:$0x3FD2] =	sst s25  }
0xa6: {  	s4 =	sshll.u32 s26, $0x1;
	_ =	strace $0x80000049;
	[dreg:$0x1] =	wrdreg $0xFFFFFFFF  }
0xa7: {  	s28 =	simm.s32 $_size_execute0_lowered;
	s2 =	sadd.s32 s2, s4;
	[dreg:$0x0] =	wrdreg $0x0  }
0xa8: {  	s4 =	sshll.u32 s28, $0x1;
	[dreg:$0x2] =	wrdreg s2  }
0xa9: {  	[dreg:$0x3] =	wrdreg s4  }
0xaa: {  	[dreg:$0x4] =	wrdreg $0xC0  }
0xab: {  	_ =	task [dreg:s6], $0x5FFFF  }
0xac: {  	[dreg:$0x1] =	wrdreg $0xFFFFFFFF  }
0xad: {  	[dreg:$0x0] =	wrdreg $0x60  }
0xae: {  	[dreg:$0x2] =	wrdreg s24  }
0xaf: {  	[dreg:$0x3] =	wrdreg $0x92000  }
0xb0: {  	[dreg:$0x4] =	wrdreg $0x9  }
0xb1: {  	_ =	task.clear_ibuf [dreg:s6], $0x5FFFF;
	_ =	strace $0x90000049  }
0xb2: {  	s29 =	simm.s32 $0x9;
	_ =	strace $0x8000004B  }
0xb3: {  	_ =	swait.ge [sflag:s29], $0x1  }
0xb4: {  	[sflag:s29] =	ssyncadd.s32 $0xFFFFFFFF  }
0xb5: {  	_ =	strace $0x9000004B  }
0xb6: {  	_ =	sfence  }
0xb7: {  	s30 =	sld [smem:$0x0];
	_ =	sdelay $0x2  }
0xb8: {  	s31 =	sshll.u32 s1, $0xD;
	s1 =	sshrl.u32 s1, $0x2  }
0xb9: {  	s3 =	sand.u32 $0x4000, s31;
	s1 =	sadd.s32 s1, s30  }
0xba: {  	s0 =	sor.u32 s3, s0;
	s1 =	sshll.u32 s1, $0x11  }
0xbb: {  	s0 =	sor.u32 s1, s0  }
0xbc: {  	s0 =	sadd.s32 $0x8F2B, s0  }
0xbd: {  	[sflag:s0] =	ssyncadd.remote.s32 $0x1  }
0xbe: {  	_ =	sfence.sel $0xFFFF  }
0xbf: {  	[dreg:$0x0] =	wrdreg $0xFFFFFFFF;
	(pc) =	sbr.abs _section_cstart, $3  }
0xc0: {  	[dreg:$0x1] =	wrdreg $0xFFFFFFFF  }
0xc1: {  	_ =	task.clear_ibuf [dreg:s6], $0x2FFFF;
	_ =	strace $0x9FFFFFFF  }
0xc2: {  	(tm) =	ssettm $0x7FFFFFFF  }
0xc3: {  	_ =	shalt  }
tec
execute0_lowered:
.L_overlay_start_1:
0x0: {  	(tag) =	ssettag $0x1  }
0x1: {  	s0 =	rddreg [dreg:$0x0]  }
0x2: {  	s1 =	rddreg [dreg:$0x1];
	s2 =	simm.s32 $0x0;
	s3 =	srdreg.scid  }
0x3: {  	s12 =	stileid.u32;
	s28 =	simm.s32 $0x1;
	s29 =	simm.s32 $0x8100  }
0x4: {  	s30 =	simm.s32 $0x8180;
	s31 =	simm.s32 $0x10;
	[smem:$0x7FF] =	sst s2  }
0x5: {  	s4 =	sadd.s32 $0x3200, s0;
	s5 =	sadd.s32 $0xA2AE00, s0;
	s3 =	sand.u32 $0x1, s3  }
0x6: {  	s6 =	sadd.s32 $0x4EF000, s0;
	s9 =	smul.u32 $0x50000, s12;
	s7 =	sadd.s32 $0x4E5200, s0  }
0x7: {  	s0 =	sadd.s32 $0x53A00, s0;
	s14 =	smul.u32 $0x14000, s12;
	_ =	strace $0x8000004A  }
0x8: {  	s8 =	ssub.s32 $0x2, s3;
	s11 =	sshll.u32 s3, $0x4;
	s3 =	smul.u32 $0x140000, s3  }
0x9: {  	s10 =	sshrl.u32 s8, $0x1;
	s9 =	sshrl.u32 s9, $0x2;
	s23 =	sor.u32 s12, s11  }
0xa: {  	s16 =	sadd.s32 $0x4000, s14;
	s19 =	sadd.s32 $0x8000, s14;
	s20 =	sadd.s32 $0xC000, s14  }
0xb: {  	s21 =	sadd.s32 $0x10000, s14;
	s15 =	ssub.s32 s8, s10;
	s8 =	sadd.s32 s9, s1  }
0xc: {  	s9 =	smul.u32 $0x2710, s23;
	s10 =	sadd.s32 s16, s1;
	s11 =	sadd.s32 s19, s1  }
0xd: {  	s12 =	sadd.s32 s20, s1;
	s13 =	sadd.s32 s21, s1;
	s14 =	sadd.s32 s14, s3  }
0xe: {  	s16 =	sadd.s32 s3, s16;
	s25 =	sadd.s32 s3, s19;
	s26 =	sadd.s32 s3, s20  }
0xf: {  	s3 =	sadd.s32 s3, s21;
	s23 =	simm.s32 $0x100;
	s14 =	sshrl.u32 s14, $0x3  }
0x10: {  	s24 =	sshrl.u32 s16, $0x3;
	s16 =	sshrl.u32 s26, $0x3;
	s3 =	sshrl.u32 s3, $0x3  }
0x11: {  	s26 =	simm.s32 $0x4100;
	s17 =	sadd.s32 $0x2700, s9;
	s14 =	sadd.s32 s0, s14  }
0x12: {  	s20 =	sadd.s32 s0, s16;
	s21 =	sadd.s32 s0, s3;
	s18 =	sshrl.u32 s17, $0x3  }
0x13: {  	s3 =	simm.s32 $0x8200;
	[dreg:$0x6] =	wrdreg s14;
	s22 =	sadd.s32 s6, s18  }
0x14: {  	s17 =	sshll.u32 s17, $0x4;
	s18 =	sadd.s32 s7, s18;
	[dreg:$0x3] =	wrdreg s22  }
0x15: {  	s14 =	sshrl.u32 s25, $0x3;
	s17 =	sadd.s32 s5, s17;
	[dreg:$0x4] =	wrdreg s18  }
0x16: {  	s25 =	simm.s32 $0x80;
	s19 =	sadd.s32 s0, s14;
	[dreg:$0x5] =	wrdreg s17  }
0x17: {  	v0 =	vimm.f32 $0.0e+00;
	s18 =	sadd.s32 s0, s24;
	s22 =	smax.u32 s15, $0x1;
	s24 =	simm.s32 $0x2  }
.LBB2_1:
0x18: {  	s0 =	simm.s32 $0x0;
	s14 =	simm.s32 $0x200  }
.LBB2_2:
0x19: {  	p0 =	sne.s32 s14, $0xFE00;
	[tilespmem:s0+$0x170] =	vst v0  }
0x1a: {  	[tilespmem:s0+$0x100] =	vst v0  }
0x1b: {  	[tilespmem:s0+$0x110] =	vst v0  }
.Ltmp0:
0x1c: {  	[tilespmem:s0+$0x120] =	vst v0;
	(pc) =	sbr.rel @p0 .LBB2_2-.Ltmp0, $4  }
0x1d: {  	[tilespmem:s0+$0x130] =	vst v0  }
0x1e: {  	[tilespmem:s0+$0x140] =	vst v0  }
0x1f: {  	[tilespmem:s0+$0x150] =	vst v0  }
0x20: {  	[tilespmem:s0+$0x160] =	vst v0;
	s0 =	sshra.s32 s14, $0x2;
	s14 =	sadd.s32 $0x200, s14  }
0x21: {  	[tilespmem:s0+$0x170] =	vst v0  }
0x22: {  	[tilespmem:s0+$0x100] =	vst v0  }
0x23: {  	[tilespmem:s0+$0x110] =	vst v0  }
0x24: {  	[tilespmem:s0+$0x120] =	vst v0  }
0x25: {  	[tilespmem:s0+$0x130] =	vst v0  }
0x26: {  	[tilespmem:s0+$0x140] =	vst v0  }
0x27: {  	[tilespmem:s0+$0x150] =	vst v0  }
0x28: {  	[tilespmem:s0+$0x160] =	vst v0  }
0x29: {  	[spmem:s8] =	stream.linear.scatter [tilespmem:s23], [sflag:$0x2], $0x4000, $0x38;
	[tilespmem:$0x1D200] =	vst v63  }
0x2a: {  	_ =	swait.ge [sflag:s24], $0x4000  }
0x2b: {  	[sflag:s24] =	ssyncset.done $0x0  }
0x2c: {  	[sflag:s24] =	ssyncadd.s32 $0xFFFFC000  }
0x2d: {  	[spmem:s10] =	stream.linear.scatter [tilespmem:s23], [sflag:$0x2], $0x4000, $0x38;
	[tilespmem:$0x1D200] =	vst v63  }
0x2e: {  	_ =	swait.ge [sflag:s24], $0x4000  }
0x2f: {  	[sflag:s24] =	ssyncset.done $0x0  }
0x30: {  	[sflag:s24] =	ssyncadd.s32 $0xFFFFC000  }
0x31: {  	[spmem:s11] =	stream.linear.scatter [tilespmem:s23], [sflag:$0x2], $0x4000, $0x38;
	[tilespmem:$0x1D200] =	vst v63  }
0x32: {  	_ =	swait.ge [sflag:s24], $0x4000  }
0x33: {  	[sflag:s24] =	ssyncset.done $0x0  }
0x34: {  	[sflag:s24] =	ssyncadd.s32 $0xFFFFC000  }
0x35: {  	[spmem:s12] =	stream.linear.scatter [tilespmem:s23], [sflag:$0x2], $0x4000, $0x38;
	[tilespmem:$0x1D200] =	vst v63  }
0x36: {  	_ =	swait.ge [sflag:s24], $0x4000  }
0x37: {  	[sflag:s24] =	ssyncset.done $0x0  }
0x38: {  	[sflag:s24] =	ssyncadd.s32 $0xFFFFC000  }
0x39: {  	[spmem:s13] =	stream.linear.scatter [tilespmem:s23], [sflag:$0x2], $0x4000, $0x38;
	[tilespmem:$0x1D200] =	vst v63  }
0x3a: {  	_ =	swait.ge [sflag:s24], $0x4000  }
0x3b: {  	[sflag:s24] =	ssyncset.done $0x0  }
0x3c: {  	[sflag:s24] =	ssyncadd.s32 $0xFFFFC000  }
0x3d: {  	s0 =	simm.s32 $0x0;
	s14 =	simm.s32 $0x0;
	[bflag:$0x0] =	sbarrier.arrive $0xFFFF  }
.LBB2_4:
0x3e: {  	s15 =	sshll.u32 s14, $0x7  }
0x3f: {  	s15 =	sadd.s32 s9, s15  }
0x40: {  	s16 =	sshrl.u32 s15, $0x3  }
0x41: {  	s17 =	sadd.s32 s6, s16  }
0x42: {  	[tilespmem:s0], [sflag:$0x2] =	stream.linear.gather [hbm4b:s17+s0], $0x80, $0x38;
	[tilespmem:$0x1D200] =	vst v63  }
0x43: {  	_ =	swait.ge [sflag:s24], $0x80  }
0x44: {  	[sflag:s24] =	ssyncset.done $0x0  }
0x45: {  	s16 =	sadd.s32 s7, s16;
	[sflag:s24] =	ssyncadd.s32 $0xFFFFFF80  }
0x46: {  	[tilespmem:s25], [sflag:$0x2] =	stream.linear.gather [hbm4b:s16+s0], $0x80, $0x38;
	[tilespmem:$0x1D200] =	vst v63  }
0x47: {  	_ =	swait.ge [sflag:s24], $0x80  }
0x48: {  	[sflag:s24] =	ssyncset.done $0x0  }
0x49: {  	[sflag:s24] =	ssyncadd.s32 $0xFFFFFF80  }
0x4a: {  	[tilespmem:s26], [sflag:$0x1] =	stream.indirect.gather [hbm4b:s4+s25], $0x80, s0, s25, $0xb8;
	[tilespmem:$0x1D200] =	vst v63  }
0x4b: {  	_ =	swait.ge [sflag:s28], $0x4000  }
0x4c: {  	s15 =	sshll.u32 s15, $0x4;
	[sflag:s28] =	ssyncset.done $0x0  }
0x4d: {  	s15 =	sadd.s32 s5, s15;
	[sflag:s28] =	ssyncadd.s32 $0xFFFFC000  }
0x4e: {  	[tilespmem:s23], [sflag:$0x2] =	stream.linear.gather [hbm4b:s15+s0], $0x4000, $0x38;
	[tilespmem:$0x1D200] =	vst v63  }
0x4f: {  	_ =	swait.ge [sflag:s24], $0x4000  }
0x50: {  	[sflag:s24] =	ssyncset.done $0x0  }
0x51: {  	s15 =	simm.s32 $0x0;
	[sflag:s24] =	ssyncadd.s32 $0xFFFFC000  }
0x52: {  	v7 =	vld [tilespmem:s15+$0x4100]  }
0x53: {  	v12 =	vld [tilespmem:s15+$0x4110]  }
0x54: {  	v6 =	vld [tilespmem:s15+$0x4120]  }
0x55: {  	v5 =	vld [tilespmem:s15+$0x4130]  }
0x56: {  	v4 =	vld [tilespmem:s15+$0x4140]  }
0x57: {  	v3 =	vld [tilespmem:s15+$0x4150]  }
0x58: {  	v2 =	vld [tilespmem:s15+$0x4160]  }
0x59: {  	v1 =	vld [tilespmem:s15+$0x4170]  }
0x5a: {  	v13 =	vld [tilespmem:s15+$0x100]  }
0x5b: {  	v14 =	vld [tilespmem:s15+$0x110]  }
0x5c: {  	v11 =	vld [tilespmem:s15+$0x120]  }
0x5d: {  	v10 =	vld [tilespmem:s15+$0x130]  }
0x5e: {  	v9 =	vld [tilespmem:s15+$0x140]  }
0x5f: {  	v8 =	vld [tilespmem:s15+$0x150];
	v13 =	vadd.f32 v7, v13  }
0x60: {  	s16 =	simm.s32 $0x200;
	v12 =	vadd.f32 v12, v14;
	v7 =	vld [tilespmem:s15+$0x160]  }
.LBB2_5:
0x61: {  	s17 =	sshra.s32 s16, $0x2;
	p0 =	sne.s32 s16, $0xFE00;
	v13 =	vmax.f32 v13, $0.0e+00;
	v6 =	vadd.f32 v6, v11;
	v11 =	vld [tilespmem:s15+$0x170]  }
0x62: {  	v14 =	vld [tilespmem:s17+$0x4100];
	[tilespmem:s15+$0x100] =	vst v13;
	v12 =	vmax.f32 v12, $0.0e+00;
	v5 =	vadd.f32 v5, v10  }
0x63: {  	v15 =	vld [tilespmem:s17+$0x4110];
	[tilespmem:s15+$0x110] =	vst v12;
	v10 =	vmax.f32 v6, $0.0e+00;
	v4 =	vadd.f32 v4, v9  }
0x64: {  	v6 =	vld [tilespmem:s17+$0x4120];
	[tilespmem:s15+$0x120] =	vst v10;
	v9 =	vmax.f32 v5, $0.0e+00;
	v3 =	vadd.f32 v3, v8  }
0x65: {  	v5 =	vld [tilespmem:s17+$0x4130];
	[tilespmem:s15+$0x130] =	vst v9;
	v8 =	vmax.f32 v4, $0.0e+00;
	v2 =	vadd.f32 v2, v7  }
0x66: {  	v4 =	vld [tilespmem:s17+$0x4140];
	[tilespmem:s15+$0x140] =	vst v8;
	v7 =	vmax.f32 v3, $0.0e+00;
	v1 =	vadd.f32 v1, v11  }
0x67: {  	v3 =	vld [tilespmem:s17+$0x4150];
	[tilespmem:s15+$0x150] =	vst v7;
	v7 =	vmax.f32 v2, $0.0e+00  }
0x68: {  	v2 =	vld [tilespmem:s17+$0x4160];
	[tilespmem:s15+$0x160] =	vst v7;
	v7 =	vmax.f32 v1, $0.0e+00  }
0x69: {  	v1 =	vld [tilespmem:s17+$0x4170];
	[tilespmem:s15+$0x170] =	vst v7;
	s15 =	smov.u32 s17  }
0x6a: {  	v7 =	vld [tilespmem:s15+$0x100]  }
0x6b: {  	v12 =	vld [tilespmem:s15+$0x110]  }
.Ltmp1:
0x6c: {  	v11 =	vld [tilespmem:s15+$0x120];
	(pc) =	sbr.rel @p0 .LBB2_5-.Ltmp1, $4  }
0x6d: {  	v10 =	vld [tilespmem:s15+$0x130]  }
0x6e: {  	v9 =	vld [tilespmem:s15+$0x140]  }
0x6f: {  	v13 =	vadd.f32 v14, v7;
	v8 =	vld [tilespmem:s15+$0x150]  }
0x70: {  	s16 =	sadd.s32 $0x200, s16;
	v12 =	vadd.f32 v15, v12;
	v7 =	vld [tilespmem:s15+$0x160]  }
0x71: {  	v13 =	vmax.f32 v13, $0.0e+00;
	v6 =	vadd.f32 v6, v11;
	v63 =	vld [tilespmem:s15+$0x170]  }
0x72: {  	[tilespmem:s15+$0x100] =	vst v13;
	v12 =	vmax.f32 v12, $0.0e+00;
	v5 =	vadd.f32 v5, v10  }
0x73: {  	[tilespmem:s15+$0x110] =	vst v12;
	v6 =	vmax.f32 v6, $0.0e+00;
	v4 =	vadd.f32 v4, v9  }
0x74: {  	[tilespmem:s15+$0x120] =	vst v6;
	v5 =	vmax.f32 v5, $0.0e+00;
	v3 =	vadd.f32 v3, v8  }
0x75: {  	[tilespmem:s15+$0x130] =	vst v5;
	v4 =	vmax.f32 v4, $0.0e+00;
	v2 =	vadd.f32 v2, v7  }
0x76: {  	[tilespmem:s15+$0x140] =	vst v4;
	v3 =	vmax.f32 v3, $0.0e+00;
	v1 =	vadd.f32 v1, v63  }
0x77: {  	s14 =	sadd.s32 $0x1, s14;
	[tilespmem:s15+$0x150] =	vst v3;
	v2 =	vmax.f32 v2, $0.0e+00  }
0x78: {  	p0 =	sne.s32 s14, $0x4E;
	[tilespmem:s15+$0x160] =	vst v2;
	v1 =	vmax.f32 v1, $0.0e+00  }
.Ltmp2:
0x79: {  	[tilespmem:s15+$0x170] =	vst v1;
	(pc) =	sbr.rel @p0 .LBB2_4-.Ltmp2, $4  }
0x7a: {  	[spmem:s1] =	stream.indirect.scatter.add.f32 [tilespmem:s23], [sflag:$0x2], $0x80, s25, s25, $0xb8;
	[tilespmem:$0x1D200] =	vst v63  }
0x7b: {  	_ =	swait.ge [sflag:s24], $0x4000  }
0x7c: {  	[sflag:s24] =	ssyncset.done $0x0  }
0x7d: {  	[sflag:s24] =	ssyncadd.s32 $0xFFFFC000  }
0x7e: {  	s0 =	simm.s32 $0x0;
	s14 =	rddreg [dreg:$0x3]  }
0x7f: {  	[tilespmem:s29], [sflag:$0x2] =	stream.linear.gather [hbm4b:s14+s0], $0x10, $0x38;
	[tilespmem:$0x1D200] =	vst v63  }
0x80: {  	_ =	swait.ge [sflag:s24], $0x10  }
0x81: {  	[sflag:s24] =	ssyncset.done $0x0  }
0x82: {  	s15 =	rddreg [dreg:$0x4];
	[sflag:s24] =	ssyncadd.s32 $0xFFFFFFF0  }
0x83: {  	[tilespmem:s30], [sflag:$0x2] =	stream.linear.gather [hbm4b:s15+s0], $0x10, $0x38;
	[tilespmem:$0x1D200] =	vst v63  }
0x84: {  	_ =	swait.ge [sflag:s24], $0x10  }
0x85: {  	[sflag:s24] =	ssyncset.done $0x0  }
0x86: {  	s16 =	simm.s32 $0x8A00;
	[sflag:s24] =	ssyncadd.s32 $0xFFFFFFF0  }
0x87: {  	[tilespmem:s16], [sflag:$0x1] =	stream.indirect.gather [hbm4b:s4+s31], $0x80, s29, s31, $0xb8;
	[tilespmem:$0x1D200] =	vst v63  }
0x88: {  	_ =	swait.ge [sflag:s28], $0x800  }
0x89: {  	[sflag:s28] =	ssyncset.done $0x0  }
0x8a: {  	s17 =	rddreg [dreg:$0x5];
	[sflag:s28] =	ssyncadd.s32 $0xFFFFF800  }
0x8b: {  	[tilespmem:s3], [sflag:$0x2] =	stream.linear.gather [hbm4b:s17+s0], $0x800, $0x38;
	[tilespmem:$0x1D200] =	vst v63  }
0x8c: {  	_ =	swait.ge [sflag:s24], $0x800  }
0x8d: {  	[sflag:s24] =	ssyncset.done $0x0  }
0x8e: {  	s0 =	simm.s32 $0x0;
	[sflag:s24] =	ssyncadd.s32 $0xFFFFF800  }
0x8f: {  	v7 =	vld [tilespmem:s0+$0x8A00]  }
0x90: {  	v12 =	vld [tilespmem:s0+$0x8A10]  }
0x91: {  	v6 =	vld [tilespmem:s0+$0x8A20]  }
0x92: {  	v5 =	vld [tilespmem:s0+$0x8A30]  }
0x93: {  	v4 =	vld [tilespmem:s0+$0x8A40]  }
0x94: {  	v3 =	vld [tilespmem:s0+$0x8A50]  }
0x95: {  	v2 =	vld [tilespmem:s0+$0x8A60]  }
0x96: {  	v1 =	vld [tilespmem:s0+$0x8A70]  }
0x97: {  	v13 =	vld [tilespmem:s0+$0x8200]  }
0x98: {  	v14 =	vld [tilespmem:s0+$0x8210]  }
0x99: {  	v11 =	vld [tilespmem:s0+$0x8220]  }
0x9a: {  	v10 =	vld [tilespmem:s0+$0x8230]  }
0x9b: {  	v9 =	vld [tilespmem:s0+$0x8240]  }
0x9c: {  	v8 =	vld [tilespmem:s0+$0x8250];
	v13 =	vadd.f32 v7, v13  }
0x9d: {  	s14 =	simm.s32 $0x200;
	v12 =	vadd.f32 v12, v14;
	v7 =	vld [tilespmem:s0+$0x8260]  }
.LBB2_8:
0x9e: {  	s15 =	sshra.s32 s14, $0x2;
	p0 =	sne.s32 s14, $0x1E00;
	v13 =	vmax.f32 v13, $0.0e+00;
	v6 =	vadd.f32 v6, v11;
	v11 =	vld [tilespmem:s0+$0x8270]  }
0x9f: {  	v14 =	vld [tilespmem:s15+$0x8A00];
	[tilespmem:s0+$0x8200] =	vst v13;
	v12 =	vmax.f32 v12, $0.0e+00;
	v5 =	vadd.f32 v5, v10  }
0xa0: {  	v15 =	vld [tilespmem:s15+$0x8A10];
	[tilespmem:s0+$0x8210] =	vst v12;
	v10 =	vmax.f32 v6, $0.0e+00;
	v4 =	vadd.f32 v4, v9  }
0xa1: {  	v6 =	vld [tilespmem:s15+$0x8A20];
	[tilespmem:s0+$0x8220] =	vst v10;
	v9 =	vmax.f32 v5, $0.0e+00;
	v3 =	vadd.f32 v3, v8  }
0xa2: {  	v5 =	vld [tilespmem:s15+$0x8A30];
	[tilespmem:s0+$0x8230] =	vst v9;
	v8 =	vmax.f32 v4, $0.0e+00;
	v2 =	vadd.f32 v2, v7  }
0xa3: {  	v4 =	vld [tilespmem:s15+$0x8A40];
	[tilespmem:s0+$0x8240] =	vst v8;
	v7 =	vmax.f32 v3, $0.0e+00;
	v1 =	vadd.f32 v1, v11  }
0xa4: {  	v3 =	vld [tilespmem:s15+$0x8A50];
	[tilespmem:s0+$0x8250] =	vst v7;
	v7 =	vmax.f32 v2, $0.0e+00  }
0xa5: {  	v2 =	vld [tilespmem:s15+$0x8A60];
	[tilespmem:s0+$0x8260] =	vst v7;
	v7 =	vmax.f32 v1, $0.0e+00  }
0xa6: {  	v1 =	vld [tilespmem:s15+$0x8A70];
	[tilespmem:s0+$0x8270] =	vst v7;
	s0 =	smov.u32 s15  }
0xa7: {  	v7 =	vld [tilespmem:s0+$0x8200]  }
0xa8: {  	v12 =	vld [tilespmem:s0+$0x8210]  }
.Ltmp3:
0xa9: {  	v11 =	vld [tilespmem:s0+$0x8220];
	(pc) =	sbr.rel @p0 .LBB2_8-.Ltmp3, $4  }
0xaa: {  	v10 =	vld [tilespmem:s0+$0x8230]  }
0xab: {  	v9 =	vld [tilespmem:s0+$0x8240]  }
0xac: {  	v13 =	vadd.f32 v14, v7;
	v8 =	vld [tilespmem:s0+$0x8250]  }
0xad: {  	s14 =	sadd.s32 $0x200, s14;
	v12 =	vadd.f32 v15, v12;
	v7 =	vld [tilespmem:s0+$0x8260]  }
0xae: {  	v13 =	vmax.f32 v13, $0.0e+00;
	v6 =	vadd.f32 v6, v11;
	v63 =	vld [tilespmem:s0+$0x8270]  }
0xaf: {  	[tilespmem:s0+$0x8200] =	vst v13;
	v12 =	vmax.f32 v12, $0.0e+00;
	v5 =	vadd.f32 v5, v10  }
0xb0: {  	[tilespmem:s0+$0x8210] =	vst v12;
	v6 =	vmax.f32 v6, $0.0e+00;
	v4 =	vadd.f32 v4, v9  }
0xb1: {  	[tilespmem:s0+$0x8220] =	vst v6;
	v5 =	vmax.f32 v5, $0.0e+00;
	v3 =	vadd.f32 v3, v8  }
0xb2: {  	[tilespmem:s0+$0x8230] =	vst v5;
	v4 =	vmax.f32 v4, $0.0e+00;
	v2 =	vadd.f32 v2, v7  }
0xb3: {  	[tilespmem:s0+$0x8240] =	vst v4;
	v3 =	vmax.f32 v3, $0.0e+00;
	v1 =	vadd.f32 v1, v63  }
0xb4: {  	[tilespmem:s0+$0x8250] =	vst v3;
	v2 =	vmax.f32 v2, $0.0e+00  }
0xb5: {  	[tilespmem:s0+$0x8260] =	vst v2;
	v1 =	vmax.f32 v1, $0.0e+00  }
0xb6: {  	[tilespmem:s0+$0x8270] =	vst v1  }
0xb7: {  	[spmem:s1] =	stream.indirect.scatter.add.f32 [tilespmem:s3], [sflag:$0x2], $0x80, s30, s31, $0xb8;
	[tilespmem:$0x1D200] =	vst v63  }
0xb8: {  	_ =	swait.ge [sflag:s24], $0x800  }
0xb9: {  	[sflag:s24] =	ssyncset.done $0x0  }
0xba: {  	s16 =	stileid.u32;
	[sflag:s24] =	ssyncadd.s32 $0xFFFFF800  }
0xbb: {  	s0 =	sshll.u32 s16, $0x6;
	[bflag:$0x0] =	sbarrier.arrive $0xFFFF  }
0xbc: {  	s14 =	sshrl.u32 s8, $0x3;
	s0 =	sor.u32 $0x1C02, s0;
	s15 =	rddreg [dreg:$0x6]  }
0xbd: {  	[hbm:s15], [sflag:s0] =	dma.local [spmem:s14], $0x800  }
0xbe: {  	_ =	swait.ge [sflag:s24], $0x800  }
0xbf: {  	[sflag:s24] =	ssyncset.done $0x0  }
0xc0: {  	s17 =	sshrl.u32 s10, $0x3;
	[sflag:s24] =	ssyncadd.s32 $0xFFFFF800  }
0xc1: {  	[hbm:s18], [sflag:s0] =	dma.local [spmem:s17], $0x800  }
0xc2: {  	_ =	swait.ge [sflag:s24], $0x800  }
0xc3: {  	[sflag:s24] =	ssyncset.done $0x0  }
0xc4: {  	s15 =	sshrl.u32 s11, $0x3;
	[sflag:s24] =	ssyncadd.s32 $0xFFFFF800  }
0xc5: {  	[hbm:s19], [sflag:s0] =	dma.local [spmem:s15], $0x800  }
0xc6: {  	_ =	swait.ge [sflag:s24], $0x800  }
0xc7: {  	[sflag:s24] =	ssyncset.done $0x0  }
0xc8: {  	s16 =	sshrl.u32 s12, $0x3;
	[sflag:s24] =	ssyncadd.s32 $0xFFFFF800  }
0xc9: {  	[hbm:s20], [sflag:s0] =	dma.local [spmem:s16], $0x800  }
0xca: {  	s2 =	sadd.s32 $0x1, s2;
	_ =	swait.ge [sflag:s24], $0x800  }
0xcb: {  	p0 =	sne.s32 s2, s22;
	[sflag:s24] =	ssyncset.done $0x0  }
.Ltmp4:
0xcc: {  	s17 =	sshrl.u32 s13, $0x3;
	[sflag:s24] =	ssyncadd.s32 $0xFFFFF800;
	(pc) =	sbr.rel @p0 .LBB2_1-.Ltmp4, $4  }
0xcd: {  	[hbm:s21], [sflag:s0] =	dma.local [spmem:s17], $0x800  }
0xce: {  	_ =	swait.ge [sflag:s24], $0x800  }
0xcf: {  	[sflag:s24] =	ssyncset.done $0x0  }
0xd0: {  	[sflag:s24] =	ssyncadd.s32 $0xFFFFF800  }
0xd1: {  	_ =	sfence.sel $0x180000  }
0xd2: {  	[bflag:$0x0] =	sbarrier.arrive $0xFFFF  }
0xd3: {  	_ =	strace $0x9000004A  }
0xd4: {  	s0 =	stileid.u32;
	[bflag:$0x2] =	sbarrier.arrive $0xFFFF  }
0xd5: {  	p0 =	sne.s32 s0, $0x0;
	s0 =	rddreg [dreg:$0x2]  }
0xd6: {  	s0 =	sadd.s32 @!p0 $0x100000, s0  }
0xd7: {  	[sflag:s0] =	ssyncadd.tile.s32 @!p0 $0x1;
	_ =	shalt  }
.Lfunc_end2:
_tile_overlayer_lowered:
.L_overlay_start_2:
0xd8: {  	(tag) =	ssettag $0x2  }
0xd9: {  	s0 =	rddreg [dreg:$0x0];
	s2 =	stileid.u32  }
0xda: {  	s1 =	rddreg [dreg:$0x1];
	p0 =	sne.s32 s2, $0x0  }
0xdb: {  	s3 =	rddreg [dreg:$0x2];
	[bflag:$0x3] =	sbarrier.arrive $0xFFFF;
	s2 =	simm.s32 @!p0 $0x1C02  }
0xdc: {  	[timem:s3], [sflag:s2] =	dma.local @!p0 [hbm:s0], s1  }
0xdd: {  	s0 =	simm.s32 @!p0 $0x2  }
0xde: {  	_ =	swait.ge @!p0 [sflag:s0], s1  }
0xdf: {  	s1 =	ssub.s32 @!p0 $0x0, s1;
	[sflag:s0] =	ssyncset.done @!p0 $0x0  }
0xe0: {  	[sflag:s0] =	ssyncadd.s32 @!p0 s1  }
0xe1: {  	[bflag:$0x3] =	sbarrier.arrive $0xFFFF  }
0xe2: {  	_ =	shalt  }

// kernel: kernel.8.cloned.1.call-start
scs
__scs_entry_jumppad:
0x0: {  	(pc) =	sbr.rel $0x88, $3  }
0x1: {  	(tag) =	ssettag $0x0;
	lr =	simm.s32 $0x1  }
0x2: {  	[smem:$0x3F95] =	sst lr;
	_ =	strace $0xD0000000  }
0x3: {  	_ = 	snop  }
0x4: {  	_ = 	snop  }
0x5: {  	_ = 	snop  }
0x6: {  	_ = 	snop  }
0x7: {  	_ = 	snop  }
__scs_overlays_trampoline_lowered:
0x8: {  	[smem:$0x3FA4] =	sst s0  }
0x9: {  	[smem:$0x3FA5] =	sst s1  }
0xa: {  	[smem:$0x3FA6] =	sst s2  }
0xb: {  	[smem:$0x3FA7] =	sst s3  }
0xc: {  	[smem:$0x3FA8] =	sst s4  }
0xd: {  	[smem:$0x3FA9] =	sst s5  }
0xe: {  	[smem:$0x3FAA] =	sst s6  }
0xf: {  	[smem:$0x3FAB] =	sst s7  }
0x10: {  	[smem:$0x3FAC] =	sst s8  }
0x11: {  	[smem:$0x3FAD] =	sst s9;
	s0 =	simm.s32 @!p0 $0x0  }
0x12: {  	s1 =	sld [smem:$0x3F93];
	s0 =	simm.s32 @p0 $0x1  }
0x13: {  	[smem:$0x3FAE] =	sst s0;
	s0 =	simm.s32 @!p1 $0x0  }
0x14: {  	s2 =	sld [smem:$0x3F92];
	s0 =	simm.s32 @p1 $0x1  }
0x15: {  	[smem:$0x3FAF] =	sst s0;
	s0 =	simm.s32 @!p2 $0x0  }
0x16: {  	s3 =	sld [smem:$0x3FDB];
	s0 =	simm.s32 @p2 $0x1  }
0x17: {  	s4 =	simm.s32 $0x1BF5;
	[smem:$0x3FB1] =	sst s0  }
0x18: {  	s0 =	sld [smem:$0x3F94];
	_ =	swait.ge [sflag:s4], $0x0  }
0x19: {  	s7 =	sld [smem:$0x3F95]  }
0x1a: {  	s8 =	sadd.s32 $0xFFFFE003, lr  }
0x1b: {  	s9 =	sadd.s32 $0xFFFFFEF7, lr;
	s5 =	simm.s32 $0xFFFFFFFF;
	p2 =	slt.u32 s8, $0xFFFFF086  }
0x1c: {  	p1 =	slt.u32 s9, $0xF7A;
	s5 =	simm.s32 @!p2 $0x0  }
0x1d: {  	s5 =	simm.s32 @p1 $0x1;
	p0 =	seq.s32 s7, s2  }
0x1e: {  	s7 =	smul.u32 @!p0 $0xF7A, s2;
	p2 =	seq.s32 @!p0 s5, $0x0  }
0x1f: {  	s9 =	smul.u32 $0xF7A, s1;
	s8 =	simm.s32 @!p0 $0x1BF5;
	p2 =	por !p2, p0  }
0x20: {  	[sflag:s8] =	ssyncset.s32 @!p0 $0xFFFFF086;
	s6 =	sadd.s32 @!p0 s3, s7;
	s7 =	simm.s32 @!p0 $0x108  }
0x21: {  	s3 =	sadd.s32 s3, s9;
	s6 =	sadd.s32 @!p0 $0x88, s6;
	s7 =	simm.s32 @p2 $0x1082  }
0x22: {  	[simem:s7], [sflag:s8] =	dma.local @!p0 [hbm:s6], $0xF7A  }
0x23: {  	s9 =	sor.u32 $0xD0000000, s2;
	s6 =	simm.s32 $0x108;
	_ =	swait.ge @!p0 [sflag:s8], $0x0  }
0x24: {  	s3 =	sadd.s32 $0x88, s3;
	s6 =	simm.s32 @!p1 $0x1082;
	[sflag:s4] =	ssyncset.s32 $0xFFFFF086  }
0x25: {  	[simem:s6], [sflag:s4] =	dma.local [hbm:s3], $0xF7A  }
0x26: {  	[smem:$0x3F95] =	sst s1;
	(tag) =	ssettag s2;
	_ =	strace s9  }
0x27: {  	s1 =	sld [smem:$0x3FA5]  }
0x28: {  	s2 =	sld [smem:$0x3FA6]  }
0x29: {  	s4 =	sld [smem:$0x3FA8]  }
0x2a: {  	p0 =	seq.s32 s5, $0x0;
	s5 =	sld [smem:$0x3FA9]  }
0x2b: {  	s6 =	sld [smem:$0x3FAA]  }
0x2c: {  	s7 =	sld [smem:$0x3FAB]  }
0x2d: {  	s3 =	simm.s32 $0x108;
	s8 =	sld [smem:$0x3FAC]  }
0x2e: {  	s3 =	simm.s32 @!p0 $0x1082;
	s9 =	sld [smem:$0x3FAD]  }
0x2f: {  	lr =	sadd.s32 s0, s3;
	s0 =	sld [smem:$0x3FA4]  }
0x30: {  	s3 =	sld [smem:$0x3FA7]  }
0x31: {  	[smem:$0x3FB0] =	sst s10  }
0x32: {  	s10 =	sld [smem:$0x3FAE];
	_ =	sdelay $0x3  }
0x33: {  	p0 =	seq.s32 s10, $0x1;
	s10 =	sld [smem:$0x3FB0];
	_ =	sdelay $0x3  }
0x34: {  	[smem:$0x3FB0] =	sst s10  }
0x35: {  	s10 =	sld [smem:$0x3FAF];
	_ =	sdelay $0x3  }
0x36: {  	p1 =	seq.s32 s10, $0x1;
	s10 =	sld [smem:$0x3FB0];
	_ =	sdelay $0x3  }
0x37: {  	[smem:$0x3FB0] =	sst s10  }
0x38: {  	s10 =	sld [smem:$0x3FB1]  }
0x39: {  	_ = 	snop;
	(pc) =	sbr.ind lr, $3  }
0x3a: {  	_ = 	snop  }
0x3b: {  	_ = 	snop  }
0x3c: {  	p2 =	seq.s32 s10, $0x1;
	s10 =	sld [smem:$0x3FB0]  }
0x3d: {  	_ =	shalt  }
0x3e: {  	_ =	shalt  }
0x3f: {  	_ =	shalt  }
0x40: {  	_ =	shalt  }
0x41: {  	_ =	shalt  }
0x42: {  	_ =	shalt  }
0x43: {  	_ =	shalt  }
0x44: {  	_ =	shalt  }
0x45: {  	_ =	shalt  }
0x46: {  	_ =	shalt  }
0x47: {  	_ =	shalt  }
0x48: {  	_ =	shalt  }
0x49: {  	_ =	shalt  }
0x4a: {  	_ =	shalt  }
0x4b: {  	_ =	shalt  }
0x4c: {  	_ =	shalt  }
0x4d: {  	_ =	shalt  }
0x4e: {  	_ =	shalt  }
0x4f: {  	_ =	shalt  }
0x50: {  	_ =	shalt  }
0x51: {  	_ =	shalt  }
0x52: {  	_ =	shalt  }
0x53: {  	_ =	shalt  }
0x54: {  	_ =	shalt  }
0x55: {  	_ =	shalt  }
0x56: {  	_ =	shalt  }
0x57: {  	_ =	shalt  }
0x58: {  	_ =	shalt  }
0x59: {  	_ =	shalt  }
0x5a: {  	_ =	shalt  }
0x5b: {  	_ =	shalt  }
0x5c: {  	_ =	shalt  }
0x5d: {  	_ =	shalt  }
0x5e: {  	_ =	shalt  }
0x5f: {  	_ =	shalt  }
0x60: {  	_ =	shalt  }
0x61: {  	_ =	shalt  }
0x62: {  	_ =	shalt  }
0x63: {  	_ =	shalt  }
0x64: {  	_ =	shalt  }
0x65: {  	_ =	shalt  }
0x66: {  	_ =	shalt  }
0x67: {  	_ =	shalt  }
0x68: {  	_ =	shalt  }
0x69: {  	_ =	shalt  }
0x6a: {  	_ =	shalt  }
0x6b: {  	_ =	shalt  }
0x6c: {  	_ =	shalt  }
0x6d: {  	_ =	shalt  }
0x6e: {  	_ =	shalt  }
0x6f: {  	_ =	shalt  }
0x70: {  	_ =	shalt  }
0x71: {  	_ =	shalt  }
0x72: {  	_ =	shalt  }
0x73: {  	_ =	shalt  }
0x74: {  	_ =	shalt  }
0x75: {  	_ =	shalt  }
0x76: {  	_ =	shalt  }
0x77: {  	_ =	shalt  }
0x78: {  	_ =	shalt  }
0x79: {  	_ =	shalt  }
0x7a: {  	_ =	shalt  }
0x7b: {  	_ =	shalt  }
0x7c: {  	_ =	shalt  }
0x7d: {  	_ =	shalt  }
0x7e: {  	_ =	shalt  }
0x7f: {  	_ =	shalt  }
0x80: {  	_ =	shalt  }
0x81: {  	_ =	shalt  }
0x82: {  	_ =	shalt  }
0x83: {  	_ =	shalt  }
0x84: {  	_ =	shalt  }
0x85: {  	_ =	shalt  }
0x86: {  	_ =	shalt  }
0x87: {  	_ =	shalt  }
.Lfunc_end0:
.L_simem_size_0:
called_computation_lowered:
.L_overlay_start_0:
0x88: {  	s2 =	sld [smem:$0x3FD9]  }
0x89: {  	s3 =	sld [smem:$0x3FFE];
	_ =	sdelay $0x1  }
0x8a: {  	s1 =	srdreg.scid  }
0x8b: {  	s0 =	sand.u32 $0x1, s1  }
0x8c: {  	s16 =	sshll.u32 s0, $0xA;
	s2 =	sadd.s32 s3, s2  }
0x8d: {  	s2 =	sadd.s32 s2, s16  }
0x8e: {  	[smem:$0x3FBC] =	sst s2  }
0x8f: {  	_ = 	snop  }
0x90: {  	(tm) =	ssettm $0x1  }
0x91: {  	s17 =	sld [smem:$0x3FFB];
	_ =	sdelay $0x3  }
0x92: {  	_ =	strace s17  }
0x93: {  	s2 =	sld [smem:$0x3FFC];
	_ =	sdelay $0x3  }
0x94: {  	_ =	strace s2  }
0x95: {  	s2 =	sld [smem:$0x3FFD];
	_ =	sdelay $0x3  }
0x96: {  	_ =	strace s2  }
0x97: {  	_ =	strace $0x8FFFFFFF  }
0x98: {  	s18 =	sld [smem:$0x3FDB];
	_ =	sdelay $0x1  }
0x99: {  	s19 =	simm.s32 $_scs_section_size  }
0x9a: {  	s4 =	simm.s32 $_size__tile_overlayer_lowered;
	s5 =	simm.s32 $_tile_overlayer_lowered  }
0x9b: {  	s22 =	simm.s32 $0x1BFF;
	s21 =	sshll.u32 s5, $0x1;
	s2 =	sadd.s32 s19, s18  }
0x9c: {  	s6 =	simm.s32 $0x0;
	s20 =	sshll.u32 s4, $0x1;
	s4 =	sadd.s32 s21, s2  }
0x9d: {  	[timem:s6], [sflag:s22] =	dma.local [hbm:s4], s20  }
0x9e: {  	_ =	swait.ge [sflag:s22], s20  }
0x9f: {  	s3 =	ssub.s32 $0x0, s20;
	[sflag:s22] =	ssyncset.done $0x0  }
0xa0: {  	[sflag:s22] =	ssyncadd.s32 s3;
	_ =	sdelay $0x1  }
0xa1: {  	s23 =	simm.s32 $0x1B8B  }
0xa2: {  	_ =	swait.ge [sflag:s23], $0x1  }
0xa3: {  	[sflag:s23] =	ssyncset.done $0x0  }
0xa4: {  	s25 =	simm.s32 $0x1B8E;
	s24 =	sld [smem:$0x3FFE];
	[sflag:s23] =	ssyncadd.s32 $0xFFFFFFFF  }
0xa5: {  	s26 =	simm.s32 $execute0_lowered;
	[smem:$0x3FD2] =	sst s25  }
0xa6: {  	s4 =	sshll.u32 s26, $0x1;
	_ =	strace $0x80000046;
	[dreg:$0x1] =	wrdreg $0xFFFFFFFF  }
0xa7: {  	s28 =	simm.s32 $_size_execute0_lowered;
	s2 =	sadd.s32 s2, s4;
	[dreg:$0x0] =	wrdreg $0x0  }
0xa8: {  	s4 =	sshll.u32 s28, $0x1;
	[dreg:$0x2] =	wrdreg s2  }
0xa9: {  	[dreg:$0x3] =	wrdreg s4  }
0xaa: {  	[dreg:$0x4] =	wrdreg $0xC0  }
0xab: {  	_ =	task [dreg:s6], $0x5FFFF  }
0xac: {  	[dreg:$0x1] =	wrdreg $0xFFFFFFFF  }
0xad: {  	[dreg:$0x0] =	wrdreg $0x60  }
0xae: {  	[dreg:$0x2] =	wrdreg s24  }
0xaf: {  	[dreg:$0x3] =	wrdreg $0x92000  }
0xb0: {  	[dreg:$0x4] =	wrdreg $0x9  }
0xb1: {  	_ =	task.clear_ibuf [dreg:s6], $0x5FFFF;
	_ =	strace $0x90000046  }
0xb2: {  	s29 =	simm.s32 $0x9;
	_ =	strace $0x80000048  }
0xb3: {  	_ =	swait.ge [sflag:s29], $0x1  }
0xb4: {  	[sflag:s29] =	ssyncadd.s32 $0xFFFFFFFF  }
0xb5: {  	_ =	strace $0x90000048  }
0xb6: {  	_ =	sfence  }
0xb7: {  	s30 =	sld [smem:$0x0];
	_ =	sdelay $0x2  }
0xb8: {  	s31 =	sshll.u32 s1, $0xD;
	s1 =	sshrl.u32 s1, $0x2  }
0xb9: {  	s3 =	sand.u32 $0x4000, s31;
	s1 =	sadd.s32 s1, s30  }
0xba: {  	s0 =	sor.u32 s3, s0;
	s1 =	sshll.u32 s1, $0x11  }
0xbb: {  	s0 =	sor.u32 s1, s0  }
0xbc: {  	s0 =	sadd.s32 $0x8F2B, s0  }
0xbd: {  	[sflag:s0] =	ssyncadd.remote.s32 $0x1  }
0xbe: {  	_ =	sfence.sel $0xFFFF  }
0xbf: {  	[dreg:$0x0] =	wrdreg $0xFFFFFFFF;
	(pc) =	sbr.abs _section_cstart, $3  }
0xc0: {  	[dreg:$0x1] =	wrdreg $0xFFFFFFFF  }
0xc1: {  	_ =	task.clear_ibuf [dreg:s6], $0x2FFFF;
	_ =	strace $0x9FFFFFFF  }
0xc2: {  	(tm) =	ssettm $0x7FFFFFFF  }
0xc3: {  	_ =	shalt  }
tec
execute0_lowered:
.L_overlay_start_1:
0x0: {  	(tag) =	ssettag $0x1  }
0x1: {  	s0 =	rddreg [dreg:$0x0]  }
0x2: {  	s1 =	rddreg [dreg:$0x1];
	s2 =	simm.s32 $0x0;
	s3 =	srdreg.scid  }
0x3: {  	s12 =	stileid.u32;
	s28 =	simm.s32 $0x1;
	s29 =	simm.s32 $0x8100  }
0x4: {  	s30 =	simm.s32 $0x8180;
	s31 =	simm.s32 $0x10;
	[smem:$0x7FF] =	sst s2  }
0x5: {  	s4 =	sadd.s32 $0x4F8E00, s0;
	s5 =	sadd.s32 $0x548E00, s0;
	s3 =	sand.u32 $0x1, s3  }
0x6: {  	s6 =	sadd.s32 $0x4EF000, s0;
	s9 =	smul.u32 $0x50000, s12;
	s7 =	sadd.s32 $0x4E5200, s0  }
0x7: {  	s0 =	sadd.s32 $0x3200, s0;
	s14 =	smul.u32 $0x14000, s12;
	_ =	strace $0x80000047  }
0x8: {  	s8 =	ssub.s32 $0x2, s3;
	s11 =	sshll.u32 s3, $0x4;
	s3 =	smul.u32 $0x140000, s3  }
0x9: {  	s10 =	sshrl.u32 s8, $0x1;
	s9 =	sshrl.u32 s9, $0x2;
	s23 =	sor.u32 s12, s11  }
0xa: {  	s16 =	sadd.s32 $0x4000, s14;
	s19 =	sadd.s32 $0x8000, s14;
	s20 =	sadd.s32 $0xC000, s14  }
0xb: {  	s21 =	sadd.s32 $0x10000, s14;
	s15 =	ssub.s32 s8, s10;
	s8 =	sadd.s32 s9, s1  }
0xc: {  	s9 =	smul.u32 $0x2710, s23;
	s10 =	sadd.s32 s16, s1;
	s11 =	sadd.s32 s19, s1  }
0xd: {  	s12 =	sadd.s32 s20, s1;
	s13 =	sadd.s32 s21, s1;
	s14 =	sadd.s32 s14, s3  }
0xe: {  	s16 =	sadd.s32 s3, s16;
	s25 =	sadd.s32 s3, s19;
	s26 =	sadd.s32 s3, s20  }
0xf: {  	s3 =	sadd.s32 s3, s21;
	s23 =	simm.s32 $0x100;
	s14 =	sshrl.u32 s14, $0x3  }
0x10: {  	s24 =	sshrl.u32 s16, $0x3;
	s16 =	sshrl.u32 s26, $0x3;
	s3 =	sshrl.u32 s3, $0x3  }
0x11: {  	s26 =	simm.s32 $0x4100;
	s17 =	sadd.s32 $0x2700, s9;
	s14 =	sadd.s32 s0, s14  }
0x12: {  	s20 =	sadd.s32 s0, s16;
	s21 =	sadd.s32 s0, s3;
	s18 =	sshrl.u32 s17, $0x3  }
0x13: {  	s3 =	simm.s32 $0x8200;
	[dreg:$0x6] =	wrdreg s14;
	s22 =	sadd.s32 s6, s18  }
0x14: {  	s17 =	sshll.u32 s17, $0x4;
	s18 =	sadd.s32 s7, s18;
	[dreg:$0x3] =	wrdreg s22  }
0x15: {  	s14 =	sshrl.u32 s25, $0x3;
	s17 =	sadd.s32 s5, s17;
	[dreg:$0x4] =	wrdreg s18  }
0x16: {  	s25 =	simm.s32 $0x80;
	s19 =	sadd.s32 s0, s14;
	[dreg:$0x5] =	wrdreg s17  }
0x17: {  	v0 =	vimm.f32 $0.0e+00;
	s18 =	sadd.s32 s0, s24;
	s22 =	smax.u32 s15, $0x1;
	s24 =	simm.s32 $0x2  }
.LBB2_1:
0x18: {  	s0 =	simm.s32 $0x0;
	s14 =	simm.s32 $0x200  }
.LBB2_2:
0x19: {  	p0 =	sne.s32 s14, $0xFE00;
	[tilespmem:s0+$0x170] =	vst v0  }
0x1a: {  	[tilespmem:s0+$0x100] =	vst v0  }
0x1b: {  	[tilespmem:s0+$0x110] =	vst v0  }
.Ltmp0:
0x1c: {  	[tilespmem:s0+$0x120] =	vst v0;
	(pc) =	sbr.rel @p0 .LBB2_2-.Ltmp0, $4  }
0x1d: {  	[tilespmem:s0+$0x130] =	vst v0  }
0x1e: {  	[tilespmem:s0+$0x140] =	vst v0  }
0x1f: {  	[tilespmem:s0+$0x150] =	vst v0  }
0x20: {  	[tilespmem:s0+$0x160] =	vst v0;
	s0 =	sshra.s32 s14, $0x2;
	s14 =	sadd.s32 $0x200, s14  }
0x21: {  	[tilespmem:s0+$0x170] =	vst v0  }
0x22: {  	[tilespmem:s0+$0x100] =	vst v0  }
0x23: {  	[tilespmem:s0+$0x110] =	vst v0  }
0x24: {  	[tilespmem:s0+$0x120] =	vst v0  }
0x25: {  	[tilespmem:s0+$0x130] =	vst v0  }
0x26: {  	[tilespmem:s0+$0x140] =	vst v0  }
0x27: {  	[tilespmem:s0+$0x150] =	vst v0  }
0x28: {  	[tilespmem:s0+$0x160] =	vst v0  }
0x29: {  	[spmem:s8] =	stream.linear.scatter [tilespmem:s23], [sflag:$0x2], $0x4000, $0x38;
	[tilespmem:$0x1D200] =	vst v63  }
0x2a: {  	_ =	swait.ge [sflag:s24], $0x4000  }
0x2b: {  	[sflag:s24] =	ssyncset.done $0x0  }
0x2c: {  	[sflag:s24] =	ssyncadd.s32 $0xFFFFC000  }
0x2d: {  	[spmem:s10] =	stream.linear.scatter [tilespmem:s23], [sflag:$0x2], $0x4000, $0x38;
	[tilespmem:$0x1D200] =	vst v63  }
0x2e: {  	_ =	swait.ge [sflag:s24], $0x4000  }
0x2f: {  	[sflag:s24] =	ssyncset.done $0x0  }
0x30: {  	[sflag:s24] =	ssyncadd.s32 $0xFFFFC000  }
0x31: {  	[spmem:s11] =	stream.linear.scatter [tilespmem:s23], [sflag:$0x2], $0x4000, $0x38;
	[tilespmem:$0x1D200] =	vst v63  }
0x32: {  	_ =	swait.ge [sflag:s24], $0x4000  }
0x33: {  	[sflag:s24] =	ssyncset.done $0x0  }
0x34: {  	[sflag:s24] =	ssyncadd.s32 $0xFFFFC000  }
0x35: {  	[spmem:s12] =	stream.linear.scatter [tilespmem:s23], [sflag:$0x2], $0x4000, $0x38;
	[tilespmem:$0x1D200] =	vst v63  }
0x36: {  	_ =	swait.ge [sflag:s24], $0x4000  }
0x37: {  	[sflag:s24] =	ssyncset.done $0x0  }
0x38: {  	[sflag:s24] =	ssyncadd.s32 $0xFFFFC000  }
0x39: {  	[spmem:s13] =	stream.linear.scatter [tilespmem:s23], [sflag:$0x2], $0x4000, $0x38;
	[tilespmem:$0x1D200] =	vst v63  }
0x3a: {  	_ =	swait.ge [sflag:s24], $0x4000  }
0x3b: {  	[sflag:s24] =	ssyncset.done $0x0  }
0x3c: {  	[sflag:s24] =	ssyncadd.s32 $0xFFFFC000  }
0x3d: {  	s0 =	simm.s32 $0x0;
	s14 =	simm.s32 $0x0;
	[bflag:$0x0] =	sbarrier.arrive $0xFFFF  }
.LBB2_4:
0x3e: {  	s15 =	sshll.u32 s14, $0x7  }
0x3f: {  	s15 =	sadd.s32 s9, s15  }
0x40: {  	s16 =	sshrl.u32 s15, $0x3  }
0x41: {  	s17 =	sadd.s32 s6, s16  }
0x42: {  	[tilespmem:s0], [sflag:$0x2] =	stream.linear.gather [hbm4b:s17+s0], $0x80, $0x38;
	[tilespmem:$0x1D200] =	vst v63  }
0x43: {  	_ =	swait.ge [sflag:s24], $0x80  }
0x44: {  	[sflag:s24] =	ssyncset.done $0x0  }
0x45: {  	s16 =	sadd.s32 s7, s16;
	[sflag:s24] =	ssyncadd.s32 $0xFFFFFF80  }
0x46: {  	[tilespmem:s25], [sflag:$0x2] =	stream.linear.gather [hbm4b:s16+s0], $0x80, $0x38;
	[tilespmem:$0x1D200] =	vst v63  }
0x47: {  	_ =	swait.ge [sflag:s24], $0x80  }
0x48: {  	[sflag:s24] =	ssyncset.done $0x0  }
0x49: {  	[sflag:s24] =	ssyncadd.s32 $0xFFFFFF80  }
0x4a: {  	[tilespmem:s26], [sflag:$0x1] =	stream.indirect.gather [hbm4b:s4+s25], $0x80, s0, s25, $0xb8;
	[tilespmem:$0x1D200] =	vst v63  }
0x4b: {  	_ =	swait.ge [sflag:s28], $0x4000  }
0x4c: {  	s15 =	sshll.u32 s15, $0x4;
	[sflag:s28] =	ssyncset.done $0x0  }
0x4d: {  	s15 =	sadd.s32 s5, s15;
	[sflag:s28] =	ssyncadd.s32 $0xFFFFC000  }
0x4e: {  	[tilespmem:s23], [sflag:$0x2] =	stream.linear.gather [hbm4b:s15+s0], $0x4000, $0x38;
	[tilespmem:$0x1D200] =	vst v63  }
0x4f: {  	_ =	swait.ge [sflag:s24], $0x4000  }
0x50: {  	[sflag:s24] =	ssyncset.done $0x0  }
0x51: {  	s15 =	simm.s32 $0x0;
	[sflag:s24] =	ssyncadd.s32 $0xFFFFC000  }
0x52: {  	v7 =	vld [tilespmem:s15+$0x4100]  }
0x53: {  	v12 =	vld [tilespmem:s15+$0x4110]  }
0x54: {  	v6 =	vld [tilespmem:s15+$0x4120]  }
0x55: {  	v5 =	vld [tilespmem:s15+$0x4130]  }
0x56: {  	v4 =	vld [tilespmem:s15+$0x4140]  }
0x57: {  	v3 =	vld [tilespmem:s15+$0x4150]  }
0x58: {  	v2 =	vld [tilespmem:s15+$0x4160]  }
0x59: {  	v1 =	vld [tilespmem:s15+$0x4170]  }
0x5a: {  	v13 =	vld [tilespmem:s15+$0x100]  }
0x5b: {  	v14 =	vld [tilespmem:s15+$0x110]  }
0x5c: {  	v11 =	vld [tilespmem:s15+$0x120]  }
0x5d: {  	v10 =	vld [tilespmem:s15+$0x130]  }
0x5e: {  	v9 =	vld [tilespmem:s15+$0x140]  }
0x5f: {  	v8 =	vld [tilespmem:s15+$0x150];
	v13 =	vadd.f32 v7, v13  }
0x60: {  	s16 =	simm.s32 $0x200;
	v12 =	vadd.f32 v12, v14;
	v7 =	vld [tilespmem:s15+$0x160]  }
.LBB2_5:
0x61: {  	s17 =	sshra.s32 s16, $0x2;
	p0 =	sne.s32 s16, $0xFE00;
	v13 =	vmax.f32 v13, $0.0e+00;
	v6 =	vadd.f32 v6, v11;
	v11 =	vld [tilespmem:s15+$0x170]  }
0x62: {  	v14 =	vld [tilespmem:s17+$0x4100];
	[tilespmem:s15+$0x100] =	vst v13;
	v12 =	vmax.f32 v12, $0.0e+00;
	v5 =	vadd.f32 v5, v10  }
0x63: {  	v15 =	vld [tilespmem:s17+$0x4110];
	[tilespmem:s15+$0x110] =	vst v12;
	v10 =	vmax.f32 v6, $0.0e+00;
	v4 =	vadd.f32 v4, v9  }
0x64: {  	v6 =	vld [tilespmem:s17+$0x4120];
	[tilespmem:s15+$0x120] =	vst v10;
	v9 =	vmax.f32 v5, $0.0e+00;
	v3 =	vadd.f32 v3, v8  }
0x65: {  	v5 =	vld [tilespmem:s17+$0x4130];
	[tilespmem:s15+$0x130] =	vst v9;
	v8 =	vmax.f32 v4, $0.0e+00;
	v2 =	vadd.f32 v2, v7  }
0x66: {  	v4 =	vld [tilespmem:s17+$0x4140];
	[tilespmem:s15+$0x140] =	vst v8;
	v7 =	vmax.f32 v3, $0.0e+00;
	v1 =	vadd.f32 v1, v11  }
0x67: {  	v3 =	vld [tilespmem:s17+$0x4150];
	[tilespmem:s15+$0x150] =	vst v7;
	v7 =	vmax.f32 v2, $0.0e+00  }
0x68: {  	v2 =	vld [tilespmem:s17+$0x4160];
	[tilespmem:s15+$0x160] =	vst v7;
	v7 =	vmax.f32 v1, $0.0e+00  }
0x69: {  	v1 =	vld [tilespmem:s17+$0x4170];
	[tilespmem:s15+$0x170] =	vst v7;
	s15 =	smov.u32 s17  }
0x6a: {  	v7 =	vld [tilespmem:s15+$0x100]  }
0x6b: {  	v12 =	vld [tilespmem:s15+$0x110]  }
.Ltmp1:
0x6c: {  	v11 =	vld [tilespmem:s15+$0x120];
	(pc) =	sbr.rel @p0 .LBB2_5-.Ltmp1, $4  }
0x6d: {  	v10 =	vld [tilespmem:s15+$0x130]  }
0x6e: {  	v9 =	vld [tilespmem:s15+$0x140]  }
0x6f: {  	v13 =	vadd.f32 v14, v7;
	v8 =	vld [tilespmem:s15+$0x150]  }
0x70: {  	s16 =	sadd.s32 $0x200, s16;
	v12 =	vadd.f32 v15, v12;
	v7 =	vld [tilespmem:s15+$0x160]  }
0x71: {  	v13 =	vmax.f32 v13, $0.0e+00;
	v6 =	vadd.f32 v6, v11;
	v63 =	vld [tilespmem:s15+$0x170]  }
0x72: {  	[tilespmem:s15+$0x100] =	vst v13;
	v12 =	vmax.f32 v12, $0.0e+00;
	v5 =	vadd.f32 v5, v10  }
0x73: {  	[tilespmem:s15+$0x110] =	vst v12;
	v6 =	vmax.f32 v6, $0.0e+00;
	v4 =	vadd.f32 v4, v9  }
0x74: {  	[tilespmem:s15+$0x120] =	vst v6;
	v5 =	vmax.f32 v5, $0.0e+00;
	v3 =	vadd.f32 v3, v8  }
0x75: {  	[tilespmem:s15+$0x130] =	vst v5;
	v4 =	vmax.f32 v4, $0.0e+00;
	v2 =	vadd.f32 v2, v7  }
0x76: {  	[tilespmem:s15+$0x140] =	vst v4;
	v3 =	vmax.f32 v3, $0.0e+00;
	v1 =	vadd.f32 v1, v63  }
0x77: {  	s14 =	sadd.s32 $0x1, s14;
	[tilespmem:s15+$0x150] =	vst v3;
	v2 =	vmax.f32 v2, $0.0e+00  }
0x78: {  	p0 =	sne.s32 s14, $0x4E;
	[tilespmem:s15+$0x160] =	vst v2;
	v1 =	vmax.f32 v1, $0.0e+00  }
.Ltmp2:
0x79: {  	[tilespmem:s15+$0x170] =	vst v1;
	(pc) =	sbr.rel @p0 .LBB2_4-.Ltmp2, $4  }
0x7a: {  	[spmem:s1] =	stream.indirect.scatter.add.f32 [tilespmem:s23], [sflag:$0x2], $0x80, s25, s25, $0xb8;
	[tilespmem:$0x1D200] =	vst v63  }
0x7b: {  	_ =	swait.ge [sflag:s24], $0x4000  }
0x7c: {  	[sflag:s24] =	ssyncset.done $0x0  }
0x7d: {  	[sflag:s24] =	ssyncadd.s32 $0xFFFFC000  }
0x7e: {  	s0 =	simm.s32 $0x0;
	s14 =	rddreg [dreg:$0x3]  }
0x7f: {  	[tilespmem:s29], [sflag:$0x2] =	stream.linear.gather [hbm4b:s14+s0], $0x10, $0x38;
	[tilespmem:$0x1D200] =	vst v63  }
0x80: {  	_ =	swait.ge [sflag:s24], $0x10  }
0x81: {  	[sflag:s24] =	ssyncset.done $0x0  }
0x82: {  	s15 =	rddreg [dreg:$0x4];
	[sflag:s24] =	ssyncadd.s32 $0xFFFFFFF0  }
0x83: {  	[tilespmem:s30], [sflag:$0x2] =	stream.linear.gather [hbm4b:s15+s0], $0x10, $0x38;
	[tilespmem:$0x1D200] =	vst v63  }
0x84: {  	_ =	swait.ge [sflag:s24], $0x10  }
0x85: {  	[sflag:s24] =	ssyncset.done $0x0  }
0x86: {  	s16 =	simm.s32 $0x8A00;
	[sflag:s24] =	ssyncadd.s32 $0xFFFFFFF0  }
0x87: {  	[tilespmem:s16], [sflag:$0x1] =	stream.indirect.gather [hbm4b:s4+s31], $0x80, s29, s31, $0xb8;
	[tilespmem:$0x1D200] =	vst v63  }
0x88: {  	_ =	swait.ge [sflag:s28], $0x800  }
0x89: {  	[sflag:s28] =	ssyncset.done $0x0  }
0x8a: {  	s17 =	rddreg [dreg:$0x5];
	[sflag:s28] =	ssyncadd.s32 $0xFFFFF800  }
0x8b: {  	[tilespmem:s3], [sflag:$0x2] =	stream.linear.gather [hbm4b:s17+s0], $0x800, $0x38;
	[tilespmem:$0x1D200] =	vst v63  }
0x8c: {  	_ =	swait.ge [sflag:s24], $0x800  }
0x8d: {  	[sflag:s24] =	ssyncset.done $0x0  }
0x8e: {  	s0 =	simm.s32 $0x0;
	[sflag:s24] =	ssyncadd.s32 $0xFFFFF800  }
0x8f: {  	v7 =	vld [tilespmem:s0+$0x8A00]  }
0x90: {  	v12 =	vld [tilespmem:s0+$0x8A10]  }
0x91: {  	v6 =	vld [tilespmem:s0+$0x8A20]  }
0x92: {  	v5 =	vld [tilespmem:s0+$0x8A30]  }
0x93: {  	v4 =	vld [tilespmem:s0+$0x8A40]  }
0x94: {  	v3 =	vld [tilespmem:s0+$0x8A50]  }
0x95: {  	v2 =	vld [tilespmem:s0+$0x8A60]  }
0x96: {  	v1 =	vld [tilespmem:s0+$0x8A70]  }
0x97: {  	v13 =	vld [tilespmem:s0+$0x8200]  }
0x98: {  	v14 =	vld [tilespmem:s0+$0x8210]  }
0x99: {  	v11 =	vld [tilespmem:s0+$0x8220]  }
0x9a: {  	v10 =	vld [tilespmem:s0+$0x8230]  }
0x9b: {  	v9 =	vld [tilespmem:s0+$0x8240]  }
0x9c: {  	v8 =	vld [tilespmem:s0+$0x8250];
	v13 =	vadd.f32 v7, v13  }
0x9d: {  	s14 =	simm.s32 $0x200;
	v12 =	vadd.f32 v12, v14;
	v7 =	vld [tilespmem:s0+$0x8260]  }
.LBB2_8:
0x9e: {  	s15 =	sshra.s32 s14, $0x2;
	p0 =	sne.s32 s14, $0x1E00;
	v13 =	vmax.f32 v13, $0.0e+00;
	v6 =	vadd.f32 v6, v11;
	v11 =	vld [tilespmem:s0+$0x8270]  }
0x9f: {  	v14 =	vld [tilespmem:s15+$0x8A00];
	[tilespmem:s0+$0x8200] =	vst v13;
	v12 =	vmax.f32 v12, $0.0e+00;
	v5 =	vadd.f32 v5, v10  }
0xa0: {  	v15 =	vld [tilespmem:s15+$0x8A10];
	[tilespmem:s0+$0x8210] =	vst v12;
	v10 =	vmax.f32 v6, $0.0e+00;
	v4 =	vadd.f32 v4, v9  }
0xa1: {  	v6 =	vld [tilespmem:s15+$0x8A20];
	[tilespmem:s0+$0x8220] =	vst v10;
	v9 =	vmax.f32 v5, $0.0e+00;
	v3 =	vadd.f32 v3, v8  }
0xa2: {  	v5 =	vld [tilespmem:s15+$0x8A30];
	[tilespmem:s0+$0x8230] =	vst v9;
	v8 =	vmax.f32 v4, $0.0e+00;
	v2 =	vadd.f32 v2, v7  }
0xa3: {  	v4 =	vld [tilespmem:s15+$0x8A40];
	[tilespmem:s0+$0x8240] =	vst v8;
	v7 =	vmax.f32 v3, $0.0e+00;
	v1 =	vadd.f32 v1, v11  }
0xa4: {  	v3 =	vld [tilespmem:s15+$0x8A50];
	[tilespmem:s0+$0x8250] =	vst v7;
	v7 =	vmax.f32 v2, $0.0e+00  }
0xa5: {  	v2 =	vld [tilespmem:s15+$0x8A60];
	[tilespmem:s0+$0x8260] =	vst v7;
	v7 =	vmax.f32 v1, $0.0e+00  }
0xa6: {  	v1 =	vld [tilespmem:s15+$0x8A70];
	[tilespmem:s0+$0x8270] =	vst v7;
	s0 =	smov.u32 s15  }
0xa7: {  	v7 =	vld [tilespmem:s0+$0x8200]  }
0xa8: {  	v12 =	vld [tilespmem:s0+$0x8210]  }
.Ltmp3:
0xa9: {  	v11 =	vld [tilespmem:s0+$0x8220];
	(pc) =	sbr.rel @p0 .LBB2_8-.Ltmp3, $4  }
0xaa: {  	v10 =	vld [tilespmem:s0+$0x8230]  }
0xab: {  	v9 =	vld [tilespmem:s0+$0x8240]  }
0xac: {  	v13 =	vadd.f32 v14, v7;
	v8 =	vld [tilespmem:s0+$0x8250]  }
0xad: {  	s14 =	sadd.s32 $0x200, s14;
	v12 =	vadd.f32 v15, v12;
	v7 =	vld [tilespmem:s0+$0x8260]  }
0xae: {  	v13 =	vmax.f32 v13, $0.0e+00;
	v6 =	vadd.f32 v6, v11;
	v63 =	vld [tilespmem:s0+$0x8270]  }
0xaf: {  	[tilespmem:s0+$0x8200] =	vst v13;
	v12 =	vmax.f32 v12, $0.0e+00;
	v5 =	vadd.f32 v5, v10  }
0xb0: {  	[tilespmem:s0+$0x8210] =	vst v12;
	v6 =	vmax.f32 v6, $0.0e+00;
	v4 =	vadd.f32 v4, v9  }
0xb1: {  	[tilespmem:s0+$0x8220] =	vst v6;
	v5 =	vmax.f32 v5, $0.0e+00;
	v3 =	vadd.f32 v3, v8  }
0xb2: {  	[tilespmem:s0+$0x8230] =	vst v5;
	v4 =	vmax.f32 v4, $0.0e+00;
	v2 =	vadd.f32 v2, v7  }
0xb3: {  	[tilespmem:s0+$0x8240] =	vst v4;
	v3 =	vmax.f32 v3, $0.0e+00;
	v1 =	vadd.f32 v1, v63  }
0xb4: {  	[tilespmem:s0+$0x8250] =	vst v3;
	v2 =	vmax.f32 v2, $0.0e+00  }
0xb5: {  	[tilespmem:s0+$0x8260] =	vst v2;
	v1 =	vmax.f32 v1, $0.0e+00  }
0xb6: {  	[tilespmem:s0+$0x8270] =	vst v1  }
0xb7: {  	[spmem:s1] =	stream.indirect.scatter.add.f32 [tilespmem:s3], [sflag:$0x2], $0x80, s30, s31, $0xb8;
	[tilespmem:$0x1D200] =	vst v63  }
0xb8: {  	_ =	swait.ge [sflag:s24], $0x800  }
0xb9: {  	[sflag:s24] =	ssyncset.done $0x0  }
0xba: {  	s16 =	stileid.u32;
	[sflag:s24] =	ssyncadd.s32 $0xFFFFF800  }
0xbb: {  	s0 =	sshll.u32 s16, $0x6;
	[bflag:$0x0] =	sbarrier.arrive $0xFFFF  }
0xbc: {  	s14 =	sshrl.u32 s8, $0x3;
	s0 =	sor.u32 $0x1C02, s0;
	s15 =	rddreg [dreg:$0x6]  }
0xbd: {  	[hbm:s15], [sflag:s0] =	dma.local [spmem:s14], $0x800  }
0xbe: {  	_ =	swait.ge [sflag:s24], $0x800  }
0xbf: {  	[sflag:s24] =	ssyncset.done $0x0  }
0xc0: {  	s17 =	sshrl.u32 s10, $0x3;
	[sflag:s24] =	ssyncadd.s32 $0xFFFFF800  }
0xc1: {  	[hbm:s18], [sflag:s0] =	dma.local [spmem:s17], $0x800  }
0xc2: {  	_ =	swait.ge [sflag:s24], $0x800  }
0xc3: {  	[sflag:s24] =	ssyncset.done $0x0  }
0xc4: {  	s15 =	sshrl.u32 s11, $0x3;
	[sflag:s24] =	ssyncadd.s32 $0xFFFFF800  }
0xc5: {  	[hbm:s19], [sflag:s0] =	dma.local [spmem:s15], $0x800  }
0xc6: {  	_ =	swait.ge [sflag:s24], $0x800  }
0xc7: {  	[sflag:s24] =	ssyncset.done $0x0  }
0xc8: {  	s16 =	sshrl.u32 s12, $0x3;
	[sflag:s24] =	ssyncadd.s32 $0xFFFFF800  }
0xc9: {  	[hbm:s20], [sflag:s0] =	dma.local [spmem:s16], $0x800  }
0xca: {  	s2 =	sadd.s32 $0x1, s2;
	_ =	swait.ge [sflag:s24], $0x800  }
0xcb: {  	p0 =	sne.s32 s2, s22;
	[sflag:s24] =	ssyncset.done $0x0  }
.Ltmp4:
0xcc: {  	s17 =	sshrl.u32 s13, $0x3;
	[sflag:s24] =	ssyncadd.s32 $0xFFFFF800;
	(pc) =	sbr.rel @p0 .LBB2_1-.Ltmp4, $4  }
0xcd: {  	[hbm:s21], [sflag:s0] =	dma.local [spmem:s17], $0x800  }
0xce: {  	_ =	swait.ge [sflag:s24], $0x800  }
0xcf: {  	[sflag:s24] =	ssyncset.done $0x0  }
0xd0: {  	[sflag:s24] =	ssyncadd.s32 $0xFFFFF800  }
0xd1: {  	_ =	sfence.sel $0x180000  }
0xd2: {  	[bflag:$0x0] =	sbarrier.arrive $0xFFFF  }
0xd3: {  	_ =	strace $0x90000047  }
0xd4: {  	s0 =	stileid.u32;
	[bflag:$0x2] =	sbarrier.arrive $0xFFFF  }
0xd5: {  	p0 =	sne.s32 s0, $0x0;
	s0 =	rddreg [dreg:$0x2]  }
0xd6: {  	s0 =	sadd.s32 @!p0 $0x100000, s0  }
0xd7: {  	[sflag:s0] =	ssyncadd.tile.s32 @!p0 $0x1;
	_ =	shalt  }
.Lfunc_end2:
_tile_overlayer_lowered:
.L_overlay_start_2:
0xd8: {  	(tag) =	ssettag $0x2  }
0xd9: {  	s0 =	rddreg [dreg:$0x0];
	s2 =	stileid.u32  }
0xda: {  	s1 =	rddreg [dreg:$0x1];
	p0 =	sne.s32 s2, $0x0  }
0xdb: {  	s3 =	rddreg [dreg:$0x2];
	[bflag:$0x3] =	sbarrier.arrive $0xFFFF;
	s2 =	simm.s32 @!p0 $0x1C02  }
0xdc: {  	[timem:s3], [sflag:s2] =	dma.local @!p0 [hbm:s0], s1  }
0xdd: {  	s0 =	simm.s32 @!p0 $0x2  }
0xde: {  	_ =	swait.ge @!p0 [sflag:s0], s1  }
0xdf: {  	s1 =	ssub.s32 @!p0 $0x0, s1;
	[sflag:s0] =	ssyncset.done @!p0 $0x0  }
0xe0: {  	[sflag:s0] =	ssyncadd.s32 @!p0 s1  }
0xe1: {  	[bflag:$0x3] =	sbarrier.arrive $0xFFFF  }
0xe2: {  	_ =	shalt  }

</sc_bundles>
